<compile_context>
chip_gen: v7x
topology: tpu7x:2x2x1
jax: 0.10.2.dev20260603
libtpu: 0.0.44.dev20260713+nightly
codegen_flags: <defaults>
</compile_context>

<pallas_src>
import functools

import jax
import jax.numpy as jnp
from jax import lax
from jax.experimental import pallas as pl
from jax.experimental.pallas import tpu as pltpu
from jax.experimental.pallas import tpu_sc as plsc

B = 8
L = 16384
IN = 64
OUT = 16
K = 4
FLAT = B * L
NNODE = L - 1
LEAF0 = (NNODE - 1) // 2

NC = 2
NS = 16
NW = NC * NS
RW = FLAT // NW
CH = 128
NCH = RW // CH
QN = L // RW


def _mm_body(x_ref, w_ref, b_ref, o_ref):
    o_ref[:] = (
        jnp.dot(x_ref[:], w_ref[:], preferred_element_type=jnp.float32)
        + b_ref[0:1, :]
    )


def _project(x_flat, w_cat, bvec):
    blk = 2048
    grid = FLAT // blk
    return pl.pallas_call(
        _mm_body,
        grid=(grid,),
        in_specs=[
            pl.BlockSpec((blk, IN), lambda i: (i, 0)),
            pl.BlockSpec((IN, K * OUT), lambda i: (0, 0)),
            pl.BlockSpec((8, K * OUT), lambda i: (0, 0)),
        ],
        out_specs=pl.BlockSpec((blk, K * OUT), lambda i: (i, 0)),
        out_shape=jax.ShapeDtypeStruct((FLAT, K * OUT), jnp.float32),
    )(x_flat, w_cat, bvec)


def _sc_body(z_hbm, out_hbm, sbuf_v, pbuf_v, cbuf_v, zl_v, z0_v, obuf_v,
             rsem0, rsem1, osem0, osem1):
    rsems = (rsem0, rsem1)
    osems = (osem0, osem1)
    wid = lax.axis_index("s") * NC + lax.axis_index("c")
    batch = wid // QN
    j0w = (wid % QN) * RW
    row0 = wid * RW
    fbase = batch * L

    pltpu.sync_copy(z_hbm.at[pl.ds(fbase + L - 1, 1), :], zl_v)
    pltpu.sync_copy(z_hbm.at[pl.ds(fbase, 1), :], z0_v)

    def reads(s, c):
        j0 = j0w + c * CH
        pb = fbase + jnp.maximum(j0 // 2 - 1, 0)
        cb = fbase + jnp.minimum(2 * j0 + 1, L - 256)
        return [
            pltpu.make_async_copy(
                z_hbm.at[pl.ds(fbase + j0, CH), :], sbuf_v.at[s], rsems[s]),
            pltpu.make_async_copy(
                z_hbm.at[pl.ds(pb, 66), :], pbuf_v.at[s], rsems[s]),
            pltpu.make_async_copy(
                z_hbm.at[pl.ds(cb, 256), :], cbuf_v.at[s], rsems[s]),
        ]

    def start(s, c):
        for cp in reads(s, c):
            cp.start()

    def finish(s, c):
        for cp in reads(s, c):
            cp.wait()

    def owrite(p, c):
        return pltpu.make_async_copy(
            obuf_v.at[p], out_hbm.at[pl.ds(row0 + c * CH, CH)], osems[p])

    def compute(s, p, c):
        j0 = j0w + c * CH

        def dense_rows(parent_of):
            def body(q, _):
                for u in range(4):
                    r = q * 4 + u
                    acc = sbuf_v[s, r, pl.ds(0, OUT)]
                    acc = acc + pbuf_v[s, parent_of(r), pl.ds(OUT, OUT)]
                    acc = acc + cbuf_v[s, 2 * r, pl.ds(2 * OUT, OUT)]
                    acc = acc + cbuf_v[s, 2 * r + 1, pl.ds(3 * OUT, OUT)]
                    obuf_v[p, r, :] = jnp.maximum(acc, 0.0)
                return 0
            lax.fori_loop(0, CH // 4, body, 0)

        def leaf_rows():
            cc = zl_v[0, pl.ds(2 * OUT, OUT)] + zl_v[0, pl.ds(3 * OUT, OUT)]

            def body(q, _):
                for u in range(4):
                    r = q * 4 + u
                    acc = sbuf_v[s, r, pl.ds(0, OUT)]
                    acc = acc + pbuf_v[s, (r + 1) // 2, pl.ds(OUT, OUT)]
                    obuf_v[p, r, :] = jnp.maximum(acc + cc, 0.0)
                return 0
            lax.fori_loop(0, CH // 4, body, 0)

        @pl.when(j0 == 0)
        def _():
            dense_rows(lambda r: jnp.maximum(r - 1, 0) // 2)
            a0 = (sbuf_v[s, 0, pl.ds(0, OUT)] + zl_v[0, pl.ds(OUT, OUT)]
                  + cbuf_v[s, 0, pl.ds(2 * OUT, OUT)]
                  + cbuf_v[s, 1, pl.ds(3 * OUT, OUT)])
            obuf_v[p, 0, :] = jnp.maximum(a0, 0.0)

        @pl.when((j0 > 0) & (j0 + CH <= LEAF0))
        def _():
            dense_rows(lambda r: (r + 1) // 2)

        @pl.when((j0 < LEAF0) & (j0 + CH > LEAF0))
        def _():
            pltpu.sync_copy(z_hbm.at[pl.ds(fbase + 2 * j0 + 1, 255), :],
                            cbuf_v.at[s, pl.ds(0, 255), :])
            dense_rows(lambda r: (r + 1) // 2)
            a1 = (sbuf_v[s, CH - 1, pl.ds(0, OUT)]
                  + pbuf_v[s, CH // 2, pl.ds(OUT, OUT)]
                  + zl_v[0, pl.ds(2 * OUT, OUT)]
                  + zl_v[0, pl.ds(3 * OUT, OUT)])
            obuf_v[p, CH - 1, :] = jnp.maximum(a1, 0.0)

        @pl.when(j0 >= LEAF0)
        def _():
            leaf_rows()

        @pl.when(j0 + CH == L)
        def _():
            az = (z0_v[0, pl.ds(0, OUT)] + z0_v[0, pl.ds(OUT, OUT)]
                  + z0_v[0, pl.ds(2 * OUT, OUT)]
                  + z0_v[0, pl.ds(3 * OUT, OUT)])
            obuf_v[p, CH - 1, :] = jnp.maximum(az, 0.0)

        @pl.when(c >= 2)
        def _():
            owrite(p, c - 2).wait()
        owrite(p, c).start()

    start(0, 0)

    def chunk_body(cc, _):
        c0 = cc * 2
        start(1, c0 + 1)
        finish(0, c0)
        compute(0, 0, c0)

        @pl.when(cc + 1 < NCH // 2)
        def _():
            start(0, c0 + 2)

        finish(1, c0 + 1)
        compute(1, 1, c0 + 1)
        return 0

    lax.fori_loop(0, NCH // 2, chunk_body, 0)
    owrite(0, NCH - 2).wait()
    owrite(1, NCH - 1).wait()


@functools.cache
def _sc_combine():
    return pl.kernel(
        _sc_body,
        out_type=jax.ShapeDtypeStruct((FLAT, OUT), jnp.float32),
        mesh=plsc.VectorSubcoreMesh(
            core_axis_name="c", subcore_axis_name="s", num_cores=NC,
            num_subcores=NS),
        scratch_types=[
            pltpu.VMEM((2, CH, K * OUT), jnp.float32),
            pltpu.VMEM((2, 66, K * OUT), jnp.float32),
            pltpu.VMEM((2, 256, K * OUT), jnp.float32),
            pltpu.VMEM((1, K * OUT), jnp.float32),
            pltpu.VMEM((1, K * OUT), jnp.float32),
            pltpu.VMEM((2, CH, OUT), jnp.float32),
            pltpu.SemaphoreType.DMA,
            pltpu.SemaphoreType.DMA,
            pltpu.SemaphoreType.DMA,
            pltpu.SemaphoreType.DMA,
        ],
        compiler_params=pltpu.CompilerParams(use_tc_tiling_on_sc=False),
    )


def kernel(x, mask, bias, index_tensor):
    del index_tensor
    x_flat = x.reshape(FLAT, IN)
    w_cat = jnp.transpose(mask, (1, 0, 2)).reshape(IN, K * OUT)
    brow = jnp.concatenate(
        [jnp.full((OUT,), bias[-1], jnp.float32),
         jnp.zeros((K * OUT - OUT,), jnp.float32)])
    bvec = jnp.broadcast_to(brow, (8, K * OUT))

    z = _project(x_flat, w_cat, bvec)
    out = _sc_combine()(z)
    return out.reshape(B, L, OUT)

# --- scband reference (transcript-rebuilt; emitter-appended) ---
"""Pipeline reference for scband-tree-cnn-layer-29214367547544 (READ-ONLY COPY).

The authoritative reference and input builder live on the scoring server;
editing this copy changes nothing except your own understanding.
"""

import jax, jax.numpy as jnp
import numpy as np

SPREAD = 2
DEPTH = 14
IN_SIZE = 64
OUT_SIZE = 16
BATCH = 8


def _build_index_tensor(spread, depth):
    # Full spread-ary tree with `depth` levels, BFS (level-order) node numbering.
    # Row j = [self, parent, child_1..child_spread]; missing parent/children map to
    # the padding index n_nodes (the 'None' slot, whose own row stays all-zeros,
    # matching the torch construction where traverse_bfs never fills it).
    n_nodes = (spread ** depth - 1) // (spread - 1)
    none_idx = n_nodes
    tbl = np.zeros((n_nodes + 1, spread + 2), dtype=np.int64)
    for j in range(n_nodes):
        parent = (j - 1) // spread if j > 0 else none_idx
        first_child = spread * j + 1
        if first_child < n_nodes:
            childs = [first_child + c for c in range(spread)]
        else:
            childs = [none_idx] * spread
        tbl[j] = [j, parent] + childs
    return tbl


def setup_inputs(seed: int = 0) -> dict:
    key = jax.random.key(seed)
    k1, k2 = jax.random.split(key)
    n_nodes = (SPREAD ** DEPTH - 1) // (SPREAD - 1)
    L = n_nodes + 1  # 16384
    x = jax.random.normal(k1, (BATCH, L, IN_SIZE), dtype=jnp.float32)
    # nn.init.uniform_(mask, -0.5, 0.5)
    mask = jax.random.uniform(k2, (SPREAD + 2, IN_SIZE, OUT_SIZE), minval=-0.5, maxval=0.5, dtype=jnp.float32)
    bias = jnp.zeros((OUT_SIZE,), dtype=jnp.float32)
    index_tensor = jnp.asarray(_build_index_tensor(SPREAD, DEPTH))
    return {"x": x, "mask": mask, "bias": bias, "index_tensor": index_tensor}


def reference(x, mask, bias, index_tensor):
    # torch: expand x to [b,l,l,i] and gather along dim 2 with index_tensor ->
    # equivalent to a direct neighborhood gather along the node axis.
    gathered = jnp.take(x, index_tensor, axis=1)          # [b, L, spread+2, i]
    b = x.shape[0]
    l = x.shape[1]
    flat = gathered.reshape(b, l, -1)                      # [b, L, (spread+2)*i]
    w = mask.reshape(-1, mask.shape[-1])                   # [(spread+2)*i, out]
    # torch adds bias[None, None, -1].expand(b, l, -1) -> scalar bias[-1] broadcast
    y = jnp.matmul(flat, w) + bias[-1]
    return jax.nn.relu(y)

if __name__ == "__main__":
    import jax
    _d = setup_inputs()
    print(jax.jit(kernel)(*tuple(_d.values())))

</pallas_src>

<mosaic_0001>
#map = affine_map<(d0, d1) -> (0, 0)>
module attributes {stable_mosaic.version = 14 : i64} {
  func.func @_sc_body(%arg0: i32, %arg1: i32, %arg2: memref<131072x64xf32, #tpu.memory_space<hbm>>, %arg3: memref<131072x16xf32, #tpu.memory_space<hbm>>, %arg4: memref<2x128x64xf32, #tpu.memory_space<vmem>>, %arg5: memref<2x66x64xf32, #tpu.memory_space<vmem>>, %arg6: memref<2x256x64xf32, #tpu.memory_space<vmem>>, %arg7: memref<1x64xf32, #tpu.memory_space<vmem>>, %arg8: memref<1x64xf32, #tpu.memory_space<vmem>>, %arg9: memref<2x128x16xf32, #tpu.memory_space<vmem>>, %arg10: memref<!tpu.dma_semaphore, #tpu.memory_space<semaphore_mem>>, %arg11: memref<!tpu.dma_semaphore, #tpu.memory_space<semaphore_mem>>, %arg12: memref<!tpu.dma_semaphore, #tpu.memory_space<semaphore_mem>>, %arg13: memref<!tpu.dma_semaphore, #tpu.memory_space<semaphore_mem>>) attributes {dimension_semantics = [#tpu.dimension_semantics<core_parallel>, #tpu.dimension_semantics<subcore_parallel>], iteration_bounds = array<i64: 2, 16>, scalar_prefetch = 0 : i64, scratch_operands = 10 : i64, tpu.core_type = #tpu.core_type<sc_vector_subcore>, window_params = [{transform_indices = #map}, {transform_indices = #map}]} {
    %mul3A = arith.constant 2 : i32
    %mul3A_0 = arith.muli %arg1, %mul3A : i32
    %add3A = arith.addi %mul3A_0, %arg0 : i32
    %jit3A = arith.constant 4 : i32
    %div3A = arith.divsi %add3A, %jit3A : i32
    %sign3A = arith.constant 0 : i32
    %sign3A_1 = arith.cmpi sgt, %add3A, %sign3A : i32
    %sign3A_2 = arith.extui %sign3A_1 : i1 to i32
    %sign3A_3 = arith.constant 0 : i32
    %sign3A_4 = arith.cmpi slt, %add3A, %sign3A_3 : i32
    %sign3A_5 = arith.extui %sign3A_4 : i1 to i32
    %sign3A_6 = arith.subi %sign3A_2, %sign3A_5 : i32
    %sign3A_7 = arith.constant 0 : i32
    %sign3A_8 = arith.cmpi sgt, %jit3A, %sign3A_7 : i32
    %sign3A_9 = arith.extui %sign3A_8 : i1 to i32
    %sign3A_10 = arith.constant 0 : i32
    %sign3A_11 = arith.cmpi slt, %jit3A, %sign3A_10 : i32
    %sign3A_12 = arith.extui %sign3A_11 : i1 to i32
    %sign3A_13 = arith.subi %sign3A_9, %sign3A_12 : i32
    %ne3A = arith.cmpi ne, %sign3A_6, %sign3A_13 : i32
    %rem3A = arith.remsi %add3A, %jit3A : i32
    %ne3A_14 = arith.constant 0 : i32
    %ne3A_15 = arith.cmpi ne, %rem3A, %ne3A_14 : i32
    %and3A = arith.andi %ne3A, %ne3A_15 : i1
    %sub3A = arith.constant 1 : i32
    %sub3A_16 = arith.subi %div3A, %sub3A : i32
    %select_n3A = arith.select %and3A, %sub3A_16, %div3A : i32
    %jit3A_17 = arith.constant 4 : i32
    %eq3A = arith.constant 0 : i32
    %eq3A_18 = arith.cmpi eq, %jit3A_17, %eq3A : i32
    %jit3A_19 = arith.constant 1 : i32
    %select_n3A_20 = arith.select %eq3A_18, %jit3A_19, %jit3A_17 : i32
    %rem3A_21 = arith.remsi %add3A, %select_n3A_20 : i32
    %ne3A_22 = arith.constant 0 : i32
    %ne3A_23 = arith.cmpi ne, %rem3A_21, %ne3A_22 : i32
    %lt3A = arith.constant 0 : i32
    %lt3A_24 = arith.cmpi slt, %rem3A_21, %lt3A : i32
    %lt3A_25 = arith.constant 0 : i32
    %lt3A_26 = arith.cmpi slt, %select_n3A_20, %lt3A_25 : i32
    %ne3A_27 = arith.xori %lt3A_24, %lt3A_26 : i1
    %and3A_28 = arith.andi %ne3A_27, %ne3A_23 : i1
    %add3A_29 = arith.addi %rem3A_21, %select_n3A_20 : i32
    %select_n3A_30 = arith.select %and3A_28, %add3A_29, %rem3A_21 : i32
    %mul3A_31 = arith.constant 4096 : i32
    %mul3A_32 = arith.muli %select_n3A_30, %mul3A_31 : i32
    %mul3A_33 = arith.constant 4096 : i32
    %mul3A_34 = arith.muli %add3A, %mul3A_33 : i32
    %mul3A_35 = arith.constant 16384 : i32
    %mul3A_36 = arith.muli %select_n3A, %mul3A_35 : i32
    %add3A_37 = arith.constant 16384 : i32
    %add3A_38 = arith.addi %mul3A_36, %add3A_37 : i32
    %sub3A_39 = arith.constant 1 : i32
    %sub3A_40 = arith.subi %add3A_38, %sub3A_39 : i32
    "tpu.region"() ({
      %run_scoped3A = tpu.sem_alloc : memref<!tpu.dma_semaphore, #tpu.memory_space<semaphore_mem>>
      %dma_start3A_151 = arith.constant 0 : i32
      %dma_start3A_152 = tpu.memref_slice %arg2[%sub3A_40, %dma_start3A_151] : memref<131072x64xf32, #tpu.memory_space<hbm>> -> memref<1x64xf32, #tpu.memory_space<hbm>>
      %dma_start3A_153 = arith.constant 0 : i32
      %dma_start3A_154 = tpu.memref_slice %arg2[%sub3A_40, %dma_start3A_153] : memref<131072x64xf32, #tpu.memory_space<hbm>> -> memref<1x64xf32, #tpu.memory_space<hbm>>
      tpu.enqueue_dma source(%dma_start3A_154 : memref<1x64xf32, #tpu.memory_space<hbm>>) target(%arg7 : memref<1x64xf32, #tpu.memory_space<vmem>>) target_semaphore(%run_scoped3A : memref<!tpu.dma_semaphore, #tpu.memory_space<semaphore_mem>>)
      %dma_wait3A_155 = arith.constant 0 : i32
      %dma_wait3A_156 = tpu.memref_slice %arg2[%sub3A_40, %dma_wait3A_155] : memref<131072x64xf32, #tpu.memory_space<hbm>> -> memref<1x64xf32, #tpu.memory_space<hbm>>
      %dma_wait3A_157 = arith.constant 0 : i32
      %dma_wait3A_158 = tpu.memref_slice %arg2[%sub3A_40, %dma_wait3A_157] : memref<131072x64xf32, #tpu.memory_space<hbm>> -> memref<1x64xf32, #tpu.memory_space<hbm>>
      tpu.wait_dma2 semaphore(%run_scoped3A : memref<!tpu.dma_semaphore, #tpu.memory_space<semaphore_mem>>) src(%dma_wait3A_158 : memref<1x64xf32, #tpu.memory_space<hbm>>) dst(%arg7 : memref<1x64xf32, #tpu.memory_space<vmem>>)
      tpu.yield
    }) : () -> ()
    "tpu.region"() ({
      %run_scoped3A = tpu.sem_alloc : memref<!tpu.dma_semaphore, #tpu.memory_space<semaphore_mem>>
      %dma_start3A_151 = arith.constant 0 : i32
      %dma_start3A_152 = tpu.memref_slice %arg2[%mul3A_36, %dma_start3A_151] : memref<131072x64xf32, #tpu.memory_space<hbm>> -> memref<1x64xf32, #tpu.memory_space<hbm>>
      %dma_start3A_153 = arith.constant 0 : i32
      %dma_start3A_154 = tpu.memref_slice %arg2[%mul3A_36, %dma_start3A_153] : memref<131072x64xf32, #tpu.memory_space<hbm>> -> memref<1x64xf32, #tpu.memory_space<hbm>>
      tpu.enqueue_dma source(%dma_start3A_154 : memref<1x64xf32, #tpu.memory_space<hbm>>) target(%arg8 : memref<1x64xf32, #tpu.memory_space<vmem>>) target_semaphore(%run_scoped3A : memref<!tpu.dma_semaphore, #tpu.memory_space<semaphore_mem>>)
      %dma_wait3A_155 = arith.constant 0 : i32
      %dma_wait3A_156 = tpu.memref_slice %arg2[%mul3A_36, %dma_wait3A_155] : memref<131072x64xf32, #tpu.memory_space<hbm>> -> memref<1x64xf32, #tpu.memory_space<hbm>>
      %dma_wait3A_157 = arith.constant 0 : i32
      %dma_wait3A_158 = tpu.memref_slice %arg2[%mul3A_36, %dma_wait3A_157] : memref<131072x64xf32, #tpu.memory_space<hbm>> -> memref<1x64xf32, #tpu.memory_space<hbm>>
      tpu.wait_dma2 semaphore(%run_scoped3A : memref<!tpu.dma_semaphore, #tpu.memory_space<semaphore_mem>>) src(%dma_wait3A_158 : memref<1x64xf32, #tpu.memory_space<hbm>>) dst(%arg8 : memref<1x64xf32, #tpu.memory_space<vmem>>)
      tpu.yield
    }) : () -> ()
    %add3A_41 = arith.constant 0 : i32
    %add3A_42 = arith.addi %mul3A_32, %add3A_41 : i32
    %jit3A_43 = arith.constant 2 : i32
    %div3A_44 = arith.divsi %add3A_42, %jit3A_43 : i32
    %sign3A_45 = arith.constant 0 : i32
    %sign3A_46 = arith.cmpi sgt, %add3A_42, %sign3A_45 : i32
    %sign3A_47 = arith.extui %sign3A_46 : i1 to i32
    %sign3A_48 = arith.constant 0 : i32
    %sign3A_49 = arith.cmpi slt, %add3A_42, %sign3A_48 : i32
    %sign3A_50 = arith.extui %sign3A_49 : i1 to i32
    %sign3A_51 = arith.subi %sign3A_47, %sign3A_50 : i32
    %sign3A_52 = arith.constant 0 : i32
    %sign3A_53 = arith.cmpi sgt, %jit3A_43, %sign3A_52 : i32
    %sign3A_54 = arith.extui %sign3A_53 : i1 to i32
    %sign3A_55 = arith.constant 0 : i32
    %sign3A_56 = arith.cmpi slt, %jit3A_43, %sign3A_55 : i32
    %sign3A_57 = arith.extui %sign3A_56 : i1 to i32
    %sign3A_58 = arith.subi %sign3A_54, %sign3A_57 : i32
    %ne3A_59 = arith.cmpi ne, %sign3A_51, %sign3A_58 : i32
    %rem3A_60 = arith.remsi %add3A_42, %jit3A_43 : i32
    %ne3A_61 = arith.constant 0 : i32
    %ne3A_62 = arith.cmpi ne, %rem3A_60, %ne3A_61 : i32
    %and3A_63 = arith.andi %ne3A_59, %ne3A_62 : i1
    %sub3A_64 = arith.constant 1 : i32
    %sub3A_65 = arith.subi %div3A_44, %sub3A_64 : i32
    %select_n3A_66 = arith.select %and3A_63, %sub3A_65, %div3A_44 : i32
    %sub3A_67 = arith.constant 1 : i32
    %sub3A_68 = arith.subi %select_n3A_66, %sub3A_67 : i32
    %max3A = arith.constant 0 : i32
    %max3A_69 = arith.maxsi %sub3A_68, %max3A : i32
    %add3A_70 = arith.addi %mul3A_36, %max3A_69 : i32
    %mul3A_71 = arith.constant 2 : i32
    %mul3A_72 = arith.muli %mul3A_71, %add3A_42 : i32
    %add3A_73 = arith.constant 1 : i32
    %add3A_74 = arith.addi %mul3A_72, %add3A_73 : i32
    %min3A = arith.constant 16128 : i32
    %min3A_75 = arith.minsi %add3A_74, %min3A : i32
    %add3A_76 = arith.addi %mul3A_36, %min3A_75 : i32
    %add3A_77 = arith.addi %mul3A_36, %add3A_42 : i32
    %dma_start3A = arith.constant 0 : i32
    %dma_start3A_78 = arith.constant 0 : i32
    %dma_start3A_79 = arith.constant 0 : i32
    %dma_start3A_80 = tpu.memref_slice %arg4[%dma_start3A, %dma_start3A_78, %dma_start3A_79] : memref<2x128x64xf32, #tpu.memory_space<vmem>> -> memref<1x128x64xf32, #tpu.memory_space<vmem>>
    %dma_start3A_81 = tpu.memref_squeeze %dma_start3A_80 : memref<1x128x64xf32, #tpu.memory_space<vmem>> -> memref<128x64xf32, #tpu.memory_space<vmem>>
    %dma_start3A_82 = arith.constant 0 : i32
    %dma_start3A_83 = tpu.memref_slice %arg2[%add3A_77, %dma_start3A_82] : memref<131072x64xf32, #tpu.memory_space<hbm>> -> memref<128x64xf32, #tpu.memory_space<hbm>>
    %dma_start3A_84 = arith.constant 0 : i32
    %dma_start3A_85 = arith.constant 0 : i32
    %dma_start3A_86 = tpu.memref_slice %arg4[%dma_start3A, %dma_start3A_84, %dma_start3A_85] : memref<2x128x64xf32, #tpu.memory_space<vmem>> -> memref<1x128x64xf32, #tpu.memory_space<vmem>>
    %dma_start3A_87 = tpu.memref_squeeze %dma_start3A_86 : memref<1x128x64xf32, #tpu.memory_space<vmem>> -> memref<128x64xf32, #tpu.memory_space<vmem>>
    %dma_start3A_88 = arith.constant 0 : i32
    %dma_start3A_89 = tpu.memref_slice %arg2[%add3A_77, %dma_start3A_88] : memref<131072x64xf32, #tpu.memory_space<hbm>> -> memref<128x64xf32, #tpu.memory_space<hbm>>
    tpu.enqueue_dma source(%dma_start3A_89 : memref<128x64xf32, #tpu.memory_space<hbm>>) target(%dma_start3A_87 : memref<128x64xf32, #tpu.memory_space<vmem>>) target_semaphore(%arg10 : memref<!tpu.dma_semaphore, #tpu.memory_space<semaphore_mem>>)
    %dma_start3A_90 = arith.constant 0 : i32
    %dma_start3A_91 = arith.constant 0 : i32
    %dma_start3A_92 = arith.constant 0 : i32
    %dma_start3A_93 = tpu.memref_slice %arg5[%dma_start3A_90, %dma_start3A_91, %dma_start3A_92] : memref<2x66x64xf32, #tpu.memory_space<vmem>> -> memref<1x66x64xf32, #tpu.memory_space<vmem>>
    %dma_start3A_94 = tpu.memref_squeeze %dma_start3A_93 : memref<1x66x64xf32, #tpu.memory_space<vmem>> -> memref<66x64xf32, #tpu.memory_space<vmem>>
    %dma_start3A_95 = arith.constant 0 : i32
    %dma_start3A_96 = tpu.memref_slice %arg2[%add3A_70, %dma_start3A_95] : memref<131072x64xf32, #tpu.memory_space<hbm>> -> memref<66x64xf32, #tpu.memory_space<hbm>>
    %dma_start3A_97 = arith.constant 0 : i32
    %dma_start3A_98 = arith.constant 0 : i32
    %dma_start3A_99 = tpu.memref_slice %arg5[%dma_start3A_90, %dma_start3A_97, %dma_start3A_98] : memref<2x66x64xf32, #tpu.memory_space<vmem>> -> memref<1x66x64xf32, #tpu.memory_space<vmem>>
    %dma_start3A_100 = tpu.memref_squeeze %dma_start3A_99 : memref<1x66x64xf32, #tpu.memory_space<vmem>> -> memref<66x64xf32, #tpu.memory_space<vmem>>
    %dma_start3A_101 = arith.constant 0 : i32
    %dma_start3A_102 = tpu.memref_slice %arg2[%add3A_70, %dma_start3A_101] : memref<131072x64xf32, #tpu.memory_space<hbm>> -> memref<66x64xf32, #tpu.memory_space<hbm>>
    tpu.enqueue_dma source(%dma_start3A_102 : memref<66x64xf32, #tpu.memory_space<hbm>>) target(%dma_start3A_100 : memref<66x64xf32, #tpu.memory_space<vmem>>) target_semaphore(%arg10 : memref<!tpu.dma_semaphore, #tpu.memory_space<semaphore_mem>>)
    %dma_start3A_103 = arith.constant 0 : i32
    %dma_start3A_104 = arith.constant 0 : i32
    %dma_start3A_105 = arith.constant 0 : i32
    %dma_start3A_106 = tpu.memref_slice %arg6[%dma_start3A_103, %dma_start3A_104, %dma_start3A_105] : memref<2x256x64xf32, #tpu.memory_space<vmem>> -> memref<1x256x64xf32, #tpu.memory_space<vmem>>
    %dma_start3A_107 = tpu.memref_squeeze %dma_start3A_106 : memref<1x256x64xf32, #tpu.memory_space<vmem>> -> memref<256x64xf32, #tpu.memory_space<vmem>>
    %dma_start3A_108 = arith.constant 0 : i32
    %dma_start3A_109 = tpu.memref_slice %arg2[%add3A_76, %dma_start3A_108] : memref<131072x64xf32, #tpu.memory_space<hbm>> -> memref<256x64xf32, #tpu.memory_space<hbm>>
    %dma_start3A_110 = arith.constant 0 : i32
    %dma_start3A_111 = arith.constant 0 : i32
    %dma_start3A_112 = tpu.memref_slice %arg6[%dma_start3A_103, %dma_start3A_110, %dma_start3A_111] : memref<2x256x64xf32, #tpu.memory_space<vmem>> -> memref<1x256x64xf32, #tpu.memory_space<vmem>>
    %dma_start3A_113 = tpu.memref_squeeze %dma_start3A_112 : memref<1x256x64xf32, #tpu.memory_space<vmem>> -> memref<256x64xf32, #tpu.memory_space<vmem>>
    %dma_start3A_114 = arith.constant 0 : i32
    %dma_start3A_115 = tpu.memref_slice %arg2[%add3A_76, %dma_start3A_114] : memref<131072x64xf32, #tpu.memory_space<hbm>> -> memref<256x64xf32, #tpu.memory_space<hbm>>
    tpu.enqueue_dma source(%dma_start3A_115 : memref<256x64xf32, #tpu.memory_space<hbm>>) target(%dma_start3A_113 : memref<256x64xf32, #tpu.memory_space<vmem>>) target_semaphore(%arg10 : memref<!tpu.dma_semaphore, #tpu.memory_space<semaphore_mem>>)
    %scan3A = arith.constant 0 : i32
    %scan3A_116 = arith.constant 0 : i32
    %scan3A_117 = arith.constant 16 : i32
    %scan3A_118 = arith.addi %scan3A_116, %scan3A_117 : i32
    %scan3A_119 = arith.constant 1 : i32
    %scan3A_120 = scf.for %scan3A_151 = %scan3A_116 to %scan3A_118 step %scan3A_119 iter_args(%scan3A_152 = %scan3A) -> (i32)  : i32 {
      %mul3A_153 = arith.constant 2 : i32
      %mul3A_154 = arith.muli %scan3A_151, %mul3A_153 : i32
      %add3A_155 = arith.constant 1 : i32
      %add3A_156 = arith.addi %mul3A_154, %add3A_155 : i32
      %mul3A_157 = arith.constant 128 : i32
      %mul3A_158 = arith.muli %add3A_156, %mul3A_157 : i32
      %add3A_159 = arith.addi %mul3A_32, %mul3A_158 : i32
      %jit3A_160 = arith.constant 2 : i32
      %div3A_161 = arith.divsi %add3A_159, %jit3A_160 : i32
      %sign3A_162 = arith.constant 0 : i32
      %sign3A_163 = arith.cmpi sgt, %add3A_159, %sign3A_162 : i32
      %sign3A_164 = arith.extui %sign3A_163 : i1 to i32
      %sign3A_165 = arith.constant 0 : i32
      %sign3A_166 = arith.cmpi slt, %add3A_159, %sign3A_165 : i32
      %sign3A_167 = arith.extui %sign3A_166 : i1 to i32
      %sign3A_168 = arith.subi %sign3A_164, %sign3A_167 : i32
      %sign3A_169 = arith.constant 0 : i32
      %sign3A_170 = arith.cmpi sgt, %jit3A_160, %sign3A_169 : i32
      %sign3A_171 = arith.extui %sign3A_170 : i1 to i32
      %sign3A_172 = arith.constant 0 : i32
      %sign3A_173 = arith.cmpi slt, %jit3A_160, %sign3A_172 : i32
      %sign3A_174 = arith.extui %sign3A_173 : i1 to i32
      %sign3A_175 = arith.subi %sign3A_171, %sign3A_174 : i32
      %ne3A_176 = arith.cmpi ne, %sign3A_168, %sign3A_175 : i32
      %rem3A_177 = arith.remsi %add3A_159, %jit3A_160 : i32
      %ne3A_178 = arith.constant 0 : i32
      %ne3A_179 = arith.cmpi ne, %rem3A_177, %ne3A_178 : i32
      %and3A_180 = arith.andi %ne3A_176, %ne3A_179 : i1
      %sub3A_181 = arith.constant 1 : i32
      %sub3A_182 = arith.subi %div3A_161, %sub3A_181 : i32
      %select_n3A_183 = arith.select %and3A_180, %sub3A_182, %div3A_161 : i32
      %sub3A_184 = arith.constant 1 : i32
      %sub3A_185 = arith.subi %select_n3A_183, %sub3A_184 : i32
      %max3A_186 = arith.constant 0 : i32
      %max3A_187 = arith.maxsi %sub3A_185, %max3A_186 : i32
      %add3A_188 = arith.addi %mul3A_36, %max3A_187 : i32
      %mul3A_189 = arith.constant 2 : i32
      %mul3A_190 = arith.muli %mul3A_189, %add3A_159 : i32
      %add3A_191 = arith.constant 1 : i32
      %add3A_192 = arith.addi %mul3A_190, %add3A_191 : i32
      %min3A_193 = arith.constant 16128 : i32
      %min3A_194 = arith.minsi %add3A_192, %min3A_193 : i32
      %add3A_195 = arith.addi %mul3A_36, %min3A_194 : i32
      %add3A_196 = arith.addi %mul3A_36, %add3A_159 : i32
      %dma_start3A_197 = arith.constant 1 : i32
      %dma_start3A_198 = arith.constant 0 : i32
      %dma_start3A_199 = arith.constant 0 : i32
      %dma_start3A_200 = tpu.memref_slice %arg4[%dma_start3A_197, %dma_start3A_198, %dma_start3A_199] : memref<2x128x64xf32, #tpu.memory_space<vmem>> -> memref<1x128x64xf32, #tpu.memory_space<vmem>>
      %dma_start3A_201 = tpu.memref_squeeze %dma_start3A_200 : memref<1x128x64xf32, #tpu.memory_space<vmem>> -> memref<128x64xf32, #tpu.memory_space<vmem>>
      %dma_start3A_202 = arith.constant 0 : i32
      %dma_start3A_203 = tpu.memref_slice %arg2[%add3A_196, %dma_start3A_202] : memref<131072x64xf32, #tpu.memory_space<hbm>> -> memref<128x64xf32, #tpu.memory_space<hbm>>
      %dma_start3A_204 = arith.constant 0 : i32
      %dma_start3A_205 = arith.constant 0 : i32
      %dma_start3A_206 = tpu.memref_slice %arg4[%dma_start3A_197, %dma_start3A_204, %dma_start3A_205] : memref<2x128x64xf32, #tpu.memory_space<vmem>> -> memref<1x128x64xf32, #tpu.memory_space<vmem>>
      %dma_start3A_207 = tpu.memref_squeeze %dma_start3A_206 : memref<1x128x64xf32, #tpu.memory_space<vmem>> -> memref<128x64xf32, #tpu.memory_space<vmem>>
      %dma_start3A_208 = arith.constant 0 : i32
      %dma_start3A_209 = tpu.memref_slice %arg2[%add3A_196, %dma_start3A_208] : memref<131072x64xf32, #tpu.memory_space<hbm>> -> memref<128x64xf32, #tpu.memory_space<hbm>>
      tpu.enqueue_dma source(%dma_start3A_209 : memref<128x64xf32, #tpu.memory_space<hbm>>) target(%dma_start3A_207 : memref<128x64xf32, #tpu.memory_space<vmem>>) target_semaphore(%arg11 : memref<!tpu.dma_semaphore, #tpu.memory_space<semaphore_mem>>)
      %dma_start3A_210 = arith.constant 1 : i32
      %dma_start3A_211 = arith.constant 0 : i32
      %dma_start3A_212 = arith.constant 0 : i32
      %dma_start3A_213 = tpu.memref_slice %arg5[%dma_start3A_210, %dma_start3A_211, %dma_start3A_212] : memref<2x66x64xf32, #tpu.memory_space<vmem>> -> memref<1x66x64xf32, #tpu.memory_space<vmem>>
      %dma_start3A_214 = tpu.memref_squeeze %dma_start3A_213 : memref<1x66x64xf32, #tpu.memory_space<vmem>> -> memref<66x64xf32, #tpu.memory_space<vmem>>
      %dma_start3A_215 = arith.constant 0 : i32
      %dma_start3A_216 = tpu.memref_slice %arg2[%add3A_188, %dma_start3A_215] : memref<131072x64xf32, #tpu.memory_space<hbm>> -> memref<66x64xf32, #tpu.memory_space<hbm>>
      %dma_start3A_217 = arith.constant 0 : i32
      %dma_start3A_218 = arith.constant 0 : i32
      %dma_start3A_219 = tpu.memref_slice %arg5[%dma_start3A_210, %dma_start3A_217, %dma_start3A_218] : memref<2x66x64xf32, #tpu.memory_space<vmem>> -> memref<1x66x64xf32, #tpu.memory_space<vmem>>
      %dma_start3A_220 = tpu.memref_squeeze %dma_start3A_219 : memref<1x66x64xf32, #tpu.memory_space<vmem>> -> memref<66x64xf32, #tpu.memory_space<vmem>>
      %dma_start3A_221 = arith.constant 0 : i32
      %dma_start3A_222 = tpu.memref_slice %arg2[%add3A_188, %dma_start3A_221] : memref<131072x64xf32, #tpu.memory_space<hbm>> -> memref<66x64xf32, #tpu.memory_space<hbm>>
      tpu.enqueue_dma source(%dma_start3A_222 : memref<66x64xf32, #tpu.memory_space<hbm>>) target(%dma_start3A_220 : memref<66x64xf32, #tpu.memory_space<vmem>>) target_semaphore(%arg11 : memref<!tpu.dma_semaphore, #tpu.memory_space<semaphore_mem>>)
      %dma_start3A_223 = arith.constant 1 : i32
      %dma_start3A_224 = arith.constant 0 : i32
      %dma_start3A_225 = arith.constant 0 : i32
      %dma_start3A_226 = tpu.memref_slice %arg6[%dma_start3A_223, %dma_start3A_224, %dma_start3A_225] : memref<2x256x64xf32, #tpu.memory_space<vmem>> -> memref<1x256x64xf32, #tpu.memory_space<vmem>>
      %dma_start3A_227 = tpu.memref_squeeze %dma_start3A_226 : memref<1x256x64xf32, #tpu.memory_space<vmem>> -> memref<256x64xf32, #tpu.memory_space<vmem>>
      %dma_start3A_228 = arith.constant 0 : i32
      %dma_start3A_229 = tpu.memref_slice %arg2[%add3A_195, %dma_start3A_228] : memref<131072x64xf32, #tpu.memory_space<hbm>> -> memref<256x64xf32, #tpu.memory_space<hbm>>
      %dma_start3A_230 = arith.constant 0 : i32
      %dma_start3A_231 = arith.constant 0 : i32
      %dma_start3A_232 = tpu.memref_slice %arg6[%dma_start3A_223, %dma_start3A_230, %dma_start3A_231] : memref<2x256x64xf32, #tpu.memory_space<vmem>> -> memref<1x256x64xf32, #tpu.memory_space<vmem>>
      %dma_start3A_233 = tpu.memref_squeeze %dma_start3A_232 : memref<1x256x64xf32, #tpu.memory_space<vmem>> -> memref<256x64xf32, #tpu.memory_space<vmem>>
      %dma_start3A_234 = arith.constant 0 : i32
      %dma_start3A_235 = tpu.memref_slice %arg2[%add3A_195, %dma_start3A_234] : memref<131072x64xf32, #tpu.memory_space<hbm>> -> memref<256x64xf32, #tpu.memory_space<hbm>>
      tpu.enqueue_dma source(%dma_start3A_235 : memref<256x64xf32, #tpu.memory_space<hbm>>) target(%dma_start3A_233 : memref<256x64xf32, #tpu.memory_space<vmem>>) target_semaphore(%arg11 : memref<!tpu.dma_semaphore, #tpu.memory_space<semaphore_mem>>)
      %mul3A_236 = arith.constant 128 : i32
      %mul3A_237 = arith.muli %mul3A_154, %mul3A_236 : i32
      %add3A_238 = arith.addi %mul3A_32, %mul3A_237 : i32
      %jit3A_239 = arith.constant 2 : i32
      %div3A_240 = arith.divsi %add3A_238, %jit3A_239 : i32
      %sign3A_241 = arith.constant 0 : i32
      %sign3A_242 = arith.cmpi sgt, %add3A_238, %sign3A_241 : i32
      %sign3A_243 = arith.extui %sign3A_242 : i1 to i32
      %sign3A_244 = arith.constant 0 : i32
      %sign3A_245 = arith.cmpi slt, %add3A_238, %sign3A_244 : i32
      %sign3A_246 = arith.extui %sign3A_245 : i1 to i32
      %sign3A_247 = arith.subi %sign3A_243, %sign3A_246 : i32
      %sign3A_248 = arith.constant 0 : i32
      %sign3A_249 = arith.cmpi sgt, %jit3A_239, %sign3A_248 : i32
      %sign3A_250 = arith.extui %sign3A_249 : i1 to i32
      %sign3A_251 = arith.constant 0 : i32
      %sign3A_252 = arith.cmpi slt, %jit3A_239, %sign3A_251 : i32
      %sign3A_253 = arith.extui %sign3A_252 : i1 to i32
      %sign3A_254 = arith.subi %sign3A_250, %sign3A_253 : i32
      %ne3A_255 = arith.cmpi ne, %sign3A_247, %sign3A_254 : i32
      %rem3A_256 = arith.remsi %add3A_238, %jit3A_239 : i32
      %ne3A_257 = arith.constant 0 : i32
      %ne3A_258 = arith.cmpi ne, %rem3A_256, %ne3A_257 : i32
      %and3A_259 = arith.andi %ne3A_255, %ne3A_258 : i1
      %sub3A_260 = arith.constant 1 : i32
      %sub3A_261 = arith.subi %div3A_240, %sub3A_260 : i32
      %select_n3A_262 = arith.select %and3A_259, %sub3A_261, %div3A_240 : i32
      %sub3A_263 = arith.constant 1 : i32
      %sub3A_264 = arith.subi %select_n3A_262, %sub3A_263 : i32
      %max3A_265 = arith.constant 0 : i32
      %max3A_266 = arith.maxsi %sub3A_264, %max3A_265 : i32
      %add3A_267 = arith.addi %mul3A_36, %max3A_266 : i32
      %mul3A_268 = arith.constant 2 : i32
      %mul3A_269 = arith.muli %mul3A_268, %add3A_238 : i32
      %add3A_270 = arith.constant 1 : i32
      %add3A_271 = arith.addi %mul3A_269, %add3A_270 : i32
      %min3A_272 = arith.constant 16128 : i32
      %min3A_273 = arith.minsi %add3A_271, %min3A_272 : i32
      %add3A_274 = arith.addi %mul3A_36, %min3A_273 : i32
      %add3A_275 = arith.addi %mul3A_36, %add3A_238 : i32
      %dma_wait3A_276 = arith.constant 0 : i32
      %dma_wait3A_277 = arith.constant 0 : i32
      %dma_wait3A_278 = arith.constant 0 : i32
      %dma_wait3A_279 = tpu.memref_slice %arg4[%dma_wait3A_276, %dma_wait3A_277, %dma_wait3A_278] : memref<2x128x64xf32, #tpu.memory_space<vmem>> -> memref<1x128x64xf32, #tpu.memory_space<vmem>>
      %dma_wait3A_280 = tpu.memref_squeeze %dma_wait3A_279 : memref<1x128x64xf32, #tpu.memory_space<vmem>> -> memref<128x64xf32, #tpu.memory_space<vmem>>
      %dma_wait3A_281 = arith.constant 0 : i32
      %dma_wait3A_282 = tpu.memref_slice %arg2[%add3A_275, %dma_wait3A_281] : memref<131072x64xf32, #tpu.memory_space<hbm>> -> memref<128x64xf32, #tpu.memory_space<hbm>>
      %dma_wait3A_283 = arith.constant 0 : i32
      %dma_wait3A_284 = arith.constant 0 : i32
      %dma_wait3A_285 = tpu.memref_slice %arg4[%dma_wait3A_276, %dma_wait3A_283, %dma_wait3A_284] : memref<2x128x64xf32, #tpu.memory_space<vmem>> -> memref<1x128x64xf32, #tpu.memory_space<vmem>>
      %dma_wait3A_286 = tpu.memref_squeeze %dma_wait3A_285 : memref<1x128x64xf32, #tpu.memory_space<vmem>> -> memref<128x64xf32, #tpu.memory_space<vmem>>
      %dma_wait3A_287 = arith.constant 0 : i32
      %dma_wait3A_288 = tpu.memref_slice %arg2[%add3A_275, %dma_wait3A_287] : memref<131072x64xf32, #tpu.memory_space<hbm>> -> memref<128x64xf32, #tpu.memory_space<hbm>>
      tpu.wait_dma2 semaphore(%arg10 : memref<!tpu.dma_semaphore, #tpu.memory_space<semaphore_mem>>) src(%dma_wait3A_288 : memref<128x64xf32, #tpu.memory_space<hbm>>) dst(%dma_wait3A_286 : memref<128x64xf32, #tpu.memory_space<vmem>>)
      %dma_wait3A_289 = arith.constant 0 : i32
      %dma_wait3A_290 = arith.constant 0 : i32
      %dma_wait3A_291 = arith.constant 0 : i32
      %dma_wait3A_292 = tpu.memref_slice %arg5[%dma_wait3A_289, %dma_wait3A_290, %dma_wait3A_291] : memref<2x66x64xf32, #tpu.memory_space<vmem>> -> memref<1x66x64xf32, #tpu.memory_space<vmem>>
      %dma_wait3A_293 = tpu.memref_squeeze %dma_wait3A_292 : memref<1x66x64xf32, #tpu.memory_space<vmem>> -> memref<66x64xf32, #tpu.memory_space<vmem>>
      %dma_wait3A_294 = arith.constant 0 : i32
      %dma_wait3A_295 = tpu.memref_slice %arg2[%add3A_267, %dma_wait3A_294] : memref<131072x64xf32, #tpu.memory_space<hbm>> -> memref<66x64xf32, #tpu.memory_space<hbm>>
      %dma_wait3A_296 = arith.constant 0 : i32
      %dma_wait3A_297 = arith.constant 0 : i32
      %dma_wait3A_298 = tpu.memref_slice %arg5[%dma_wait3A_289, %dma_wait3A_296, %dma_wait3A_297] : memref<2x66x64xf32, #tpu.memory_space<vmem>> -> memref<1x66x64xf32, #tpu.memory_space<vmem>>
      %dma_wait3A_299 = tpu.memref_squeeze %dma_wait3A_298 : memref<1x66x64xf32, #tpu.memory_space<vmem>> -> memref<66x64xf32, #tpu.memory_space<vmem>>
      %dma_wait3A_300 = arith.constant 0 : i32
      %dma_wait3A_301 = tpu.memref_slice %arg2[%add3A_267, %dma_wait3A_300] : memref<131072x64xf32, #tpu.memory_space<hbm>> -> memref<66x64xf32, #tpu.memory_space<hbm>>
      tpu.wait_dma2 semaphore(%arg10 : memref<!tpu.dma_semaphore, #tpu.memory_space<semaphore_mem>>) src(%dma_wait3A_301 : memref<66x64xf32, #tpu.memory_space<hbm>>) dst(%dma_wait3A_299 : memref<66x64xf32, #tpu.memory_space<vmem>>)
      %dma_wait3A_302 = arith.constant 0 : i32
      %dma_wait3A_303 = arith.constant 0 : i32
      %dma_wait3A_304 = arith.constant 0 : i32
      %dma_wait3A_305 = tpu.memref_slice %arg6[%dma_wait3A_302, %dma_wait3A_303, %dma_wait3A_304] : memref<2x256x64xf32, #tpu.memory_space<vmem>> -> memref<1x256x64xf32, #tpu.memory_space<vmem>>
      %dma_wait3A_306 = tpu.memref_squeeze %dma_wait3A_305 : memref<1x256x64xf32, #tpu.memory_space<vmem>> -> memref<256x64xf32, #tpu.memory_space<vmem>>
      %dma_wait3A_307 = arith.constant 0 : i32
      %dma_wait3A_308 = tpu.memref_slice %arg2[%add3A_274, %dma_wait3A_307] : memref<131072x64xf32, #tpu.memory_space<hbm>> -> memref<256x64xf32, #tpu.memory_space<hbm>>
      %dma_wait3A_309 = arith.constant 0 : i32
      %dma_wait3A_310 = arith.constant 0 : i32
      %dma_wait3A_311 = tpu.memref_slice %arg6[%dma_wait3A_302, %dma_wait3A_309, %dma_wait3A_310] : memref<2x256x64xf32, #tpu.memory_space<vmem>> -> memref<1x256x64xf32, #tpu.memory_space<vmem>>
      %dma_wait3A_312 = tpu.memref_squeeze %dma_wait3A_311 : memref<1x256x64xf32, #tpu.memory_space<vmem>> -> memref<256x64xf32, #tpu.memory_space<vmem>>
      %dma_wait3A_313 = arith.constant 0 : i32
      %dma_wait3A_314 = tpu.memref_slice %arg2[%add3A_274, %dma_wait3A_313] : memref<131072x64xf32, #tpu.memory_space<hbm>> -> memref<256x64xf32, #tpu.memory_space<hbm>>
      tpu.wait_dma2 semaphore(%arg10 : memref<!tpu.dma_semaphore, #tpu.memory_space<semaphore_mem>>) src(%dma_wait3A_314 : memref<256x64xf32, #tpu.memory_space<hbm>>) dst(%dma_wait3A_312 : memref<256x64xf32, #tpu.memory_space<vmem>>)
      %mul3A_315 = arith.constant 128 : i32
      %mul3A_316 = arith.muli %mul3A_154, %mul3A_315 : i32
      %add3A_317 = arith.addi %mul3A_32, %mul3A_316 : i32
      %eq3A_318 = arith.constant 0 : i32
      %eq3A_319 = arith.cmpi eq, %add3A_317, %eq3A_318 : i32
      %convert_element_type3A = arith.extui %eq3A_319 : i1 to i32
      %cond3A = arith.constant 0 : i32
      %cond3A_320 = arith.cmpi ne, %convert_element_type3A, %cond3A : i32
      scf.if %cond3A_320 {
        %scan3A_523 = arith.constant 0 : i32
        %scan3A_524 = arith.constant 0 : i32
        %scan3A_525 = arith.constant 32 : i32
        %scan3A_526 = arith.addi %scan3A_524, %scan3A_525 : i32
        %scan3A_527 = arith.constant 1 : i32
        %scan3A_528 = scf.for %scan3A_568 = %scan3A_524 to %scan3A_526 step %scan3A_527 iter_args(%scan3A_569 = %scan3A_523) -> (i32)  : i32 {
          %mul3A_570 = arith.constant 4 : i32
          %mul3A_571 = arith.muli %scan3A_568, %mul3A_570 : i32
          %add3A_572 = arith.constant 0 : i32
          %add3A_573 = arith.addi %mul3A_571, %add3A_572 : i32
          %get3A_574 = arith.constant 0 : i32
          %get3A_575 = arith.index_cast %get3A_574 : i32 to index
          %get3A_576 = arith.index_cast %add3A_573 : i32 to index
          %get3A_577 = arith.constant 0 : index
          %get3A_578 = tpu.vector_load %arg4[%get3A_575, %get3A_576, %get3A_577] {strides = array<i32>} : memref<2x128x64xf32, #tpu.memory_space<vmem>>, vector<1x1x16xf32>,
          %get3A_579 = vector.shape_cast %get3A_578 : vector<1x1x16xf32> to vector<16xf32>
          %sub3A_580 = arith.constant 1 : i32
          %sub3A_581 = arith.subi %add3A_573, %sub3A_580 : i32
          %max3A_582 = arith.constant 0 : i32
          %max3A_583 = arith.maxsi %sub3A_581, %max3A_582 : i32
          %jit3A_584 = arith.constant 2 : i32
          %div3A_585 = arith.divsi %max3A_583, %jit3A_584 : i32
          %sign3A_586 = arith.constant 0 : i32
          %sign3A_587 = arith.cmpi sgt, %max3A_583, %sign3A_586 : i32
          %sign3A_588 = arith.extui %sign3A_587 : i1 to i32
          %sign3A_589 = arith.constant 0 : i32
          %sign3A_590 = arith.cmpi slt, %max3A_583, %sign3A_589 : i32
          %sign3A_591 = arith.extui %sign3A_590 : i1 to i32
          %sign3A_592 = arith.subi %sign3A_588, %sign3A_591 : i32
          %sign3A_593 = arith.constant 0 : i32
          %sign3A_594 = arith.cmpi sgt, %jit3A_584, %sign3A_593 : i32
          %sign3A_595 = arith.extui %sign3A_594 : i1 to i32
          %sign3A_596 = arith.constant 0 : i32
          %sign3A_597 = arith.cmpi slt, %jit3A_584, %sign3A_596 : i32
          %sign3A_598 = arith.extui %sign3A_597 : i1 to i32
          %sign3A_599 = arith.subi %sign3A_595, %sign3A_598 : i32
          %ne3A_600 = arith.cmpi ne, %sign3A_592, %sign3A_599 : i32
          %rem3A_601 = arith.remsi %max3A_583, %jit3A_584 : i32
          %ne3A_602 = arith.constant 0 : i32
          %ne3A_603 = arith.cmpi ne, %rem3A_601, %ne3A_602 : i32
          %and3A_604 = arith.andi %ne3A_600, %ne3A_603 : i1
          %sub3A_605 = arith.constant 1 : i32
          %sub3A_606 = arith.subi %div3A_585, %sub3A_605 : i32
          %select_n3A_607 = arith.select %and3A_604, %sub3A_606, %div3A_585 : i32
          %get3A_608 = arith.constant 0 : i32
          %get3A_609 = arith.index_cast %get3A_608 : i32 to index
          %get3A_610 = arith.index_cast %select_n3A_607 : i32 to index
          %get3A_611 = arith.constant 16 : index
          %get3A_612 = tpu.vector_load %arg5[%get3A_609, %get3A_610, %get3A_611] {strides = array<i32>} : memref<2x66x64xf32, #tpu.memory_space<vmem>>, vector<1x1x16xf32>,
          %get3A_613 = vector.shape_cast %get3A_612 : vector<1x1x16xf32> to vector<16xf32>
          %add3A_614 = arith.addf %get3A_579, %get3A_613 : vector<16xf32>
          %mul3A_615 = arith.constant 2 : i32
          %mul3A_616 = arith.muli %mul3A_615, %add3A_573 : i32
          %get3A_617 = arith.constant 0 : i32
          %get3A_618 = arith.index_cast %get3A_617 : i32 to index
          %get3A_619 = arith.index_cast %mul3A_616 : i32 to index
          %get3A_620 = arith.constant 32 : index
          %get3A_621 = tpu.vector_load %arg6[%get3A_618, %get3A_619, %get3A_620] {strides = array<i32>} : memref<2x256x64xf32, #tpu.memory_space<vmem>>, vector<1x1x16xf32>,
          %get3A_622 = vector.shape_cast %get3A_621 : vector<1x1x16xf32> to vector<16xf32>
          %add3A_623 = arith.addf %add3A_614, %get3A_622 : vector<16xf32>
          %mul3A_624 = arith.constant 2 : i32
          %mul3A_625 = arith.muli %mul3A_624, %add3A_573 : i32
          %add3A_626 = arith.constant 1 : i32
          %add3A_627 = arith.addi %mul3A_625, %add3A_626 : i32
          %get3A_628 = arith.constant 0 : i32
          %get3A_629 = arith.index_cast %get3A_628 : i32 to index
          %get3A_630 = arith.index_cast %add3A_627 : i32 to index
          %get3A_631 = arith.constant 48 : index
          %get3A_632 = tpu.vector_load %arg6[%get3A_629, %get3A_630, %get3A_631] {strides = array<i32>} : memref<2x256x64xf32, #tpu.memory_space<vmem>>, vector<1x1x16xf32>,
          %get3A_633 = vector.shape_cast %get3A_632 : vector<1x1x16xf32> to vector<16xf32>
          %add3A_634 = arith.addf %add3A_623, %get3A_633 : vector<16xf32>
          %max3A_635 = arith.constant 0.000000e+00 : f32
          %max3A_636 = vector.broadcast %max3A_635 : f32 to vector<16xf32>
          %max3A_637 = arith.maximumf %add3A_634, %max3A_636 : vector<16xf32>
          %swap3A_638 = arith.constant 0 : i32
          %swap3A_639 = arith.index_cast %swap3A_638 : i32 to index
          %swap3A_640 = arith.index_cast %add3A_573 : i32 to index
          %swap3A_641 = arith.constant 0 : index
          %swap3A_642 = tpu.vector_load %arg9[%swap3A_639, %swap3A_640, %swap3A_641] {strides = array<i32>} : memref<2x128x16xf32, #tpu.memory_space<vmem>>, vector<1x1x16xf32>,
          %swap3A_643 = vector.shape_cast %swap3A_642 : vector<1x1x16xf32> to vector<16xf32>
          %swap3A_644 = vector.shape_cast %max3A_637 : vector<16xf32> to vector<1x1x16xf32>
          tpu.vector_store %arg9[%swap3A_639, %swap3A_640, %swap3A_641], %swap3A_644 {strides = array<i32>} : memref<2x128x16xf32, #tpu.memory_space<vmem>>, vector<1x1x16xf32>,
          %mul3A_645 = arith.constant 4 : i32
          %mul3A_646 = arith.muli %scan3A_568, %mul3A_645 : i32
          %add3A_647 = arith.constant 1 : i32
          %add3A_648 = arith.addi %mul3A_646, %add3A_647 : i32
          %get3A_649 = arith.constant 0 : i32
          %get3A_650 = arith.index_cast %get3A_649 : i32 to index
          %get3A_651 = arith.index_cast %add3A_648 : i32 to index
          %get3A_652 = arith.constant 0 : index
          %get3A_653 = tpu.vector_load %arg4[%get3A_650, %get3A_651, %get3A_652] {strides = array<i32>} : memref<2x128x64xf32, #tpu.memory_space<vmem>>, vector<1x1x16xf32>,
          %get3A_654 = vector.shape_cast %get3A_653 : vector<1x1x16xf32> to vector<16xf32>
          %sub3A_655 = arith.constant 1 : i32
          %sub3A_656 = arith.subi %add3A_648, %sub3A_655 : i32
          %max3A_657 = arith.constant 0 : i32
          %max3A_658 = arith.maxsi %sub3A_656, %max3A_657 : i32
          %jit3A_659 = arith.constant 2 : i32
          %div3A_660 = arith.divsi %max3A_658, %jit3A_659 : i32
          %sign3A_661 = arith.constant 0 : i32
          %sign3A_662 = arith.cmpi sgt, %max3A_658, %sign3A_661 : i32
          %sign3A_663 = arith.extui %sign3A_662 : i1 to i32
          %sign3A_664 = arith.constant 0 : i32
          %sign3A_665 = arith.cmpi slt, %max3A_658, %sign3A_664 : i32
          %sign3A_666 = arith.extui %sign3A_665 : i1 to i32
          %sign3A_667 = arith.subi %sign3A_663, %sign3A_666 : i32
          %sign3A_668 = arith.constant 0 : i32
          %sign3A_669 = arith.cmpi sgt, %jit3A_659, %sign3A_668 : i32
          %sign3A_670 = arith.extui %sign3A_669 : i1 to i32
          %sign3A_671 = arith.constant 0 : i32
          %sign3A_672 = arith.cmpi slt, %jit3A_659, %sign3A_671 : i32
          %sign3A_673 = arith.extui %sign3A_672 : i1 to i32
          %sign3A_674 = arith.subi %sign3A_670, %sign3A_673 : i32
          %ne3A_675 = arith.cmpi ne, %sign3A_667, %sign3A_674 : i32
          %rem3A_676 = arith.remsi %max3A_658, %jit3A_659 : i32
          %ne3A_677 = arith.constant 0 : i32
          %ne3A_678 = arith.cmpi ne, %rem3A_676, %ne3A_677 : i32
          %and3A_679 = arith.andi %ne3A_675, %ne3A_678 : i1
          %sub3A_680 = arith.constant 1 : i32
          %sub3A_681 = arith.subi %div3A_660, %sub3A_680 : i32
          %select_n3A_682 = arith.select %and3A_679, %sub3A_681, %div3A_660 : i32
          %get3A_683 = arith.constant 0 : i32
          %get3A_684 = arith.index_cast %get3A_683 : i32 to index
          %get3A_685 = arith.index_cast %select_n3A_682 : i32 to index
          %get3A_686 = arith.constant 16 : index
          %get3A_687 = tpu.vector_load %arg5[%get3A_684, %get3A_685, %get3A_686] {strides = array<i32>} : memref<2x66x64xf32, #tpu.memory_space<vmem>>, vector<1x1x16xf32>,
          %get3A_688 = vector.shape_cast %get3A_687 : vector<1x1x16xf32> to vector<16xf32>
          %add3A_689 = arith.addf %get3A_654, %get3A_688 : vector<16xf32>
          %mul3A_690 = arith.constant 2 : i32
          %mul3A_691 = arith.muli %mul3A_690, %add3A_648 : i32
          %get3A_692 = arith.constant 0 : i32
          %get3A_693 = arith.index_cast %get3A_692 : i32 to index
          %get3A_694 = arith.index_cast %mul3A_691 : i32 to index
          %get3A_695 = arith.constant 32 : index
          %get3A_696 = tpu.vector_load %arg6[%get3A_693, %get3A_694, %get3A_695] {strides = array<i32>} : memref<2x256x64xf32, #tpu.memory_space<vmem>>, vector<1x1x16xf32>,
          %get3A_697 = vector.shape_cast %get3A_696 : vector<1x1x16xf32> to vector<16xf32>
          %add3A_698 = arith.addf %add3A_689, %get3A_697 : vector<16xf32>
          %mul3A_699 = arith.constant 2 : i32
          %mul3A_700 = arith.muli %mul3A_699, %add3A_648 : i32
          %add3A_701 = arith.constant 1 : i32
          %add3A_702 = arith.addi %mul3A_700, %add3A_701 : i32
          %get3A_703 = arith.constant 0 : i32
          %get3A_704 = arith.index_cast %get3A_703 : i32 to index
          %get3A_705 = arith.index_cast %add3A_702 : i32 to index
          %get3A_706 = arith.constant 48 : index
          %get3A_707 = tpu.vector_load %arg6[%get3A_704, %get3A_705, %get3A_706] {strides = array<i32>} : memref<2x256x64xf32, #tpu.memory_space<vmem>>, vector<1x1x16xf32>,
          %get3A_708 = vector.shape_cast %get3A_707 : vector<1x1x16xf32> to vector<16xf32>
          %add3A_709 = arith.addf %add3A_698, %get3A_708 : vector<16xf32>
          %max3A_710 = arith.constant 0.000000e+00 : f32
          %max3A_711 = vector.broadcast %max3A_710 : f32 to vector<16xf32>
          %max3A_712 = arith.maximumf %add3A_709, %max3A_711 : vector<16xf32>
          %swap3A_713 = arith.constant 0 : i32
          %swap3A_714 = arith.index_cast %swap3A_713 : i32 to index
          %swap3A_715 = arith.index_cast %add3A_648 : i32 to index
          %swap3A_716 = arith.constant 0 : index
          %swap3A_717 = tpu.vector_load %arg9[%swap3A_714, %swap3A_715, %swap3A_716] {strides = array<i32>} : memref<2x128x16xf32, #tpu.memory_space<vmem>>, vector<1x1x16xf32>,
          %swap3A_718 = vector.shape_cast %swap3A_717 : vector<1x1x16xf32> to vector<16xf32>
          %swap3A_719 = vector.shape_cast %max3A_712 : vector<16xf32> to vector<1x1x16xf32>
          tpu.vector_store %arg9[%swap3A_714, %swap3A_715, %swap3A_716], %swap3A_719 {strides = array<i32>} : memref<2x128x16xf32, #tpu.memory_space<vmem>>, vector<1x1x16xf32>,
          %mul3A_720 = arith.constant 4 : i32
          %mul3A_721 = arith.muli %scan3A_568, %mul3A_720 : i32
          %add3A_722 = arith.constant 2 : i32
          %add3A_723 = arith.addi %mul3A_721, %add3A_722 : i32
          %get3A_724 = arith.constant 0 : i32
          %get3A_725 = arith.index_cast %get3A_724 : i32 to index
          %get3A_726 = arith.index_cast %add3A_723 : i32 to index
          %get3A_727 = arith.constant 0 : index
          %get3A_728 = tpu.vector_load %arg4[%get3A_725, %get3A_726, %get3A_727] {strides = array<i32>} : memref<2x128x64xf32, #tpu.memory_space<vmem>>, vector<1x1x16xf32>,
          %get3A_729 = vector.shape_cast %get3A_728 : vector<1x1x16xf32> to vector<16xf32>
          %sub3A_730 = arith.constant 1 : i32
          %sub3A_731 = arith.subi %add3A_723, %sub3A_730 : i32
          %max3A_732 = arith.constant 0 : i32
          %max3A_733 = arith.maxsi %sub3A_731, %max3A_732 : i32
          %jit3A_734 = arith.constant 2 : i32
          %div3A_735 = arith.divsi %max3A_733, %jit3A_734 : i32
          %sign3A_736 = arith.constant 0 : i32
          %sign3A_737 = arith.cmpi sgt, %max3A_733, %sign3A_736 : i32
          %sign3A_738 = arith.extui %sign3A_737 : i1 to i32
          %sign3A_739 = arith.constant 0 : i32
          %sign3A_740 = arith.cmpi slt, %max3A_733, %sign3A_739 : i32
          %sign3A_741 = arith.extui %sign3A_740 : i1 to i32
          %sign3A_742 = arith.subi %sign3A_738, %sign3A_741 : i32
          %sign3A_743 = arith.constant 0 : i32
          %sign3A_744 = arith.cmpi sgt, %jit3A_734, %sign3A_743 : i32
          %sign3A_745 = arith.extui %sign3A_744 : i1 to i32
          %sign3A_746 = arith.constant 0 : i32
          %sign3A_747 = arith.cmpi slt, %jit3A_734, %sign3A_746 : i32
          %sign3A_748 = arith.extui %sign3A_747 : i1 to i32
          %sign3A_749 = arith.subi %sign3A_745, %sign3A_748 : i32
          %ne3A_750 = arith.cmpi ne, %sign3A_742, %sign3A_749 : i32
          %rem3A_751 = arith.remsi %max3A_733, %jit3A_734 : i32
          %ne3A_752 = arith.constant 0 : i32
          %ne3A_753 = arith.cmpi ne, %rem3A_751, %ne3A_752 : i32
          %and3A_754 = arith.andi %ne3A_750, %ne3A_753 : i1
          %sub3A_755 = arith.constant 1 : i32
          %sub3A_756 = arith.subi %div3A_735, %sub3A_755 : i32
          %select_n3A_757 = arith.select %and3A_754, %sub3A_756, %div3A_735 : i32
          %get3A_758 = arith.constant 0 : i32
          %get3A_759 = arith.index_cast %get3A_758 : i32 to index
          %get3A_760 = arith.index_cast %select_n3A_757 : i32 to index
          %get3A_761 = arith.constant 16 : index
          %get3A_762 = tpu.vector_load %arg5[%get3A_759, %get3A_760, %get3A_761] {strides = array<i32>} : memref<2x66x64xf32, #tpu.memory_space<vmem>>, vector<1x1x16xf32>,
          %get3A_763 = vector.shape_cast %get3A_762 : vector<1x1x16xf32> to vector<16xf32>
          %add3A_764 = arith.addf %get3A_729, %get3A_763 : vector<16xf32>
          %mul3A_765 = arith.constant 2 : i32
          %mul3A_766 = arith.muli %mul3A_765, %add3A_723 : i32
          %get3A_767 = arith.constant 0 : i32
          %get3A_768 = arith.index_cast %get3A_767 : i32 to index
          %get3A_769 = arith.index_cast %mul3A_766 : i32 to index
          %get3A_770 = arith.constant 32 : index
          %get3A_771 = tpu.vector_load %arg6[%get3A_768, %get3A_769, %get3A_770] {strides = array<i32>} : memref<2x256x64xf32, #tpu.memory_space<vmem>>, vector<1x1x16xf32>,
          %get3A_772 = vector.shape_cast %get3A_771 : vector<1x1x16xf32> to vector<16xf32>
          %add3A_773 = arith.addf %add3A_764, %get3A_772 : vector<16xf32>
          %mul3A_774 = arith.constant 2 : i32
          %mul3A_775 = arith.muli %mul3A_774, %add3A_723 : i32
          %add3A_776 = arith.constant 1 : i32
          %add3A_777 = arith.addi %mul3A_775, %add3A_776 : i32
          %get3A_778 = arith.constant 0 : i32
          %get3A_779 = arith.index_cast %get3A_778 : i32 to index
          %get3A_780 = arith.index_cast %add3A_777 : i32 to index
          %get3A_781 = arith.constant 48 : index
          %get3A_782 = tpu.vector_load %arg6[%get3A_779, %get3A_780, %get3A_781] {strides = array<i32>} : memref<2x256x64xf32, #tpu.memory_space<vmem>>, vector<1x1x16xf32>,
          %get3A_783 = vector.shape_cast %get3A_782 : vector<1x1x16xf32> to vector<16xf32>
          %add3A_784 = arith.addf %add3A_773, %get3A_783 : vector<16xf32>
          %max3A_785 = arith.constant 0.000000e+00 : f32
          %max3A_786 = vector.broadcast %max3A_785 : f32 to vector<16xf32>
          %max3A_787 = arith.maximumf %add3A_784, %max3A_786 : vector<16xf32>
          %swap3A_788 = arith.constant 0 : i32
          %swap3A_789 = arith.index_cast %swap3A_788 : i32 to index
          %swap3A_790 = arith.index_cast %add3A_723 : i32 to index
          %swap3A_791 = arith.constant 0 : index
          %swap3A_792 = tpu.vector_load %arg9[%swap3A_789, %swap3A_790, %swap3A_791] {strides = array<i32>} : memref<2x128x16xf32, #tpu.memory_space<vmem>>, vector<1x1x16xf32>,
          %swap3A_793 = vector.shape_cast %swap3A_792 : vector<1x1x16xf32> to vector<16xf32>
          %swap3A_794 = vector.shape_cast %max3A_787 : vector<16xf32> to vector<1x1x16xf32>
          tpu.vector_store %arg9[%swap3A_789, %swap3A_790, %swap3A_791], %swap3A_794 {strides = array<i32>} : memref<2x128x16xf32, #tpu.memory_space<vmem>>, vector<1x1x16xf32>,
          %mul3A_795 = arith.constant 4 : i32
          %mul3A_796 = arith.muli %scan3A_568, %mul3A_795 : i32
          %add3A_797 = arith.constant 3 : i32
          %add3A_798 = arith.addi %mul3A_796, %add3A_797 : i32
          %get3A_799 = arith.constant 0 : i32
          %get3A_800 = arith.index_cast %get3A_799 : i32 to index
          %get3A_801 = arith.index_cast %add3A_798 : i32 to index
          %get3A_802 = arith.constant 0 : index
          %get3A_803 = tpu.vector_load %arg4[%get3A_800, %get3A_801, %get3A_802] {strides = array<i32>} : memref<2x128x64xf32, #tpu.memory_space<vmem>>, vector<1x1x16xf32>,
          %get3A_804 = vector.shape_cast %get3A_803 : vector<1x1x16xf32> to vector<16xf32>
          %sub3A_805 = arith.constant 1 : i32
          %sub3A_806 = arith.subi %add3A_798, %sub3A_805 : i32
          %max3A_807 = arith.constant 0 : i32
          %max3A_808 = arith.maxsi %sub3A_806, %max3A_807 : i32
          %jit3A_809 = arith.constant 2 : i32
          %div3A_810 = arith.divsi %max3A_808, %jit3A_809 : i32
          %sign3A_811 = arith.constant 0 : i32
          %sign3A_812 = arith.cmpi sgt, %max3A_808, %sign3A_811 : i32
          %sign3A_813 = arith.extui %sign3A_812 : i1 to i32
          %sign3A_814 = arith.constant 0 : i32
          %sign3A_815 = arith.cmpi slt, %max3A_808, %sign3A_814 : i32
          %sign3A_816 = arith.extui %sign3A_815 : i1 to i32
          %sign3A_817 = arith.subi %sign3A_813, %sign3A_816 : i32
          %sign3A_818 = arith.constant 0 : i32
          %sign3A_819 = arith.cmpi sgt, %jit3A_809, %sign3A_818 : i32
          %sign3A_820 = arith.extui %sign3A_819 : i1 to i32
          %sign3A_821 = arith.constant 0 : i32
          %sign3A_822 = arith.cmpi slt, %jit3A_809, %sign3A_821 : i32
          %sign3A_823 = arith.extui %sign3A_822 : i1 to i32
          %sign3A_824 = arith.subi %sign3A_820, %sign3A_823 : i32
          %ne3A_825 = arith.cmpi ne, %sign3A_817, %sign3A_824 : i32
          %rem3A_826 = arith.remsi %max3A_808, %jit3A_809 : i32
          %ne3A_827 = arith.constant 0 : i32
          %ne3A_828 = arith.cmpi ne, %rem3A_826, %ne3A_827 : i32
          %and3A_829 = arith.andi %ne3A_825, %ne3A_828 : i1
          %sub3A_830 = arith.constant 1 : i32
          %sub3A_831 = arith.subi %div3A_810, %sub3A_830 : i32
          %select_n3A_832 = arith.select %and3A_829, %sub3A_831, %div3A_810 : i32
          %get3A_833 = arith.constant 0 : i32
          %get3A_834 = arith.index_cast %get3A_833 : i32 to index
          %get3A_835 = arith.index_cast %select_n3A_832 : i32 to index
          %get3A_836 = arith.constant 16 : index
          %get3A_837 = tpu.vector_load %arg5[%get3A_834, %get3A_835, %get3A_836] {strides = array<i32>} : memref<2x66x64xf32, #tpu.memory_space<vmem>>, vector<1x1x16xf32>,
          %get3A_838 = vector.shape_cast %get3A_837 : vector<1x1x16xf32> to vector<16xf32>
          %add3A_839 = arith.addf %get3A_804, %get3A_838 : vector<16xf32>
          %mul3A_840 = arith.constant 2 : i32
          %mul3A_841 = arith.muli %mul3A_840, %add3A_798 : i32
          %get3A_842 = arith.constant 0 : i32
          %get3A_843 = arith.index_cast %get3A_842 : i32 to index
          %get3A_844 = arith.index_cast %mul3A_841 : i32 to index
          %get3A_845 = arith.constant 32 : index
          %get3A_846 = tpu.vector_load %arg6[%get3A_843, %get3A_844, %get3A_845] {strides = array<i32>} : memref<2x256x64xf32, #tpu.memory_space<vmem>>, vector<1x1x16xf32>,
          %get3A_847 = vector.shape_cast %get3A_846 : vector<1x1x16xf32> to vector<16xf32>
          %add3A_848 = arith.addf %add3A_839, %get3A_847 : vector<16xf32>
          %mul3A_849 = arith.constant 2 : i32
          %mul3A_850 = arith.muli %mul3A_849, %add3A_798 : i32
          %add3A_851 = arith.constant 1 : i32
          %add3A_852 = arith.addi %mul3A_850, %add3A_851 : i32
          %get3A_853 = arith.constant 0 : i32
          %get3A_854 = arith.index_cast %get3A_853 : i32 to index
          %get3A_855 = arith.index_cast %add3A_852 : i32 to index
          %get3A_856 = arith.constant 48 : index
          %get3A_857 = tpu.vector_load %arg6[%get3A_854, %get3A_855, %get3A_856] {strides = array<i32>} : memref<2x256x64xf32, #tpu.memory_space<vmem>>, vector<1x1x16xf32>,
          %get3A_858 = vector.shape_cast %get3A_857 : vector<1x1x16xf32> to vector<16xf32>
          %add3A_859 = arith.addf %add3A_848, %get3A_858 : vector<16xf32>
          %max3A_860 = arith.constant 0.000000e+00 : f32
          %max3A_861 = vector.broadcast %max3A_860 : f32 to vector<16xf32>
          %max3A_862 = arith.maximumf %add3A_859, %max3A_861 : vector<16xf32>
          %swap3A_863 = arith.constant 0 : i32
          %swap3A_864 = arith.index_cast %swap3A_863 : i32 to index
          %swap3A_865 = arith.index_cast %add3A_798 : i32 to index
          %swap3A_866 = arith.constant 0 : index
          %swap3A_867 = tpu.vector_load %arg9[%swap3A_864, %swap3A_865, %swap3A_866] {strides = array<i32>} : memref<2x128x16xf32, #tpu.memory_space<vmem>>, vector<1x1x16xf32>,
          %swap3A_868 = vector.shape_cast %swap3A_867 : vector<1x1x16xf32> to vector<16xf32>
          %swap3A_869 = vector.shape_cast %max3A_862 : vector<16xf32> to vector<1x1x16xf32>
          tpu.vector_store %arg9[%swap3A_864, %swap3A_865, %swap3A_866], %swap3A_869 {strides = array<i32>} : memref<2x128x16xf32, #tpu.memory_space<vmem>>, vector<1x1x16xf32>,
          %scan3A_870 = arith.constant 0 : i32
          scf.yield %scan3A_870 : i32
        }
        %scan3A_529 = arith.constant 32 : i32
        %get3A = arith.constant 0 : i32
        %get3A_530 = arith.constant 0 : i32
        %get3A_531 = arith.index_cast %get3A : i32 to index
        %get3A_532 = arith.index_cast %get3A_530 : i32 to index
        %get3A_533 = arith.constant 0 : index
        %get3A_534 = tpu.vector_load %arg4[%get3A_531, %get3A_532, %get3A_533] {strides = array<i32>} : memref<2x128x64xf32, #tpu.memory_space<vmem>>, vector<1x1x16xf32>,
        %get3A_535 = vector.shape_cast %get3A_534 : vector<1x1x16xf32> to vector<16xf32>
        %get3A_536 = arith.constant 0 : i32
        %get3A_537 = arith.index_cast %get3A_536 : i32 to index
        %get3A_538 = arith.constant 16 : index
        %get3A_539 = tpu.vector_load %arg7[%get3A_537, %get3A_538] {strides = array<i32>} : memref<1x64xf32, #tpu.memory_space<vmem>>, vector<1x16xf32>,
        %get3A_540 = vector.shape_cast %get3A_539 : vector<1x16xf32> to vector<16xf32>
        %add3A_541 = arith.addf %get3A_535, %get3A_540 : vector<16xf32>
        %get3A_542 = arith.constant 0 : i32
        %get3A_543 = arith.constant 0 : i32
        %get3A_544 = arith.index_cast %get3A_542 : i32 to index
        %get3A_545 = arith.index_cast %get3A_543 : i32 to index
        %get3A_546 = arith.constant 32 : index
        %get3A_547 = tpu.vector_load %arg6[%get3A_544, %get3A_545, %get3A_546] {strides = array<i32>} : memref<2x256x64xf32, #tpu.memory_space<vmem>>, vector<1x1x16xf32>,
        %get3A_548 = vector.shape_cast %get3A_547 : vector<1x1x16xf32> to vector<16xf32>
        %add3A_549 = arith.addf %add3A_541, %get3A_548 : vector<16xf32>
        %get3A_550 = arith.constant 0 : i32
        %get3A_551 = arith.constant 1 : i32
        %get3A_552 = arith.index_cast %get3A_550 : i32 to index
        %get3A_553 = arith.index_cast %get3A_551 : i32 to index
        %get3A_554 = arith.constant 48 : index
        %get3A_555 = tpu.vector_load %arg6[%get3A_552, %get3A_553, %get3A_554] {strides = array<i32>} : memref<2x256x64xf32, #tpu.memory_space<vmem>>, vector<1x1x16xf32>,
        %get3A_556 = vector.shape_cast %get3A_555 : vector<1x1x16xf32> to vector<16xf32>
        %add3A_557 = arith.addf %add3A_549, %get3A_556 : vector<16xf32>
        %max3A_558 = arith.constant 0.000000e+00 : f32
        %max3A_559 = vector.broadcast %max3A_558 : f32 to vector<16xf32>
        %max3A_560 = arith.maximumf %add3A_557, %max3A_559 : vector<16xf32>
        %swap3A = arith.constant 0 : i32
        %swap3A_561 = arith.constant 0 : i32
        %swap3A_562 = arith.index_cast %swap3A : i32 to index
        %swap3A_563 = arith.index_cast %swap3A_561 : i32 to index
        %swap3A_564 = arith.constant 0 : index
        %swap3A_565 = tpu.vector_load %arg9[%swap3A_562, %swap3A_563, %swap3A_564] {strides = array<i32>} : memref<2x128x16xf32, #tpu.memory_space<vmem>>, vector<1x1x16xf32>,
        %swap3A_566 = vector.shape_cast %swap3A_565 : vector<1x1x16xf32> to vector<16xf32>
        %swap3A_567 = vector.shape_cast %max3A_560 : vector<16xf32> to vector<1x1x16xf32>
        tpu.vector_store %arg9[%swap3A_562, %swap3A_563, %swap3A_564], %swap3A_567 {strides = array<i32>} : memref<2x128x16xf32, #tpu.memory_space<vmem>>, vector<1x1x16xf32>,
      } else {
      }
      %gt3A = arith.constant 0 : i32
      %gt3A_321 = arith.cmpi sgt, %add3A_317, %gt3A : i32
      %add3A_322 = arith.constant 128 : i32
      %add3A_323 = arith.addi %add3A_317, %add3A_322 : i32
      %le3A = arith.constant 8191 : i32
      %le3A_324 = arith.cmpi sle, %add3A_323, %le3A : i32
      %and3A_325 = arith.andi %gt3A_321, %le3A_324 : i1
      %convert_element_type3A_326 = arith.extui %and3A_325 : i1 to i32
      %cond3A_327 = arith.constant 0 : i32
      %cond3A_328 = arith.cmpi ne, %convert_element_type3A_326, %cond3A_327 : i32
      scf.if %cond3A_328 {
        %scan3A_523 = arith.constant 0 : i32
        %scan3A_524 = arith.constant 0 : i32
        %scan3A_525 = arith.constant 32 : i32
        %scan3A_526 = arith.addi %scan3A_524, %scan3A_525 : i32
        %scan3A_527 = arith.constant 1 : i32
        %scan3A_528 = scf.for %scan3A_530 = %scan3A_524 to %scan3A_526 step %scan3A_527 iter_args(%scan3A_531 = %scan3A_523) -> (i32)  : i32 {
          %mul3A_532 = arith.constant 4 : i32
          %mul3A_533 = arith.muli %scan3A_530, %mul3A_532 : i32
          %add3A_534 = arith.constant 0 : i32
          %add3A_535 = arith.addi %mul3A_533, %add3A_534 : i32
          %get3A = arith.constant 0 : i32
          %get3A_536 = arith.index_cast %get3A : i32 to index
          %get3A_537 = arith.index_cast %add3A_535 : i32 to index
          %get3A_538 = arith.constant 0 : index
          %get3A_539 = tpu.vector_load %arg4[%get3A_536, %get3A_537, %get3A_538] {strides = array<i32>} : memref<2x128x64xf32, #tpu.memory_space<vmem>>, vector<1x1x16xf32>,
          %get3A_540 = vector.shape_cast %get3A_539 : vector<1x1x16xf32> to vector<16xf32>
          %add3A_541 = arith.constant 1 : i32
          %add3A_542 = arith.addi %add3A_535, %add3A_541 : i32
          %jit3A_543 = arith.constant 2 : i32
          %div3A_544 = arith.divsi %add3A_542, %jit3A_543 : i32
          %sign3A_545 = arith.constant 0 : i32
          %sign3A_546 = arith.cmpi sgt, %add3A_542, %sign3A_545 : i32
          %sign3A_547 = arith.extui %sign3A_546 : i1 to i32
          %sign3A_548 = arith.constant 0 : i32
          %sign3A_549 = arith.cmpi slt, %add3A_542, %sign3A_548 : i32
          %sign3A_550 = arith.extui %sign3A_549 : i1 to i32
          %sign3A_551 = arith.subi %sign3A_547, %sign3A_550 : i32
          %sign3A_552 = arith.constant 0 : i32
          %sign3A_553 = arith.cmpi sgt, %jit3A_543, %sign3A_552 : i32
          %sign3A_554 = arith.extui %sign3A_553 : i1 to i32
          %sign3A_555 = arith.constant 0 : i32
          %sign3A_556 = arith.cmpi slt, %jit3A_543, %sign3A_555 : i32
          %sign3A_557 = arith.extui %sign3A_556 : i1 to i32
          %sign3A_558 = arith.subi %sign3A_554, %sign3A_557 : i32
          %ne3A_559 = arith.cmpi ne, %sign3A_551, %sign3A_558 : i32
          %rem3A_560 = arith.remsi %add3A_542, %jit3A_543 : i32
          %ne3A_561 = arith.constant 0 : i32
          %ne3A_562 = arith.cmpi ne, %rem3A_560, %ne3A_561 : i32
          %and3A_563 = arith.andi %ne3A_559, %ne3A_562 : i1
          %sub3A_564 = arith.constant 1 : i32
          %sub3A_565 = arith.subi %div3A_544, %sub3A_564 : i32
          %select_n3A_566 = arith.select %and3A_563, %sub3A_565, %div3A_544 : i32
          %get3A_567 = arith.constant 0 : i32
          %get3A_568 = arith.index_cast %get3A_567 : i32 to index
          %get3A_569 = arith.index_cast %select_n3A_566 : i32 to index
          %get3A_570 = arith.constant 16 : index
          %get3A_571 = tpu.vector_load %arg5[%get3A_568, %get3A_569, %get3A_570] {strides = array<i32>} : memref<2x66x64xf32, #tpu.memory_space<vmem>>, vector<1x1x16xf32>,
          %get3A_572 = vector.shape_cast %get3A_571 : vector<1x1x16xf32> to vector<16xf32>
          %add3A_573 = arith.addf %get3A_540, %get3A_572 : vector<16xf32>
          %mul3A_574 = arith.constant 2 : i32
          %mul3A_575 = arith.muli %mul3A_574, %add3A_535 : i32
          %get3A_576 = arith.constant 0 : i32
          %get3A_577 = arith.index_cast %get3A_576 : i32 to index
          %get3A_578 = arith.index_cast %mul3A_575 : i32 to index
          %get3A_579 = arith.constant 32 : index
          %get3A_580 = tpu.vector_load %arg6[%get3A_577, %get3A_578, %get3A_579] {strides = array<i32>} : memref<2x256x64xf32, #tpu.memory_space<vmem>>, vector<1x1x16xf32>,
          %get3A_581 = vector.shape_cast %get3A_580 : vector<1x1x16xf32> to vector<16xf32>
          %add3A_582 = arith.addf %add3A_573, %get3A_581 : vector<16xf32>
          %mul3A_583 = arith.constant 2 : i32
          %mul3A_584 = arith.muli %mul3A_583, %add3A_535 : i32
          %add3A_585 = arith.constant 1 : i32
          %add3A_586 = arith.addi %mul3A_584, %add3A_585 : i32
          %get3A_587 = arith.constant 0 : i32
          %get3A_588 = arith.index_cast %get3A_587 : i32 to index
          %get3A_589 = arith.index_cast %add3A_586 : i32 to index
          %get3A_590 = arith.constant 48 : index
          %get3A_591 = tpu.vector_load %arg6[%get3A_588, %get3A_589, %get3A_590] {strides = array<i32>} : memref<2x256x64xf32, #tpu.memory_space<vmem>>, vector<1x1x16xf32>,
          %get3A_592 = vector.shape_cast %get3A_591 : vector<1x1x16xf32> to vector<16xf32>
          %add3A_593 = arith.addf %add3A_582, %get3A_592 : vector<16xf32>
          %max3A_594 = arith.constant 0.000000e+00 : f32
          %max3A_595 = vector.broadcast %max3A_594 : f32 to vector<16xf32>
          %max3A_596 = arith.maximumf %add3A_593, %max3A_595 : vector<16xf32>
          %swap3A = arith.constant 0 : i32
          %swap3A_597 = arith.index_cast %swap3A : i32 to index
          %swap3A_598 = arith.index_cast %add3A_535 : i32 to index
          %swap3A_599 = arith.constant 0 : index
          %swap3A_600 = tpu.vector_load %arg9[%swap3A_597, %swap3A_598, %swap3A_599] {strides = array<i32>} : memref<2x128x16xf32, #tpu.memory_space<vmem>>, vector<1x1x16xf32>,
          %swap3A_601 = vector.shape_cast %swap3A_600 : vector<1x1x16xf32> to vector<16xf32>
          %swap3A_602 = vector.shape_cast %max3A_596 : vector<16xf32> to vector<1x1x16xf32>
          tpu.vector_store %arg9[%swap3A_597, %swap3A_598, %swap3A_599], %swap3A_602 {strides = array<i32>} : memref<2x128x16xf32, #tpu.memory_space<vmem>>, vector<1x1x16xf32>,
          %mul3A_603 = arith.constant 4 : i32
          %mul3A_604 = arith.muli %scan3A_530, %mul3A_603 : i32
          %add3A_605 = arith.constant 1 : i32
          %add3A_606 = arith.addi %mul3A_604, %add3A_605 : i32
          %get3A_607 = arith.constant 0 : i32
          %get3A_608 = arith.index_cast %get3A_607 : i32 to index
          %get3A_609 = arith.index_cast %add3A_606 : i32 to index
          %get3A_610 = arith.constant 0 : index
          %get3A_611 = tpu.vector_load %arg4[%get3A_608, %get3A_609, %get3A_610] {strides = array<i32>} : memref<2x128x64xf32, #tpu.memory_space<vmem>>, vector<1x1x16xf32>,
          %get3A_612 = vector.shape_cast %get3A_611 : vector<1x1x16xf32> to vector<16xf32>
          %add3A_613 = arith.constant 1 : i32
          %add3A_614 = arith.addi %add3A_606, %add3A_613 : i32
          %jit3A_615 = arith.constant 2 : i32
          %div3A_616 = arith.divsi %add3A_614, %jit3A_615 : i32
          %sign3A_617 = arith.constant 0 : i32
          %sign3A_618 = arith.cmpi sgt, %add3A_614, %sign3A_617 : i32
          %sign3A_619 = arith.extui %sign3A_618 : i1 to i32
          %sign3A_620 = arith.constant 0 : i32
          %sign3A_621 = arith.cmpi slt, %add3A_614, %sign3A_620 : i32
          %sign3A_622 = arith.extui %sign3A_621 : i1 to i32
          %sign3A_623 = arith.subi %sign3A_619, %sign3A_622 : i32
          %sign3A_624 = arith.constant 0 : i32
          %sign3A_625 = arith.cmpi sgt, %jit3A_615, %sign3A_624 : i32
          %sign3A_626 = arith.extui %sign3A_625 : i1 to i32
          %sign3A_627 = arith.constant 0 : i32
          %sign3A_628 = arith.cmpi slt, %jit3A_615, %sign3A_627 : i32
          %sign3A_629 = arith.extui %sign3A_628 : i1 to i32
          %sign3A_630 = arith.subi %sign3A_626, %sign3A_629 : i32
          %ne3A_631 = arith.cmpi ne, %sign3A_623, %sign3A_630 : i32
          %rem3A_632 = arith.remsi %add3A_614, %jit3A_615 : i32
          %ne3A_633 = arith.constant 0 : i32
          %ne3A_634 = arith.cmpi ne, %rem3A_632, %ne3A_633 : i32
          %and3A_635 = arith.andi %ne3A_631, %ne3A_634 : i1
          %sub3A_636 = arith.constant 1 : i32
          %sub3A_637 = arith.subi %div3A_616, %sub3A_636 : i32
          %select_n3A_638 = arith.select %and3A_635, %sub3A_637, %div3A_616 : i32
          %get3A_639 = arith.constant 0 : i32
          %get3A_640 = arith.index_cast %get3A_639 : i32 to index
          %get3A_641 = arith.index_cast %select_n3A_638 : i32 to index
          %get3A_642 = arith.constant 16 : index
          %get3A_643 = tpu.vector_load %arg5[%get3A_640, %get3A_641, %get3A_642] {strides = array<i32>} : memref<2x66x64xf32, #tpu.memory_space<vmem>>, vector<1x1x16xf32>,
          %get3A_644 = vector.shape_cast %get3A_643 : vector<1x1x16xf32> to vector<16xf32>
          %add3A_645 = arith.addf %get3A_612, %get3A_644 : vector<16xf32>
          %mul3A_646 = arith.constant 2 : i32
          %mul3A_647 = arith.muli %mul3A_646, %add3A_606 : i32
          %get3A_648 = arith.constant 0 : i32
          %get3A_649 = arith.index_cast %get3A_648 : i32 to index
          %get3A_650 = arith.index_cast %mul3A_647 : i32 to index
          %get3A_651 = arith.constant 32 : index
          %get3A_652 = tpu.vector_load %arg6[%get3A_649, %get3A_650, %get3A_651] {strides = array<i32>} : memref<2x256x64xf32, #tpu.memory_space<vmem>>, vector<1x1x16xf32>,
          %get3A_653 = vector.shape_cast %get3A_652 : vector<1x1x16xf32> to vector<16xf32>
          %add3A_654 = arith.addf %add3A_645, %get3A_653 : vector<16xf32>
          %mul3A_655 = arith.constant 2 : i32
          %mul3A_656 = arith.muli %mul3A_655, %add3A_606 : i32
          %add3A_657 = arith.constant 1 : i32
          %add3A_658 = arith.addi %mul3A_656, %add3A_657 : i32
          %get3A_659 = arith.constant 0 : i32
          %get3A_660 = arith.index_cast %get3A_659 : i32 to index
          %get3A_661 = arith.index_cast %add3A_658 : i32 to index
          %get3A_662 = arith.constant 48 : index
          %get3A_663 = tpu.vector_load %arg6[%get3A_660, %get3A_661, %get3A_662] {strides = array<i32>} : memref<2x256x64xf32, #tpu.memory_space<vmem>>, vector<1x1x16xf32>,
          %get3A_664 = vector.shape_cast %get3A_663 : vector<1x1x16xf32> to vector<16xf32>
          %add3A_665 = arith.addf %add3A_654, %get3A_664 : vector<16xf32>
          %max3A_666 = arith.constant 0.000000e+00 : f32
          %max3A_667 = vector.broadcast %max3A_666 : f32 to vector<16xf32>
          %max3A_668 = arith.maximumf %add3A_665, %max3A_667 : vector<16xf32>
          %swap3A_669 = arith.constant 0 : i32
          %swap3A_670 = arith.index_cast %swap3A_669 : i32 to index
          %swap3A_671 = arith.index_cast %add3A_606 : i32 to index
          %swap3A_672 = arith.constant 0 : index
          %swap3A_673 = tpu.vector_load %arg9[%swap3A_670, %swap3A_671, %swap3A_672] {strides = array<i32>} : memref<2x128x16xf32, #tpu.memory_space<vmem>>, vector<1x1x16xf32>,
          %swap3A_674 = vector.shape_cast %swap3A_673 : vector<1x1x16xf32> to vector<16xf32>
          %swap3A_675 = vector.shape_cast %max3A_668 : vector<16xf32> to vector<1x1x16xf32>
          tpu.vector_store %arg9[%swap3A_670, %swap3A_671, %swap3A_672], %swap3A_675 {strides = array<i32>} : memref<2x128x16xf32, #tpu.memory_space<vmem>>, vector<1x1x16xf32>,
          %mul3A_676 = arith.constant 4 : i32
          %mul3A_677 = arith.muli %scan3A_530, %mul3A_676 : i32
          %add3A_678 = arith.constant 2 : i32
          %add3A_679 = arith.addi %mul3A_677, %add3A_678 : i32
          %get3A_680 = arith.constant 0 : i32
          %get3A_681 = arith.index_cast %get3A_680 : i32 to index
          %get3A_682 = arith.index_cast %add3A_679 : i32 to index
          %get3A_683 = arith.constant 0 : index
          %get3A_684 = tpu.vector_load %arg4[%get3A_681, %get3A_682, %get3A_683] {strides = array<i32>} : memref<2x128x64xf32, #tpu.memory_space<vmem>>, vector<1x1x16xf32>,
          %get3A_685 = vector.shape_cast %get3A_684 : vector<1x1x16xf32> to vector<16xf32>
          %add3A_686 = arith.constant 1 : i32
          %add3A_687 = arith.addi %add3A_679, %add3A_686 : i32
          %jit3A_688 = arith.constant 2 : i32
          %div3A_689 = arith.divsi %add3A_687, %jit3A_688 : i32
          %sign3A_690 = arith.constant 0 : i32
          %sign3A_691 = arith.cmpi sgt, %add3A_687, %sign3A_690 : i32
          %sign3A_692 = arith.extui %sign3A_691 : i1 to i32
          %sign3A_693 = arith.constant 0 : i32
          %sign3A_694 = arith.cmpi slt, %add3A_687, %sign3A_693 : i32
          %sign3A_695 = arith.extui %sign3A_694 : i1 to i32
          %sign3A_696 = arith.subi %sign3A_692, %sign3A_695 : i32
          %sign3A_697 = arith.constant 0 : i32
          %sign3A_698 = arith.cmpi sgt, %jit3A_688, %sign3A_697 : i32
          %sign3A_699 = arith.extui %sign3A_698 : i1 to i32
          %sign3A_700 = arith.constant 0 : i32
          %sign3A_701 = arith.cmpi slt, %jit3A_688, %sign3A_700 : i32
          %sign3A_702 = arith.extui %sign3A_701 : i1 to i32
          %sign3A_703 = arith.subi %sign3A_699, %sign3A_702 : i32
          %ne3A_704 = arith.cmpi ne, %sign3A_696, %sign3A_703 : i32
          %rem3A_705 = arith.remsi %add3A_687, %jit3A_688 : i32
          %ne3A_706 = arith.constant 0 : i32
          %ne3A_707 = arith.cmpi ne, %rem3A_705, %ne3A_706 : i32
          %and3A_708 = arith.andi %ne3A_704, %ne3A_707 : i1
          %sub3A_709 = arith.constant 1 : i32
          %sub3A_710 = arith.subi %div3A_689, %sub3A_709 : i32
          %select_n3A_711 = arith.select %and3A_708, %sub3A_710, %div3A_689 : i32
          %get3A_712 = arith.constant 0 : i32
          %get3A_713 = arith.index_cast %get3A_712 : i32 to index
          %get3A_714 = arith.index_cast %select_n3A_711 : i32 to index
          %get3A_715 = arith.constant 16 : index
          %get3A_716 = tpu.vector_load %arg5[%get3A_713, %get3A_714, %get3A_715] {strides = array<i32>} : memref<2x66x64xf32, #tpu.memory_space<vmem>>, vector<1x1x16xf32>,
          %get3A_717 = vector.shape_cast %get3A_716 : vector<1x1x16xf32> to vector<16xf32>
          %add3A_718 = arith.addf %get3A_685, %get3A_717 : vector<16xf32>
          %mul3A_719 = arith.constant 2 : i32
          %mul3A_720 = arith.muli %mul3A_719, %add3A_679 : i32
          %get3A_721 = arith.constant 0 : i32
          %get3A_722 = arith.index_cast %get3A_721 : i32 to index
          %get3A_723 = arith.index_cast %mul3A_720 : i32 to index
          %get3A_724 = arith.constant 32 : index
          %get3A_725 = tpu.vector_load %arg6[%get3A_722, %get3A_723, %get3A_724] {strides = array<i32>} : memref<2x256x64xf32, #tpu.memory_space<vmem>>, vector<1x1x16xf32>,
          %get3A_726 = vector.shape_cast %get3A_725 : vector<1x1x16xf32> to vector<16xf32>
          %add3A_727 = arith.addf %add3A_718, %get3A_726 : vector<16xf32>
          %mul3A_728 = arith.constant 2 : i32
          %mul3A_729 = arith.muli %mul3A_728, %add3A_679 : i32
          %add3A_730 = arith.constant 1 : i32
          %add3A_731 = arith.addi %mul3A_729, %add3A_730 : i32
          %get3A_732 = arith.constant 0 : i32
          %get3A_733 = arith.index_cast %get3A_732 : i32 to index
          %get3A_734 = arith.index_cast %add3A_731 : i32 to index
          %get3A_735 = arith.constant 48 : index
          %get3A_736 = tpu.vector_load %arg6[%get3A_733, %get3A_734, %get3A_735] {strides = array<i32>} : memref<2x256x64xf32, #tpu.memory_space<vmem>>, vector<1x1x16xf32>,
          %get3A_737 = vector.shape_cast %get3A_736 : vector<1x1x16xf32> to vector<16xf32>
          %add3A_738 = arith.addf %add3A_727, %get3A_737 : vector<16xf32>
          %max3A_739 = arith.constant 0.000000e+00 : f32
          %max3A_740 = vector.broadcast %max3A_739 : f32 to vector<16xf32>
          %max3A_741 = arith.maximumf %add3A_738, %max3A_740 : vector<16xf32>
          %swap3A_742 = arith.constant 0 : i32
          %swap3A_743 = arith.index_cast %swap3A_742 : i32 to index
          %swap3A_744 = arith.index_cast %add3A_679 : i32 to index
          %swap3A_745 = arith.constant 0 : index
          %swap3A_746 = tpu.vector_load %arg9[%swap3A_743, %swap3A_744, %swap3A_745] {strides = array<i32>} : memref<2x128x16xf32, #tpu.memory_space<vmem>>, vector<1x1x16xf32>,
          %swap3A_747 = vector.shape_cast %swap3A_746 : vector<1x1x16xf32> to vector<16xf32>
          %swap3A_748 = vector.shape_cast %max3A_741 : vector<16xf32> to vector<1x1x16xf32>
          tpu.vector_store %arg9[%swap3A_743, %swap3A_744, %swap3A_745], %swap3A_748 {strides = array<i32>} : memref<2x128x16xf32, #tpu.memory_space<vmem>>, vector<1x1x16xf32>,
          %mul3A_749 = arith.constant 4 : i32
          %mul3A_750 = arith.muli %scan3A_530, %mul3A_749 : i32
          %add3A_751 = arith.constant 3 : i32
          %add3A_752 = arith.addi %mul3A_750, %add3A_751 : i32
          %get3A_753 = arith.constant 0 : i32
          %get3A_754 = arith.index_cast %get3A_753 : i32 to index
          %get3A_755 = arith.index_cast %add3A_752 : i32 to index
          %get3A_756 = arith.constant 0 : index
          %get3A_757 = tpu.vector_load %arg4[%get3A_754, %get3A_755, %get3A_756] {strides = array<i32>} : memref<2x128x64xf32, #tpu.memory_space<vmem>>, vector<1x1x16xf32>,
          %get3A_758 = vector.shape_cast %get3A_757 : vector<1x1x16xf32> to vector<16xf32>
          %add3A_759 = arith.constant 1 : i32
          %add3A_760 = arith.addi %add3A_752, %add3A_759 : i32
          %jit3A_761 = arith.constant 2 : i32
          %div3A_762 = arith.divsi %add3A_760, %jit3A_761 : i32
          %sign3A_763 = arith.constant 0 : i32
          %sign3A_764 = arith.cmpi sgt, %add3A_760, %sign3A_763 : i32
          %sign3A_765 = arith.extui %sign3A_764 : i1 to i32
          %sign3A_766 = arith.constant 0 : i32
          %sign3A_767 = arith.cmpi slt, %add3A_760, %sign3A_766 : i32
          %sign3A_768 = arith.extui %sign3A_767 : i1 to i32
          %sign3A_769 = arith.subi %sign3A_765, %sign3A_768 : i32
          %sign3A_770 = arith.constant 0 : i32
          %sign3A_771 = arith.cmpi sgt, %jit3A_761, %sign3A_770 : i32
          %sign3A_772 = arith.extui %sign3A_771 : i1 to i32
          %sign3A_773 = arith.constant 0 : i32
          %sign3A_774 = arith.cmpi slt, %jit3A_761, %sign3A_773 : i32
          %sign3A_775 = arith.extui %sign3A_774 : i1 to i32
          %sign3A_776 = arith.subi %sign3A_772, %sign3A_775 : i32
          %ne3A_777 = arith.cmpi ne, %sign3A_769, %sign3A_776 : i32
          %rem3A_778 = arith.remsi %add3A_760, %jit3A_761 : i32
          %ne3A_779 = arith.constant 0 : i32
          %ne3A_780 = arith.cmpi ne, %rem3A_778, %ne3A_779 : i32
          %and3A_781 = arith.andi %ne3A_777, %ne3A_780 : i1
          %sub3A_782 = arith.constant 1 : i32
          %sub3A_783 = arith.subi %div3A_762, %sub3A_782 : i32
          %select_n3A_784 = arith.select %and3A_781, %sub3A_783, %div3A_762 : i32
          %get3A_785 = arith.constant 0 : i32
          %get3A_786 = arith.index_cast %get3A_785 : i32 to index
          %get3A_787 = arith.index_cast %select_n3A_784 : i32 to index
          %get3A_788 = arith.constant 16 : index
          %get3A_789 = tpu.vector_load %arg5[%get3A_786, %get3A_787, %get3A_788] {strides = array<i32>} : memref<2x66x64xf32, #tpu.memory_space<vmem>>, vector<1x1x16xf32>,
          %get3A_790 = vector.shape_cast %get3A_789 : vector<1x1x16xf32> to vector<16xf32>
          %add3A_791 = arith.addf %get3A_758, %get3A_790 : vector<16xf32>
          %mul3A_792 = arith.constant 2 : i32
          %mul3A_793 = arith.muli %mul3A_792, %add3A_752 : i32
          %get3A_794 = arith.constant 0 : i32
          %get3A_795 = arith.index_cast %get3A_794 : i32 to index
          %get3A_796 = arith.index_cast %mul3A_793 : i32 to index
          %get3A_797 = arith.constant 32 : index
          %get3A_798 = tpu.vector_load %arg6[%get3A_795, %get3A_796, %get3A_797] {strides = array<i32>} : memref<2x256x64xf32, #tpu.memory_space<vmem>>, vector<1x1x16xf32>,
          %get3A_799 = vector.shape_cast %get3A_798 : vector<1x1x16xf32> to vector<16xf32>
          %add3A_800 = arith.addf %add3A_791, %get3A_799 : vector<16xf32>
          %mul3A_801 = arith.constant 2 : i32
          %mul3A_802 = arith.muli %mul3A_801, %add3A_752 : i32
          %add3A_803 = arith.constant 1 : i32
          %add3A_804 = arith.addi %mul3A_802, %add3A_803 : i32
          %get3A_805 = arith.constant 0 : i32
          %get3A_806 = arith.index_cast %get3A_805 : i32 to index
          %get3A_807 = arith.index_cast %add3A_804 : i32 to index
          %get3A_808 = arith.constant 48 : index
          %get3A_809 = tpu.vector_load %arg6[%get3A_806, %get3A_807, %get3A_808] {strides = array<i32>} : memref<2x256x64xf32, #tpu.memory_space<vmem>>, vector<1x1x16xf32>,
          %get3A_810 = vector.shape_cast %get3A_809 : vector<1x1x16xf32> to vector<16xf32>
          %add3A_811 = arith.addf %add3A_800, %get3A_810 : vector<16xf32>
          %max3A_812 = arith.constant 0.000000e+00 : f32
          %max3A_813 = vector.broadcast %max3A_812 : f32 to vector<16xf32>
          %max3A_814 = arith.maximumf %add3A_811, %max3A_813 : vector<16xf32>
          %swap3A_815 = arith.constant 0 : i32
          %swap3A_816 = arith.index_cast %swap3A_815 : i32 to index
          %swap3A_817 = arith.index_cast %add3A_752 : i32 to index
          %swap3A_818 = arith.constant 0 : index
          %swap3A_819 = tpu.vector_load %arg9[%swap3A_816, %swap3A_817, %swap3A_818] {strides = array<i32>} : memref<2x128x16xf32, #tpu.memory_space<vmem>>, vector<1x1x16xf32>,
          %swap3A_820 = vector.shape_cast %swap3A_819 : vector<1x1x16xf32> to vector<16xf32>
          %swap3A_821 = vector.shape_cast %max3A_814 : vector<16xf32> to vector<1x1x16xf32>
          tpu.vector_store %arg9[%swap3A_816, %swap3A_817, %swap3A_818], %swap3A_821 {strides = array<i32>} : memref<2x128x16xf32, #tpu.memory_space<vmem>>, vector<1x1x16xf32>,
          %scan3A_822 = arith.constant 0 : i32
          scf.yield %scan3A_822 : i32
        }
        %scan3A_529 = arith.constant 32 : i32
      } else {
      }
      %lt3A_329 = arith.constant 8191 : i32
      %lt3A_330 = arith.cmpi slt, %add3A_317, %lt3A_329 : i32
      %add3A_331 = arith.constant 128 : i32
      %add3A_332 = arith.addi %add3A_317, %add3A_331 : i32
      %gt3A_333 = arith.constant 8191 : i32
      %gt3A_334 = arith.cmpi sgt, %add3A_332, %gt3A_333 : i32
      %and3A_335 = arith.andi %lt3A_330, %gt3A_334 : i1
      %convert_element_type3A_336 = arith.extui %and3A_335 : i1 to i32
      %cond3A_337 = arith.constant 0 : i32
      %cond3A_338 = arith.cmpi ne, %convert_element_type3A_336, %cond3A_337 : i32
      scf.if %cond3A_338 {
        %mul3A_523 = arith.constant 2 : i32
        %mul3A_524 = arith.muli %mul3A_523, %add3A_317 : i32
        %add3A_525 = arith.addi %mul3A_36, %mul3A_524 : i32
        %add3A_526 = arith.constant 1 : i32
        %add3A_527 = arith.addi %add3A_525, %add3A_526 : i32
        %run_scoped3A = arith.constant 0 : i32
        "tpu.region"() ({
          %run_scoped3A_571 = tpu.sem_alloc : memref<!tpu.dma_semaphore, #tpu.memory_space<semaphore_mem>>
          %dma_start3A_572 = arith.constant 0 : i32
          %dma_start3A_573 = arith.constant 0 : i32
          %dma_start3A_574 = tpu.memref_slice %arg6[%run_scoped3A, %dma_start3A_572, %dma_start3A_573] : memref<2x256x64xf32, #tpu.memory_space<vmem>> -> memref<1x255x64xf32, #tpu.memory_space<vmem>>
          %dma_start3A_575 = tpu.memref_squeeze %dma_start3A_574 : memref<1x255x64xf32, #tpu.memory_space<vmem>> -> memref<255x64xf32, #tpu.memory_space<vmem>>
          %dma_start3A_576 = arith.constant 0 : i32
          %dma_start3A_577 = tpu.memref_slice %arg2[%add3A_527, %dma_start3A_576] : memref<131072x64xf32, #tpu.memory_space<hbm>> -> memref<255x64xf32, #tpu.memory_space<hbm>>
          %dma_start3A_578 = arith.constant 0 : i32
          %dma_start3A_579 = arith.constant 0 : i32
          %dma_start3A_580 = tpu.memref_slice %arg6[%run_scoped3A, %dma_start3A_578, %dma_start3A_579] : memref<2x256x64xf32, #tpu.memory_space<vmem>> -> memref<1x255x64xf32, #tpu.memory_space<vmem>>
          %dma_start3A_581 = tpu.memref_squeeze %dma_start3A_580 : memref<1x255x64xf32, #tpu.memory_space<vmem>> -> memref<255x64xf32, #tpu.memory_space<vmem>>
          %dma_start3A_582 = arith.constant 0 : i32
          %dma_start3A_583 = tpu.memref_slice %arg2[%add3A_527, %dma_start3A_582] : memref<131072x64xf32, #tpu.memory_space<hbm>> -> memref<255x64xf32, #tpu.memory_space<hbm>>
          tpu.enqueue_dma source(%dma_start3A_583 : memref<255x64xf32, #tpu.memory_space<hbm>>) target(%dma_start3A_581 : memref<255x64xf32, #tpu.memory_space<vmem>>) target_semaphore(%run_scoped3A_571 : memref<!tpu.dma_semaphore, #tpu.memory_space<semaphore_mem>>)
          %dma_wait3A_584 = arith.constant 0 : i32
          %dma_wait3A_585 = arith.constant 0 : i32
          %dma_wait3A_586 = tpu.memref_slice %arg6[%run_scoped3A, %dma_wait3A_584, %dma_wait3A_585] : memref<2x256x64xf32, #tpu.memory_space<vmem>> -> memref<1x255x64xf32, #tpu.memory_space<vmem>>
          %dma_wait3A_587 = tpu.memref_squeeze %dma_wait3A_586 : memref<1x255x64xf32, #tpu.memory_space<vmem>> -> memref<255x64xf32, #tpu.memory_space<vmem>>
          %dma_wait3A_588 = arith.constant 0 : i32
          %dma_wait3A_589 = tpu.memref_slice %arg2[%add3A_527, %dma_wait3A_588] : memref<131072x64xf32, #tpu.memory_space<hbm>> -> memref<255x64xf32, #tpu.memory_space<hbm>>
          %dma_wait3A_590 = arith.constant 0 : i32
          %dma_wait3A_591 = arith.constant 0 : i32
          %dma_wait3A_592 = tpu.memref_slice %arg6[%run_scoped3A, %dma_wait3A_590, %dma_wait3A_591] : memref<2x256x64xf32, #tpu.memory_space<vmem>> -> memref<1x255x64xf32, #tpu.memory_space<vmem>>
          %dma_wait3A_593 = tpu.memref_squeeze %dma_wait3A_592 : memref<1x255x64xf32, #tpu.memory_space<vmem>> -> memref<255x64xf32, #tpu.memory_space<vmem>>
          %dma_wait3A_594 = arith.constant 0 : i32
          %dma_wait3A_595 = tpu.memref_slice %arg2[%add3A_527, %dma_wait3A_594] : memref<131072x64xf32, #tpu.memory_space<hbm>> -> memref<255x64xf32, #tpu.memory_space<hbm>>
          tpu.wait_dma2 semaphore(%run_scoped3A_571 : memref<!tpu.dma_semaphore, #tpu.memory_space<semaphore_mem>>) src(%dma_wait3A_595 : memref<255x64xf32, #tpu.memory_space<hbm>>) dst(%dma_wait3A_593 : memref<255x64xf32, #tpu.memory_space<vmem>>)
          tpu.yield
        }) : () -> ()
        %scan3A_528 = arith.constant 0 : i32
        %scan3A_529 = arith.constant 0 : i32
        %scan3A_530 = arith.constant 32 : i32
        %scan3A_531 = arith.addi %scan3A_529, %scan3A_530 : i32
        %scan3A_532 = arith.constant 1 : i32
        %scan3A_533 = scf.for %scan3A_571 = %scan3A_529 to %scan3A_531 step %scan3A_532 iter_args(%scan3A_572 = %scan3A_528) -> (i32)  : i32 {
          %mul3A_573 = arith.constant 4 : i32
          %mul3A_574 = arith.muli %scan3A_571, %mul3A_573 : i32
          %add3A_575 = arith.constant 0 : i32
          %add3A_576 = arith.addi %mul3A_574, %add3A_575 : i32
          %get3A_577 = arith.constant 0 : i32
          %get3A_578 = arith.index_cast %get3A_577 : i32 to index
          %get3A_579 = arith.index_cast %add3A_576 : i32 to index
          %get3A_580 = arith.constant 0 : index
          %get3A_581 = tpu.vector_load %arg4[%get3A_578, %get3A_579, %get3A_580] {strides = array<i32>} : memref<2x128x64xf32, #tpu.memory_space<vmem>>, vector<1x1x16xf32>,
          %get3A_582 = vector.shape_cast %get3A_581 : vector<1x1x16xf32> to vector<16xf32>
          %add3A_583 = arith.constant 1 : i32
          %add3A_584 = arith.addi %add3A_576, %add3A_583 : i32
          %jit3A_585 = arith.constant 2 : i32
          %div3A_586 = arith.divsi %add3A_584, %jit3A_585 : i32
          %sign3A_587 = arith.constant 0 : i32
          %sign3A_588 = arith.cmpi sgt, %add3A_584, %sign3A_587 : i32
          %sign3A_589 = arith.extui %sign3A_588 : i1 to i32
          %sign3A_590 = arith.constant 0 : i32
          %sign3A_591 = arith.cmpi slt, %add3A_584, %sign3A_590 : i32
          %sign3A_592 = arith.extui %sign3A_591 : i1 to i32
          %sign3A_593 = arith.subi %sign3A_589, %sign3A_592 : i32
          %sign3A_594 = arith.constant 0 : i32
          %sign3A_595 = arith.cmpi sgt, %jit3A_585, %sign3A_594 : i32
          %sign3A_596 = arith.extui %sign3A_595 : i1 to i32
          %sign3A_597 = arith.constant 0 : i32
          %sign3A_598 = arith.cmpi slt, %jit3A_585, %sign3A_597 : i32
          %sign3A_599 = arith.extui %sign3A_598 : i1 to i32
          %sign3A_600 = arith.subi %sign3A_596, %sign3A_599 : i32
          %ne3A_601 = arith.cmpi ne, %sign3A_593, %sign3A_600 : i32
          %rem3A_602 = arith.remsi %add3A_584, %jit3A_585 : i32
          %ne3A_603 = arith.constant 0 : i32
          %ne3A_604 = arith.cmpi ne, %rem3A_602, %ne3A_603 : i32
          %and3A_605 = arith.andi %ne3A_601, %ne3A_604 : i1
          %sub3A_606 = arith.constant 1 : i32
          %sub3A_607 = arith.subi %div3A_586, %sub3A_606 : i32
          %select_n3A_608 = arith.select %and3A_605, %sub3A_607, %div3A_586 : i32
          %get3A_609 = arith.constant 0 : i32
          %get3A_610 = arith.index_cast %get3A_609 : i32 to index
          %get3A_611 = arith.index_cast %select_n3A_608 : i32 to index
          %get3A_612 = arith.constant 16 : index
          %get3A_613 = tpu.vector_load %arg5[%get3A_610, %get3A_611, %get3A_612] {strides = array<i32>} : memref<2x66x64xf32, #tpu.memory_space<vmem>>, vector<1x1x16xf32>,
          %get3A_614 = vector.shape_cast %get3A_613 : vector<1x1x16xf32> to vector<16xf32>
          %add3A_615 = arith.addf %get3A_582, %get3A_614 : vector<16xf32>
          %mul3A_616 = arith.constant 2 : i32
          %mul3A_617 = arith.muli %mul3A_616, %add3A_576 : i32
          %get3A_618 = arith.constant 0 : i32
          %get3A_619 = arith.index_cast %get3A_618 : i32 to index
          %get3A_620 = arith.index_cast %mul3A_617 : i32 to index
          %get3A_621 = arith.constant 32 : index
          %get3A_622 = tpu.vector_load %arg6[%get3A_619, %get3A_620, %get3A_621] {strides = array<i32>} : memref<2x256x64xf32, #tpu.memory_space<vmem>>, vector<1x1x16xf32>,
          %get3A_623 = vector.shape_cast %get3A_622 : vector<1x1x16xf32> to vector<16xf32>
          %add3A_624 = arith.addf %add3A_615, %get3A_623 : vector<16xf32>
          %mul3A_625 = arith.constant 2 : i32
          %mul3A_626 = arith.muli %mul3A_625, %add3A_576 : i32
          %add3A_627 = arith.constant 1 : i32
          %add3A_628 = arith.addi %mul3A_626, %add3A_627 : i32
          %get3A_629 = arith.constant 0 : i32
          %get3A_630 = arith.index_cast %get3A_629 : i32 to index
          %get3A_631 = arith.index_cast %add3A_628 : i32 to index
          %get3A_632 = arith.constant 48 : index
          %get3A_633 = tpu.vector_load %arg6[%get3A_630, %get3A_631, %get3A_632] {strides = array<i32>} : memref<2x256x64xf32, #tpu.memory_space<vmem>>, vector<1x1x16xf32>,
          %get3A_634 = vector.shape_cast %get3A_633 : vector<1x1x16xf32> to vector<16xf32>
          %add3A_635 = arith.addf %add3A_624, %get3A_634 : vector<16xf32>
          %max3A_636 = arith.constant 0.000000e+00 : f32
          %max3A_637 = vector.broadcast %max3A_636 : f32 to vector<16xf32>
          %max3A_638 = arith.maximumf %add3A_635, %max3A_637 : vector<16xf32>
          %swap3A_639 = arith.constant 0 : i32
          %swap3A_640 = arith.index_cast %swap3A_639 : i32 to index
          %swap3A_641 = arith.index_cast %add3A_576 : i32 to index
          %swap3A_642 = arith.constant 0 : index
          %swap3A_643 = tpu.vector_load %arg9[%swap3A_640, %swap3A_641, %swap3A_642] {strides = array<i32>} : memref<2x128x16xf32, #tpu.memory_space<vmem>>, vector<1x1x16xf32>,
          %swap3A_644 = vector.shape_cast %swap3A_643 : vector<1x1x16xf32> to vector<16xf32>
          %swap3A_645 = vector.shape_cast %max3A_638 : vector<16xf32> to vector<1x1x16xf32>
          tpu.vector_store %arg9[%swap3A_640, %swap3A_641, %swap3A_642], %swap3A_645 {strides = array<i32>} : memref<2x128x16xf32, #tpu.memory_space<vmem>>, vector<1x1x16xf32>,
          %mul3A_646 = arith.constant 4 : i32
          %mul3A_647 = arith.muli %scan3A_571, %mul3A_646 : i32
          %add3A_648 = arith.constant 1 : i32
          %add3A_649 = arith.addi %mul3A_647, %add3A_648 : i32
          %get3A_650 = arith.constant 0 : i32
          %get3A_651 = arith.index_cast %get3A_650 : i32 to index
          %get3A_652 = arith.index_cast %add3A_649 : i32 to index
          %get3A_653 = arith.constant 0 : index
          %get3A_654 = tpu.vector_load %arg4[%get3A_651, %get3A_652, %get3A_653] {strides = array<i32>} : memref<2x128x64xf32, #tpu.memory_space<vmem>>, vector<1x1x16xf32>,
          %get3A_655 = vector.shape_cast %get3A_654 : vector<1x1x16xf32> to vector<16xf32>
          %add3A_656 = arith.constant 1 : i32
          %add3A_657 = arith.addi %add3A_649, %add3A_656 : i32
          %jit3A_658 = arith.constant 2 : i32
          %div3A_659 = arith.divsi %add3A_657, %jit3A_658 : i32
          %sign3A_660 = arith.constant 0 : i32
          %sign3A_661 = arith.cmpi sgt, %add3A_657, %sign3A_660 : i32
          %sign3A_662 = arith.extui %sign3A_661 : i1 to i32
          %sign3A_663 = arith.constant 0 : i32
          %sign3A_664 = arith.cmpi slt, %add3A_657, %sign3A_663 : i32
          %sign3A_665 = arith.extui %sign3A_664 : i1 to i32
          %sign3A_666 = arith.subi %sign3A_662, %sign3A_665 : i32
          %sign3A_667 = arith.constant 0 : i32
          %sign3A_668 = arith.cmpi sgt, %jit3A_658, %sign3A_667 : i32
          %sign3A_669 = arith.extui %sign3A_668 : i1 to i32
          %sign3A_670 = arith.constant 0 : i32
          %sign3A_671 = arith.cmpi slt, %jit3A_658, %sign3A_670 : i32
          %sign3A_672 = arith.extui %sign3A_671 : i1 to i32
          %sign3A_673 = arith.subi %sign3A_669, %sign3A_672 : i32
          %ne3A_674 = arith.cmpi ne, %sign3A_666, %sign3A_673 : i32
          %rem3A_675 = arith.remsi %add3A_657, %jit3A_658 : i32
          %ne3A_676 = arith.constant 0 : i32
          %ne3A_677 = arith.cmpi ne, %rem3A_675, %ne3A_676 : i32
          %and3A_678 = arith.andi %ne3A_674, %ne3A_677 : i1
          %sub3A_679 = arith.constant 1 : i32
          %sub3A_680 = arith.subi %div3A_659, %sub3A_679 : i32
          %select_n3A_681 = arith.select %and3A_678, %sub3A_680, %div3A_659 : i32
          %get3A_682 = arith.constant 0 : i32
          %get3A_683 = arith.index_cast %get3A_682 : i32 to index
          %get3A_684 = arith.index_cast %select_n3A_681 : i32 to index
          %get3A_685 = arith.constant 16 : index
          %get3A_686 = tpu.vector_load %arg5[%get3A_683, %get3A_684, %get3A_685] {strides = array<i32>} : memref<2x66x64xf32, #tpu.memory_space<vmem>>, vector<1x1x16xf32>,
          %get3A_687 = vector.shape_cast %get3A_686 : vector<1x1x16xf32> to vector<16xf32>
          %add3A_688 = arith.addf %get3A_655, %get3A_687 : vector<16xf32>
          %mul3A_689 = arith.constant 2 : i32
          %mul3A_690 = arith.muli %mul3A_689, %add3A_649 : i32
          %get3A_691 = arith.constant 0 : i32
          %get3A_692 = arith.index_cast %get3A_691 : i32 to index
          %get3A_693 = arith.index_cast %mul3A_690 : i32 to index
          %get3A_694 = arith.constant 32 : index
          %get3A_695 = tpu.vector_load %arg6[%get3A_692, %get3A_693, %get3A_694] {strides = array<i32>} : memref<2x256x64xf32, #tpu.memory_space<vmem>>, vector<1x1x16xf32>,
          %get3A_696 = vector.shape_cast %get3A_695 : vector<1x1x16xf32> to vector<16xf32>
          %add3A_697 = arith.addf %add3A_688, %get3A_696 : vector<16xf32>
          %mul3A_698 = arith.constant 2 : i32
          %mul3A_699 = arith.muli %mul3A_698, %add3A_649 : i32
          %add3A_700 = arith.constant 1 : i32
          %add3A_701 = arith.addi %mul3A_699, %add3A_700 : i32
          %get3A_702 = arith.constant 0 : i32
          %get3A_703 = arith.index_cast %get3A_702 : i32 to index
          %get3A_704 = arith.index_cast %add3A_701 : i32 to index
          %get3A_705 = arith.constant 48 : index
          %get3A_706 = tpu.vector_load %arg6[%get3A_703, %get3A_704, %get3A_705] {strides = array<i32>} : memref<2x256x64xf32, #tpu.memory_space<vmem>>, vector<1x1x16xf32>,
          %get3A_707 = vector.shape_cast %get3A_706 : vector<1x1x16xf32> to vector<16xf32>
          %add3A_708 = arith.addf %add3A_697, %get3A_707 : vector<16xf32>
          %max3A_709 = arith.constant 0.000000e+00 : f32
          %max3A_710 = vector.broadcast %max3A_709 : f32 to vector<16xf32>
          %max3A_711 = arith.maximumf %add3A_708, %max3A_710 : vector<16xf32>
          %swap3A_712 = arith.constant 0 : i32
          %swap3A_713 = arith.index_cast %swap3A_712 : i32 to index
          %swap3A_714 = arith.index_cast %add3A_649 : i32 to index
          %swap3A_715 = arith.constant 0 : index
          %swap3A_716 = tpu.vector_load %arg9[%swap3A_713, %swap3A_714, %swap3A_715] {strides = array<i32>} : memref<2x128x16xf32, #tpu.memory_space<vmem>>, vector<1x1x16xf32>,
          %swap3A_717 = vector.shape_cast %swap3A_716 : vector<1x1x16xf32> to vector<16xf32>
          %swap3A_718 = vector.shape_cast %max3A_711 : vector<16xf32> to vector<1x1x16xf32>
          tpu.vector_store %arg9[%swap3A_713, %swap3A_714, %swap3A_715], %swap3A_718 {strides = array<i32>} : memref<2x128x16xf32, #tpu.memory_space<vmem>>, vector<1x1x16xf32>,
          %mul3A_719 = arith.constant 4 : i32
          %mul3A_720 = arith.muli %scan3A_571, %mul3A_719 : i32
          %add3A_721 = arith.constant 2 : i32
          %add3A_722 = arith.addi %mul3A_720, %add3A_721 : i32
          %get3A_723 = arith.constant 0 : i32
          %get3A_724 = arith.index_cast %get3A_723 : i32 to index
          %get3A_725 = arith.index_cast %add3A_722 : i32 to index
          %get3A_726 = arith.constant 0 : index
          %get3A_727 = tpu.vector_load %arg4[%get3A_724, %get3A_725, %get3A_726] {strides = array<i32>} : memref<2x128x64xf32, #tpu.memory_space<vmem>>, vector<1x1x16xf32>,
          %get3A_728 = vector.shape_cast %get3A_727 : vector<1x1x16xf32> to vector<16xf32>
          %add3A_729 = arith.constant 1 : i32
          %add3A_730 = arith.addi %add3A_722, %add3A_729 : i32
          %jit3A_731 = arith.constant 2 : i32
          %div3A_732 = arith.divsi %add3A_730, %jit3A_731 : i32
          %sign3A_733 = arith.constant 0 : i32
          %sign3A_734 = arith.cmpi sgt, %add3A_730, %sign3A_733 : i32
          %sign3A_735 = arith.extui %sign3A_734 : i1 to i32
          %sign3A_736 = arith.constant 0 : i32
          %sign3A_737 = arith.cmpi slt, %add3A_730, %sign3A_736 : i32
          %sign3A_738 = arith.extui %sign3A_737 : i1 to i32
          %sign3A_739 = arith.subi %sign3A_735, %sign3A_738 : i32
          %sign3A_740 = arith.constant 0 : i32
          %sign3A_741 = arith.cmpi sgt, %jit3A_731, %sign3A_740 : i32
          %sign3A_742 = arith.extui %sign3A_741 : i1 to i32
          %sign3A_743 = arith.constant 0 : i32
          %sign3A_744 = arith.cmpi slt, %jit3A_731, %sign3A_743 : i32
          %sign3A_745 = arith.extui %sign3A_744 : i1 to i32
          %sign3A_746 = arith.subi %sign3A_742, %sign3A_745 : i32
          %ne3A_747 = arith.cmpi ne, %sign3A_739, %sign3A_746 : i32
          %rem3A_748 = arith.remsi %add3A_730, %jit3A_731 : i32
          %ne3A_749 = arith.constant 0 : i32
          %ne3A_750 = arith.cmpi ne, %rem3A_748, %ne3A_749 : i32
          %and3A_751 = arith.andi %ne3A_747, %ne3A_750 : i1
          %sub3A_752 = arith.constant 1 : i32
          %sub3A_753 = arith.subi %div3A_732, %sub3A_752 : i32
          %select_n3A_754 = arith.select %and3A_751, %sub3A_753, %div3A_732 : i32
          %get3A_755 = arith.constant 0 : i32
          %get3A_756 = arith.index_cast %get3A_755 : i32 to index
          %get3A_757 = arith.index_cast %select_n3A_754 : i32 to index
          %get3A_758 = arith.constant 16 : index
          %get3A_759 = tpu.vector_load %arg5[%get3A_756, %get3A_757, %get3A_758] {strides = array<i32>} : memref<2x66x64xf32, #tpu.memory_space<vmem>>, vector<1x1x16xf32>,
          %get3A_760 = vector.shape_cast %get3A_759 : vector<1x1x16xf32> to vector<16xf32>
          %add3A_761 = arith.addf %get3A_728, %get3A_760 : vector<16xf32>
          %mul3A_762 = arith.constant 2 : i32
          %mul3A_763 = arith.muli %mul3A_762, %add3A_722 : i32
          %get3A_764 = arith.constant 0 : i32
          %get3A_765 = arith.index_cast %get3A_764 : i32 to index
          %get3A_766 = arith.index_cast %mul3A_763 : i32 to index
          %get3A_767 = arith.constant 32 : index
          %get3A_768 = tpu.vector_load %arg6[%get3A_765, %get3A_766, %get3A_767] {strides = array<i32>} : memref<2x256x64xf32, #tpu.memory_space<vmem>>, vector<1x1x16xf32>,
          %get3A_769 = vector.shape_cast %get3A_768 : vector<1x1x16xf32> to vector<16xf32>
          %add3A_770 = arith.addf %add3A_761, %get3A_769 : vector<16xf32>
          %mul3A_771 = arith.constant 2 : i32
          %mul3A_772 = arith.muli %mul3A_771, %add3A_722 : i32
          %add3A_773 = arith.constant 1 : i32
          %add3A_774 = arith.addi %mul3A_772, %add3A_773 : i32
          %get3A_775 = arith.constant 0 : i32
          %get3A_776 = arith.index_cast %get3A_775 : i32 to index
          %get3A_777 = arith.index_cast %add3A_774 : i32 to index
          %get3A_778 = arith.constant 48 : index
          %get3A_779 = tpu.vector_load %arg6[%get3A_776, %get3A_777, %get3A_778] {strides = array<i32>} : memref<2x256x64xf32, #tpu.memory_space<vmem>>, vector<1x1x16xf32>,
          %get3A_780 = vector.shape_cast %get3A_779 : vector<1x1x16xf32> to vector<16xf32>
          %add3A_781 = arith.addf %add3A_770, %get3A_780 : vector<16xf32>
          %max3A_782 = arith.constant 0.000000e+00 : f32
          %max3A_783 = vector.broadcast %max3A_782 : f32 to vector<16xf32>
          %max3A_784 = arith.maximumf %add3A_781, %max3A_783 : vector<16xf32>
          %swap3A_785 = arith.constant 0 : i32
          %swap3A_786 = arith.index_cast %swap3A_785 : i32 to index
          %swap3A_787 = arith.index_cast %add3A_722 : i32 to index
          %swap3A_788 = arith.constant 0 : index
          %swap3A_789 = tpu.vector_load %arg9[%swap3A_786, %swap3A_787, %swap3A_788] {strides = array<i32>} : memref<2x128x16xf32, #tpu.memory_space<vmem>>, vector<1x1x16xf32>,
          %swap3A_790 = vector.shape_cast %swap3A_789 : vector<1x1x16xf32> to vector<16xf32>
          %swap3A_791 = vector.shape_cast %max3A_784 : vector<16xf32> to vector<1x1x16xf32>
          tpu.vector_store %arg9[%swap3A_786, %swap3A_787, %swap3A_788], %swap3A_791 {strides = array<i32>} : memref<2x128x16xf32, #tpu.memory_space<vmem>>, vector<1x1x16xf32>,
          %mul3A_792 = arith.constant 4 : i32
          %mul3A_793 = arith.muli %scan3A_571, %mul3A_792 : i32
          %add3A_794 = arith.constant 3 : i32
          %add3A_795 = arith.addi %mul3A_793, %add3A_794 : i32
          %get3A_796 = arith.constant 0 : i32
          %get3A_797 = arith.index_cast %get3A_796 : i32 to index
          %get3A_798 = arith.index_cast %add3A_795 : i32 to index
          %get3A_799 = arith.constant 0 : index
          %get3A_800 = tpu.vector_load %arg4[%get3A_797, %get3A_798, %get3A_799] {strides = array<i32>} : memref<2x128x64xf32, #tpu.memory_space<vmem>>, vector<1x1x16xf32>,
          %get3A_801 = vector.shape_cast %get3A_800 : vector<1x1x16xf32> to vector<16xf32>
          %add3A_802 = arith.constant 1 : i32
          %add3A_803 = arith.addi %add3A_795, %add3A_802 : i32
          %jit3A_804 = arith.constant 2 : i32
          %div3A_805 = arith.divsi %add3A_803, %jit3A_804 : i32
          %sign3A_806 = arith.constant 0 : i32
          %sign3A_807 = arith.cmpi sgt, %add3A_803, %sign3A_806 : i32
          %sign3A_808 = arith.extui %sign3A_807 : i1 to i32
          %sign3A_809 = arith.constant 0 : i32
          %sign3A_810 = arith.cmpi slt, %add3A_803, %sign3A_809 : i32
          %sign3A_811 = arith.extui %sign3A_810 : i1 to i32
          %sign3A_812 = arith.subi %sign3A_808, %sign3A_811 : i32
          %sign3A_813 = arith.constant 0 : i32
          %sign3A_814 = arith.cmpi sgt, %jit3A_804, %sign3A_813 : i32
          %sign3A_815 = arith.extui %sign3A_814 : i1 to i32
          %sign3A_816 = arith.constant 0 : i32
          %sign3A_817 = arith.cmpi slt, %jit3A_804, %sign3A_816 : i32
          %sign3A_818 = arith.extui %sign3A_817 : i1 to i32
          %sign3A_819 = arith.subi %sign3A_815, %sign3A_818 : i32
          %ne3A_820 = arith.cmpi ne, %sign3A_812, %sign3A_819 : i32
          %rem3A_821 = arith.remsi %add3A_803, %jit3A_804 : i32
          %ne3A_822 = arith.constant 0 : i32
          %ne3A_823 = arith.cmpi ne, %rem3A_821, %ne3A_822 : i32
          %and3A_824 = arith.andi %ne3A_820, %ne3A_823 : i1
          %sub3A_825 = arith.constant 1 : i32
          %sub3A_826 = arith.subi %div3A_805, %sub3A_825 : i32
          %select_n3A_827 = arith.select %and3A_824, %sub3A_826, %div3A_805 : i32
          %get3A_828 = arith.constant 0 : i32
          %get3A_829 = arith.index_cast %get3A_828 : i32 to index
          %get3A_830 = arith.index_cast %select_n3A_827 : i32 to index
          %get3A_831 = arith.constant 16 : index
          %get3A_832 = tpu.vector_load %arg5[%get3A_829, %get3A_830, %get3A_831] {strides = array<i32>} : memref<2x66x64xf32, #tpu.memory_space<vmem>>, vector<1x1x16xf32>,
          %get3A_833 = vector.shape_cast %get3A_832 : vector<1x1x16xf32> to vector<16xf32>
          %add3A_834 = arith.addf %get3A_801, %get3A_833 : vector<16xf32>
          %mul3A_835 = arith.constant 2 : i32
          %mul3A_836 = arith.muli %mul3A_835, %add3A_795 : i32
          %get3A_837 = arith.constant 0 : i32
          %get3A_838 = arith.index_cast %get3A_837 : i32 to index
          %get3A_839 = arith.index_cast %mul3A_836 : i32 to index
          %get3A_840 = arith.constant 32 : index
          %get3A_841 = tpu.vector_load %arg6[%get3A_838, %get3A_839, %get3A_840] {strides = array<i32>} : memref<2x256x64xf32, #tpu.memory_space<vmem>>, vector<1x1x16xf32>,
          %get3A_842 = vector.shape_cast %get3A_841 : vector<1x1x16xf32> to vector<16xf32>
          %add3A_843 = arith.addf %add3A_834, %get3A_842 : vector<16xf32>
          %mul3A_844 = arith.constant 2 : i32
          %mul3A_845 = arith.muli %mul3A_844, %add3A_795 : i32
          %add3A_846 = arith.constant 1 : i32
          %add3A_847 = arith.addi %mul3A_845, %add3A_846 : i32
          %get3A_848 = arith.constant 0 : i32
          %get3A_849 = arith.index_cast %get3A_848 : i32 to index
          %get3A_850 = arith.index_cast %add3A_847 : i32 to index
          %get3A_851 = arith.constant 48 : index
          %get3A_852 = tpu.vector_load %arg6[%get3A_849, %get3A_850, %get3A_851] {strides = array<i32>} : memref<2x256x64xf32, #tpu.memory_space<vmem>>, vector<1x1x16xf32>,
          %get3A_853 = vector.shape_cast %get3A_852 : vector<1x1x16xf32> to vector<16xf32>
          %add3A_854 = arith.addf %add3A_843, %get3A_853 : vector<16xf32>
          %max3A_855 = arith.constant 0.000000e+00 : f32
          %max3A_856 = vector.broadcast %max3A_855 : f32 to vector<16xf32>
          %max3A_857 = arith.maximumf %add3A_854, %max3A_856 : vector<16xf32>
          %swap3A_858 = arith.constant 0 : i32
          %swap3A_859 = arith.index_cast %swap3A_858 : i32 to index
          %swap3A_860 = arith.index_cast %add3A_795 : i32 to index
          %swap3A_861 = arith.constant 0 : index
          %swap3A_862 = tpu.vector_load %arg9[%swap3A_859, %swap3A_860, %swap3A_861] {strides = array<i32>} : memref<2x128x16xf32, #tpu.memory_space<vmem>>, vector<1x1x16xf32>,
          %swap3A_863 = vector.shape_cast %swap3A_862 : vector<1x1x16xf32> to vector<16xf32>
          %swap3A_864 = vector.shape_cast %max3A_857 : vector<16xf32> to vector<1x1x16xf32>
          tpu.vector_store %arg9[%swap3A_859, %swap3A_860, %swap3A_861], %swap3A_864 {strides = array<i32>} : memref<2x128x16xf32, #tpu.memory_space<vmem>>, vector<1x1x16xf32>,
          %scan3A_865 = arith.constant 0 : i32
          scf.yield %scan3A_865 : i32
        }
        %scan3A_534 = arith.constant 32 : i32
        %get3A = arith.constant 0 : i32
        %get3A_535 = arith.constant 127 : i32
        %get3A_536 = arith.index_cast %get3A : i32 to index
        %get3A_537 = arith.index_cast %get3A_535 : i32 to index
        %get3A_538 = arith.constant 0 : index
        %get3A_539 = tpu.vector_load %arg4[%get3A_536, %get3A_537, %get3A_538] {strides = array<i32>} : memref<2x128x64xf32, #tpu.memory_space<vmem>>, vector<1x1x16xf32>,
        %get3A_540 = vector.shape_cast %get3A_539 : vector<1x1x16xf32> to vector<16xf32>
        %get3A_541 = arith.constant 0 : i32
        %get3A_542 = arith.constant 64 : i32
        %get3A_543 = arith.index_cast %get3A_541 : i32 to index
        %get3A_544 = arith.index_cast %get3A_542 : i32 to index
        %get3A_545 = arith.constant 16 : index
        %get3A_546 = tpu.vector_load %arg5[%get3A_543, %get3A_544, %get3A_545] {strides = array<i32>} : memref<2x66x64xf32, #tpu.memory_space<vmem>>, vector<1x1x16xf32>,
        %get3A_547 = vector.shape_cast %get3A_546 : vector<1x1x16xf32> to vector<16xf32>
        %add3A_548 = arith.addf %get3A_540, %get3A_547 : vector<16xf32>
        %get3A_549 = arith.constant 0 : i32
        %get3A_550 = arith.index_cast %get3A_549 : i32 to index
        %get3A_551 = arith.constant 32 : index
        %get3A_552 = tpu.vector_load %arg7[%get3A_550, %get3A_551] {strides = array<i32>} : memref<1x64xf32, #tpu.memory_space<vmem>>, vector<1x16xf32>,
        %get3A_553 = vector.shape_cast %get3A_552 : vector<1x16xf32> to vector<16xf32>
        %add3A_554 = arith.addf %add3A_548, %get3A_553 : vector<16xf32>
        %get3A_555 = arith.constant 0 : i32
        %get3A_556 = arith.index_cast %get3A_555 : i32 to index
        %get3A_557 = arith.constant 48 : index
        %get3A_558 = tpu.vector_load %arg7[%get3A_556, %get3A_557] {strides = array<i32>} : memref<1x64xf32, #tpu.memory_space<vmem>>, vector<1x16xf32>,
        %get3A_559 = vector.shape_cast %get3A_558 : vector<1x16xf32> to vector<16xf32>
        %add3A_560 = arith.addf %add3A_554, %get3A_559 : vector<16xf32>
        %max3A_561 = arith.constant 0.000000e+00 : f32
        %max3A_562 = vector.broadcast %max3A_561 : f32 to vector<16xf32>
        %max3A_563 = arith.maximumf %add3A_560, %max3A_562 : vector<16xf32>
        %swap3A = arith.constant 0 : i32
        %swap3A_564 = arith.constant 127 : i32
        %swap3A_565 = arith.index_cast %swap3A : i32 to index
        %swap3A_566 = arith.index_cast %swap3A_564 : i32 to index
        %swap3A_567 = arith.constant 0 : index
        %swap3A_568 = tpu.vector_load %arg9[%swap3A_565, %swap3A_566, %swap3A_567] {strides = array<i32>} : memref<2x128x16xf32, #tpu.memory_space<vmem>>, vector<1x1x16xf32>,
        %swap3A_569 = vector.shape_cast %swap3A_568 : vector<1x1x16xf32> to vector<16xf32>
        %swap3A_570 = vector.shape_cast %max3A_563 : vector<16xf32> to vector<1x1x16xf32>
        tpu.vector_store %arg9[%swap3A_565, %swap3A_566, %swap3A_567], %swap3A_570 {strides = array<i32>} : memref<2x128x16xf32, #tpu.memory_space<vmem>>, vector<1x1x16xf32>,
      } else {
      }
      %ge3A = arith.constant 8191 : i32
      %ge3A_339 = arith.cmpi sge, %add3A_317, %ge3A : i32
      %convert_element_type3A_340 = arith.extui %ge3A_339 : i1 to i32
      %cond3A_341 = arith.constant 0 : i32
      %cond3A_342 = arith.cmpi ne, %convert_element_type3A_340, %cond3A_341 : i32
      scf.if %cond3A_342 {
        %get3A = arith.constant 0 : i32
        %get3A_523 = arith.index_cast %get3A : i32 to index
        %get3A_524 = arith.constant 32 : index
        %get3A_525 = tpu.vector_load %arg7[%get3A_523, %get3A_524] {strides = array<i32>} : memref<1x64xf32, #tpu.memory_space<vmem>>, vector<1x16xf32>,
        %get3A_526 = vector.shape_cast %get3A_525 : vector<1x16xf32> to vector<16xf32>
        %get3A_527 = arith.constant 0 : i32
        %get3A_528 = arith.index_cast %get3A_527 : i32 to index
        %get3A_529 = arith.constant 48 : index
        %get3A_530 = tpu.vector_load %arg7[%get3A_528, %get3A_529] {strides = array<i32>} : memref<1x64xf32, #tpu.memory_space<vmem>>, vector<1x16xf32>,
        %get3A_531 = vector.shape_cast %get3A_530 : vector<1x16xf32> to vector<16xf32>
        %add3A_532 = arith.addf %get3A_526, %get3A_531 : vector<16xf32>
        %scan3A_533 = arith.constant 0 : i32
        %scan3A_534 = arith.constant 0 : i32
        %scan3A_535 = arith.constant 32 : i32
        %scan3A_536 = arith.addi %scan3A_534, %scan3A_535 : i32
        %scan3A_537 = arith.constant 1 : i32
        %scan3A_538 = scf.for %scan3A_540 = %scan3A_534 to %scan3A_536 step %scan3A_537 iter_args(%scan3A_541 = %scan3A_533) -> (i32)  : i32 {
          %mul3A_542 = arith.constant 4 : i32
          %mul3A_543 = arith.muli %scan3A_540, %mul3A_542 : i32
          %add3A_544 = arith.constant 0 : i32
          %add3A_545 = arith.addi %mul3A_543, %add3A_544 : i32
          %get3A_546 = arith.constant 0 : i32
          %get3A_547 = arith.index_cast %get3A_546 : i32 to index
          %get3A_548 = arith.index_cast %add3A_545 : i32 to index
          %get3A_549 = arith.constant 0 : index
          %get3A_550 = tpu.vector_load %arg4[%get3A_547, %get3A_548, %get3A_549] {strides = array<i32>} : memref<2x128x64xf32, #tpu.memory_space<vmem>>, vector<1x1x16xf32>,
          %get3A_551 = vector.shape_cast %get3A_550 : vector<1x1x16xf32> to vector<16xf32>
          %add3A_552 = arith.constant 1 : i32
          %add3A_553 = arith.addi %add3A_545, %add3A_552 : i32
          %jit3A_554 = arith.constant 2 : i32
          %div3A_555 = arith.divsi %add3A_553, %jit3A_554 : i32
          %sign3A_556 = arith.constant 0 : i32
          %sign3A_557 = arith.cmpi sgt, %add3A_553, %sign3A_556 : i32
          %sign3A_558 = arith.extui %sign3A_557 : i1 to i32
          %sign3A_559 = arith.constant 0 : i32
          %sign3A_560 = arith.cmpi slt, %add3A_553, %sign3A_559 : i32
          %sign3A_561 = arith.extui %sign3A_560 : i1 to i32
          %sign3A_562 = arith.subi %sign3A_558, %sign3A_561 : i32
          %sign3A_563 = arith.constant 0 : i32
          %sign3A_564 = arith.cmpi sgt, %jit3A_554, %sign3A_563 : i32
          %sign3A_565 = arith.extui %sign3A_564 : i1 to i32
          %sign3A_566 = arith.constant 0 : i32
          %sign3A_567 = arith.cmpi slt, %jit3A_554, %sign3A_566 : i32
          %sign3A_568 = arith.extui %sign3A_567 : i1 to i32
          %sign3A_569 = arith.subi %sign3A_565, %sign3A_568 : i32
          %ne3A_570 = arith.cmpi ne, %sign3A_562, %sign3A_569 : i32
          %rem3A_571 = arith.remsi %add3A_553, %jit3A_554 : i32
          %ne3A_572 = arith.constant 0 : i32
          %ne3A_573 = arith.cmpi ne, %rem3A_571, %ne3A_572 : i32
          %and3A_574 = arith.andi %ne3A_570, %ne3A_573 : i1
          %sub3A_575 = arith.constant 1 : i32
          %sub3A_576 = arith.subi %div3A_555, %sub3A_575 : i32
          %select_n3A_577 = arith.select %and3A_574, %sub3A_576, %div3A_555 : i32
          %get3A_578 = arith.constant 0 : i32
          %get3A_579 = arith.index_cast %get3A_578 : i32 to index
          %get3A_580 = arith.index_cast %select_n3A_577 : i32 to index
          %get3A_581 = arith.constant 16 : index
          %get3A_582 = tpu.vector_load %arg5[%get3A_579, %get3A_580, %get3A_581] {strides = array<i32>} : memref<2x66x64xf32, #tpu.memory_space<vmem>>, vector<1x1x16xf32>,
          %get3A_583 = vector.shape_cast %get3A_582 : vector<1x1x16xf32> to vector<16xf32>
          %add3A_584 = arith.addf %get3A_551, %get3A_583 : vector<16xf32>
          %add3A_585 = arith.addf %add3A_584, %add3A_532 : vector<16xf32>
          %max3A_586 = arith.constant 0.000000e+00 : f32
          %max3A_587 = vector.broadcast %max3A_586 : f32 to vector<16xf32>
          %max3A_588 = arith.maximumf %add3A_585, %max3A_587 : vector<16xf32>
          %swap3A = arith.constant 0 : i32
          %swap3A_589 = arith.index_cast %swap3A : i32 to index
          %swap3A_590 = arith.index_cast %add3A_545 : i32 to index
          %swap3A_591 = arith.constant 0 : index
          %swap3A_592 = tpu.vector_load %arg9[%swap3A_589, %swap3A_590, %swap3A_591] {strides = array<i32>} : memref<2x128x16xf32, #tpu.memory_space<vmem>>, vector<1x1x16xf32>,
          %swap3A_593 = vector.shape_cast %swap3A_592 : vector<1x1x16xf32> to vector<16xf32>
          %swap3A_594 = vector.shape_cast %max3A_588 : vector<16xf32> to vector<1x1x16xf32>
          tpu.vector_store %arg9[%swap3A_589, %swap3A_590, %swap3A_591], %swap3A_594 {strides = array<i32>} : memref<2x128x16xf32, #tpu.memory_space<vmem>>, vector<1x1x16xf32>,
          %mul3A_595 = arith.constant 4 : i32
          %mul3A_596 = arith.muli %scan3A_540, %mul3A_595 : i32
          %add3A_597 = arith.constant 1 : i32
          %add3A_598 = arith.addi %mul3A_596, %add3A_597 : i32
          %get3A_599 = arith.constant 0 : i32
          %get3A_600 = arith.index_cast %get3A_599 : i32 to index
          %get3A_601 = arith.index_cast %add3A_598 : i32 to index
          %get3A_602 = arith.constant 0 : index
          %get3A_603 = tpu.vector_load %arg4[%get3A_600, %get3A_601, %get3A_602] {strides = array<i32>} : memref<2x128x64xf32, #tpu.memory_space<vmem>>, vector<1x1x16xf32>,
          %get3A_604 = vector.shape_cast %get3A_603 : vector<1x1x16xf32> to vector<16xf32>
          %add3A_605 = arith.constant 1 : i32
          %add3A_606 = arith.addi %add3A_598, %add3A_605 : i32
          %jit3A_607 = arith.constant 2 : i32
          %div3A_608 = arith.divsi %add3A_606, %jit3A_607 : i32
          %sign3A_609 = arith.constant 0 : i32
          %sign3A_610 = arith.cmpi sgt, %add3A_606, %sign3A_609 : i32
          %sign3A_611 = arith.extui %sign3A_610 : i1 to i32
          %sign3A_612 = arith.constant 0 : i32
          %sign3A_613 = arith.cmpi slt, %add3A_606, %sign3A_612 : i32
          %sign3A_614 = arith.extui %sign3A_613 : i1 to i32
          %sign3A_615 = arith.subi %sign3A_611, %sign3A_614 : i32
          %sign3A_616 = arith.constant 0 : i32
          %sign3A_617 = arith.cmpi sgt, %jit3A_607, %sign3A_616 : i32
          %sign3A_618 = arith.extui %sign3A_617 : i1 to i32
          %sign3A_619 = arith.constant 0 : i32
          %sign3A_620 = arith.cmpi slt, %jit3A_607, %sign3A_619 : i32
          %sign3A_621 = arith.extui %sign3A_620 : i1 to i32
          %sign3A_622 = arith.subi %sign3A_618, %sign3A_621 : i32
          %ne3A_623 = arith.cmpi ne, %sign3A_615, %sign3A_622 : i32
          %rem3A_624 = arith.remsi %add3A_606, %jit3A_607 : i32
          %ne3A_625 = arith.constant 0 : i32
          %ne3A_626 = arith.cmpi ne, %rem3A_624, %ne3A_625 : i32
          %and3A_627 = arith.andi %ne3A_623, %ne3A_626 : i1
          %sub3A_628 = arith.constant 1 : i32
          %sub3A_629 = arith.subi %div3A_608, %sub3A_628 : i32
          %select_n3A_630 = arith.select %and3A_627, %sub3A_629, %div3A_608 : i32
          %get3A_631 = arith.constant 0 : i32
          %get3A_632 = arith.index_cast %get3A_631 : i32 to index
          %get3A_633 = arith.index_cast %select_n3A_630 : i32 to index
          %get3A_634 = arith.constant 16 : index
          %get3A_635 = tpu.vector_load %arg5[%get3A_632, %get3A_633, %get3A_634] {strides = array<i32>} : memref<2x66x64xf32, #tpu.memory_space<vmem>>, vector<1x1x16xf32>,
          %get3A_636 = vector.shape_cast %get3A_635 : vector<1x1x16xf32> to vector<16xf32>
          %add3A_637 = arith.addf %get3A_604, %get3A_636 : vector<16xf32>
          %add3A_638 = arith.addf %add3A_637, %add3A_532 : vector<16xf32>
          %max3A_639 = arith.constant 0.000000e+00 : f32
          %max3A_640 = vector.broadcast %max3A_639 : f32 to vector<16xf32>
          %max3A_641 = arith.maximumf %add3A_638, %max3A_640 : vector<16xf32>
          %swap3A_642 = arith.constant 0 : i32
          %swap3A_643 = arith.index_cast %swap3A_642 : i32 to index
          %swap3A_644 = arith.index_cast %add3A_598 : i32 to index
          %swap3A_645 = arith.constant 0 : index
          %swap3A_646 = tpu.vector_load %arg9[%swap3A_643, %swap3A_644, %swap3A_645] {strides = array<i32>} : memref<2x128x16xf32, #tpu.memory_space<vmem>>, vector<1x1x16xf32>,
          %swap3A_647 = vector.shape_cast %swap3A_646 : vector<1x1x16xf32> to vector<16xf32>
          %swap3A_648 = vector.shape_cast %max3A_641 : vector<16xf32> to vector<1x1x16xf32>
          tpu.vector_store %arg9[%swap3A_643, %swap3A_644, %swap3A_645], %swap3A_648 {strides = array<i32>} : memref<2x128x16xf32, #tpu.memory_space<vmem>>, vector<1x1x16xf32>,
          %mul3A_649 = arith.constant 4 : i32
          %mul3A_650 = arith.muli %scan3A_540, %mul3A_649 : i32
          %add3A_651 = arith.constant 2 : i32
          %add3A_652 = arith.addi %mul3A_650, %add3A_651 : i32
          %get3A_653 = arith.constant 0 : i32
          %get3A_654 = arith.index_cast %get3A_653 : i32 to index
          %get3A_655 = arith.index_cast %add3A_652 : i32 to index
          %get3A_656 = arith.constant 0 : index
          %get3A_657 = tpu.vector_load %arg4[%get3A_654, %get3A_655, %get3A_656] {strides = array<i32>} : memref<2x128x64xf32, #tpu.memory_space<vmem>>, vector<1x1x16xf32>,
          %get3A_658 = vector.shape_cast %get3A_657 : vector<1x1x16xf32> to vector<16xf32>
          %add3A_659 = arith.constant 1 : i32
          %add3A_660 = arith.addi %add3A_652, %add3A_659 : i32
          %jit3A_661 = arith.constant 2 : i32
          %div3A_662 = arith.divsi %add3A_660, %jit3A_661 : i32
          %sign3A_663 = arith.constant 0 : i32
          %sign3A_664 = arith.cmpi sgt, %add3A_660, %sign3A_663 : i32
          %sign3A_665 = arith.extui %sign3A_664 : i1 to i32
          %sign3A_666 = arith.constant 0 : i32
          %sign3A_667 = arith.cmpi slt, %add3A_660, %sign3A_666 : i32
          %sign3A_668 = arith.extui %sign3A_667 : i1 to i32
          %sign3A_669 = arith.subi %sign3A_665, %sign3A_668 : i32
          %sign3A_670 = arith.constant 0 : i32
          %sign3A_671 = arith.cmpi sgt, %jit3A_661, %sign3A_670 : i32
          %sign3A_672 = arith.extui %sign3A_671 : i1 to i32
          %sign3A_673 = arith.constant 0 : i32
          %sign3A_674 = arith.cmpi slt, %jit3A_661, %sign3A_673 : i32
          %sign3A_675 = arith.extui %sign3A_674 : i1 to i32
          %sign3A_676 = arith.subi %sign3A_672, %sign3A_675 : i32
          %ne3A_677 = arith.cmpi ne, %sign3A_669, %sign3A_676 : i32
          %rem3A_678 = arith.remsi %add3A_660, %jit3A_661 : i32
          %ne3A_679 = arith.constant 0 : i32
          %ne3A_680 = arith.cmpi ne, %rem3A_678, %ne3A_679 : i32
          %and3A_681 = arith.andi %ne3A_677, %ne3A_680 : i1
          %sub3A_682 = arith.constant 1 : i32
          %sub3A_683 = arith.subi %div3A_662, %sub3A_682 : i32
          %select_n3A_684 = arith.select %and3A_681, %sub3A_683, %div3A_662 : i32
          %get3A_685 = arith.constant 0 : i32
          %get3A_686 = arith.index_cast %get3A_685 : i32 to index
          %get3A_687 = arith.index_cast %select_n3A_684 : i32 to index
          %get3A_688 = arith.constant 16 : index
          %get3A_689 = tpu.vector_load %arg5[%get3A_686, %get3A_687, %get3A_688] {strides = array<i32>} : memref<2x66x64xf32, #tpu.memory_space<vmem>>, vector<1x1x16xf32>,
          %get3A_690 = vector.shape_cast %get3A_689 : vector<1x1x16xf32> to vector<16xf32>
          %add3A_691 = arith.addf %get3A_658, %get3A_690 : vector<16xf32>
          %add3A_692 = arith.addf %add3A_691, %add3A_532 : vector<16xf32>
          %max3A_693 = arith.constant 0.000000e+00 : f32
          %max3A_694 = vector.broadcast %max3A_693 : f32 to vector<16xf32>
          %max3A_695 = arith.maximumf %add3A_692, %max3A_694 : vector<16xf32>
          %swap3A_696 = arith.constant 0 : i32
          %swap3A_697 = arith.index_cast %swap3A_696 : i32 to index
          %swap3A_698 = arith.index_cast %add3A_652 : i32 to index
          %swap3A_699 = arith.constant 0 : index
          %swap3A_700 = tpu.vector_load %arg9[%swap3A_697, %swap3A_698, %swap3A_699] {strides = array<i32>} : memref<2x128x16xf32, #tpu.memory_space<vmem>>, vector<1x1x16xf32>,
          %swap3A_701 = vector.shape_cast %swap3A_700 : vector<1x1x16xf32> to vector<16xf32>
          %swap3A_702 = vector.shape_cast %max3A_695 : vector<16xf32> to vector<1x1x16xf32>
          tpu.vector_store %arg9[%swap3A_697, %swap3A_698, %swap3A_699], %swap3A_702 {strides = array<i32>} : memref<2x128x16xf32, #tpu.memory_space<vmem>>, vector<1x1x16xf32>,
          %mul3A_703 = arith.constant 4 : i32
          %mul3A_704 = arith.muli %scan3A_540, %mul3A_703 : i32
          %add3A_705 = arith.constant 3 : i32
          %add3A_706 = arith.addi %mul3A_704, %add3A_705 : i32
          %get3A_707 = arith.constant 0 : i32
          %get3A_708 = arith.index_cast %get3A_707 : i32 to index
          %get3A_709 = arith.index_cast %add3A_706 : i32 to index
          %get3A_710 = arith.constant 0 : index
          %get3A_711 = tpu.vector_load %arg4[%get3A_708, %get3A_709, %get3A_710] {strides = array<i32>} : memref<2x128x64xf32, #tpu.memory_space<vmem>>, vector<1x1x16xf32>,
          %get3A_712 = vector.shape_cast %get3A_711 : vector<1x1x16xf32> to vector<16xf32>
          %add3A_713 = arith.constant 1 : i32
          %add3A_714 = arith.addi %add3A_706, %add3A_713 : i32
          %jit3A_715 = arith.constant 2 : i32
          %div3A_716 = arith.divsi %add3A_714, %jit3A_715 : i32
          %sign3A_717 = arith.constant 0 : i32
          %sign3A_718 = arith.cmpi sgt, %add3A_714, %sign3A_717 : i32
          %sign3A_719 = arith.extui %sign3A_718 : i1 to i32
          %sign3A_720 = arith.constant 0 : i32
          %sign3A_721 = arith.cmpi slt, %add3A_714, %sign3A_720 : i32
          %sign3A_722 = arith.extui %sign3A_721 : i1 to i32
          %sign3A_723 = arith.subi %sign3A_719, %sign3A_722 : i32
          %sign3A_724 = arith.constant 0 : i32
          %sign3A_725 = arith.cmpi sgt, %jit3A_715, %sign3A_724 : i32
          %sign3A_726 = arith.extui %sign3A_725 : i1 to i32
          %sign3A_727 = arith.constant 0 : i32
          %sign3A_728 = arith.cmpi slt, %jit3A_715, %sign3A_727 : i32
          %sign3A_729 = arith.extui %sign3A_728 : i1 to i32
          %sign3A_730 = arith.subi %sign3A_726, %sign3A_729 : i32
          %ne3A_731 = arith.cmpi ne, %sign3A_723, %sign3A_730 : i32
          %rem3A_732 = arith.remsi %add3A_714, %jit3A_715 : i32
          %ne3A_733 = arith.constant 0 : i32
          %ne3A_734 = arith.cmpi ne, %rem3A_732, %ne3A_733 : i32
          %and3A_735 = arith.andi %ne3A_731, %ne3A_734 : i1
          %sub3A_736 = arith.constant 1 : i32
          %sub3A_737 = arith.subi %div3A_716, %sub3A_736 : i32
          %select_n3A_738 = arith.select %and3A_735, %sub3A_737, %div3A_716 : i32
          %get3A_739 = arith.constant 0 : i32
          %get3A_740 = arith.index_cast %get3A_739 : i32 to index
          %get3A_741 = arith.index_cast %select_n3A_738 : i32 to index
          %get3A_742 = arith.constant 16 : index
          %get3A_743 = tpu.vector_load %arg5[%get3A_740, %get3A_741, %get3A_742] {strides = array<i32>} : memref<2x66x64xf32, #tpu.memory_space<vmem>>, vector<1x1x16xf32>,
          %get3A_744 = vector.shape_cast %get3A_743 : vector<1x1x16xf32> to vector<16xf32>
          %add3A_745 = arith.addf %get3A_712, %get3A_744 : vector<16xf32>
          %add3A_746 = arith.addf %add3A_745, %add3A_532 : vector<16xf32>
          %max3A_747 = arith.constant 0.000000e+00 : f32
          %max3A_748 = vector.broadcast %max3A_747 : f32 to vector<16xf32>
          %max3A_749 = arith.maximumf %add3A_746, %max3A_748 : vector<16xf32>
          %swap3A_750 = arith.constant 0 : i32
          %swap3A_751 = arith.index_cast %swap3A_750 : i32 to index
          %swap3A_752 = arith.index_cast %add3A_706 : i32 to index
          %swap3A_753 = arith.constant 0 : index
          %swap3A_754 = tpu.vector_load %arg9[%swap3A_751, %swap3A_752, %swap3A_753] {strides = array<i32>} : memref<2x128x16xf32, #tpu.memory_space<vmem>>, vector<1x1x16xf32>,
          %swap3A_755 = vector.shape_cast %swap3A_754 : vector<1x1x16xf32> to vector<16xf32>
          %swap3A_756 = vector.shape_cast %max3A_749 : vector<16xf32> to vector<1x1x16xf32>
          tpu.vector_store %arg9[%swap3A_751, %swap3A_752, %swap3A_753], %swap3A_756 {strides = array<i32>} : memref<2x128x16xf32, #tpu.memory_space<vmem>>, vector<1x1x16xf32>,
          %scan3A_757 = arith.constant 0 : i32
          scf.yield %scan3A_757 : i32
        }
        %scan3A_539 = arith.constant 32 : i32
      } else {
      }
      %add3A_343 = arith.constant 128 : i32
      %add3A_344 = arith.addi %add3A_317, %add3A_343 : i32
      %eq3A_345 = arith.constant 16384 : i32
      %eq3A_346 = arith.cmpi eq, %add3A_344, %eq3A_345 : i32
      %convert_element_type3A_347 = arith.extui %eq3A_346 : i1 to i32
      %cond3A_348 = arith.constant 0 : i32
      %cond3A_349 = arith.cmpi ne, %convert_element_type3A_347, %cond3A_348 : i32
      scf.if %cond3A_349 {
        %get3A = arith.constant 0 : i32
        %get3A_523 = arith.index_cast %get3A : i32 to index
        %get3A_524 = arith.constant 0 : index
        %get3A_525 = tpu.vector_load %arg8[%get3A_523, %get3A_524] {strides = array<i32>} : memref<1x64xf32, #tpu.memory_space<vmem>>, vector<1x16xf32>,
        %get3A_526 = vector.shape_cast %get3A_525 : vector<1x16xf32> to vector<16xf32>
        %get3A_527 = arith.constant 0 : i32
        %get3A_528 = arith.index_cast %get3A_527 : i32 to index
        %get3A_529 = arith.constant 16 : index
        %get3A_530 = tpu.vector_load %arg8[%get3A_528, %get3A_529] {strides = array<i32>} : memref<1x64xf32, #tpu.memory_space<vmem>>, vector<1x16xf32>,
        %get3A_531 = vector.shape_cast %get3A_530 : vector<1x16xf32> to vector<16xf32>
        %add3A_532 = arith.addf %get3A_526, %get3A_531 : vector<16xf32>
        %get3A_533 = arith.constant 0 : i32
        %get3A_534 = arith.index_cast %get3A_533 : i32 to index
        %get3A_535 = arith.constant 32 : index
        %get3A_536 = tpu.vector_load %arg8[%get3A_534, %get3A_535] {strides = array<i32>} : memref<1x64xf32, #tpu.memory_space<vmem>>, vector<1x16xf32>,
        %get3A_537 = vector.shape_cast %get3A_536 : vector<1x16xf32> to vector<16xf32>
        %add3A_538 = arith.addf %add3A_532, %get3A_537 : vector<16xf32>
        %get3A_539 = arith.constant 0 : i32
        %get3A_540 = arith.index_cast %get3A_539 : i32 to index
        %get3A_541 = arith.constant 48 : index
        %get3A_542 = tpu.vector_load %arg8[%get3A_540, %get3A_541] {strides = array<i32>} : memref<1x64xf32, #tpu.memory_space<vmem>>, vector<1x16xf32>,
        %get3A_543 = vector.shape_cast %get3A_542 : vector<1x16xf32> to vector<16xf32>
        %add3A_544 = arith.addf %add3A_538, %get3A_543 : vector<16xf32>
        %max3A_545 = arith.constant 0.000000e+00 : f32
        %max3A_546 = vector.broadcast %max3A_545 : f32 to vector<16xf32>
        %max3A_547 = arith.maximumf %add3A_544, %max3A_546 : vector<16xf32>
        %swap3A = arith.constant 0 : i32
        %swap3A_548 = arith.constant 127 : i32
        %swap3A_549 = arith.index_cast %swap3A : i32 to index
        %swap3A_550 = arith.index_cast %swap3A_548 : i32 to index
        %swap3A_551 = arith.constant 0 : index
        %swap3A_552 = tpu.vector_load %arg9[%swap3A_549, %swap3A_550, %swap3A_551] {strides = array<i32>} : memref<2x128x16xf32, #tpu.memory_space<vmem>>, vector<1x1x16xf32>,
        %swap3A_553 = vector.shape_cast %swap3A_552 : vector<1x1x16xf32> to vector<16xf32>
        %swap3A_554 = vector.shape_cast %max3A_547 : vector<16xf32> to vector<1x1x16xf32>
        tpu.vector_store %arg9[%swap3A_549, %swap3A_550, %swap3A_551], %swap3A_554 {strides = array<i32>} : memref<2x128x16xf32, #tpu.memory_space<vmem>>, vector<1x1x16xf32>,
      } else {
      }
      %ge3A_350 = arith.constant 2 : i32
      %ge3A_351 = arith.cmpi sge, %mul3A_154, %ge3A_350 : i32
      %convert_element_type3A_352 = arith.extui %ge3A_351 : i1 to i32
      %cond3A_353 = arith.constant 0 : i32
      %cond3A_354 = arith.cmpi ne, %convert_element_type3A_352, %cond3A_353 : i32
      scf.if %cond3A_354 {
        %sub3A_523 = arith.constant 2 : i32
        %sub3A_524 = arith.subi %mul3A_154, %sub3A_523 : i32
        %mul3A_525 = arith.constant 128 : i32
        %mul3A_526 = arith.muli %sub3A_524, %mul3A_525 : i32
        %add3A_527 = arith.addi %mul3A_34, %mul3A_526 : i32
        %dma_wait3A_528 = arith.constant 0 : i32
        %dma_wait3A_529 = arith.constant 0 : i32
        %dma_wait3A_530 = arith.constant 0 : i32
        %dma_wait3A_531 = tpu.memref_slice %arg9[%dma_wait3A_528, %dma_wait3A_529, %dma_wait3A_530] : memref<2x128x16xf32, #tpu.memory_space<vmem>> -> memref<1x128x16xf32, #tpu.memory_space<vmem>>
        %dma_wait3A_532 = tpu.memref_squeeze %dma_wait3A_531 : memref<1x128x16xf32, #tpu.memory_space<vmem>> -> memref<128x16xf32, #tpu.memory_space<vmem>>
        %dma_wait3A_533 = arith.constant 0 : i32
        %dma_wait3A_534 = tpu.memref_slice %arg3[%add3A_527, %dma_wait3A_533] : memref<131072x16xf32, #tpu.memory_space<hbm>> -> memref<128x16xf32, #tpu.memory_space<hbm>>
        %dma_wait3A_535 = arith.constant 0 : i32
        %dma_wait3A_536 = tpu.memref_slice %arg3[%add3A_527, %dma_wait3A_535] : memref<131072x16xf32, #tpu.memory_space<hbm>> -> memref<128x16xf32, #tpu.memory_space<hbm>>
        %dma_wait3A_537 = arith.constant 0 : i32
        %dma_wait3A_538 = arith.constant 0 : i32
        %dma_wait3A_539 = tpu.memref_slice %arg9[%dma_wait3A_528, %dma_wait3A_537, %dma_wait3A_538] : memref<2x128x16xf32, #tpu.memory_space<vmem>> -> memref<1x128x16xf32, #tpu.memory_space<vmem>>
        %dma_wait3A_540 = tpu.memref_squeeze %dma_wait3A_539 : memref<1x128x16xf32, #tpu.memory_space<vmem>> -> memref<128x16xf32, #tpu.memory_space<vmem>>
        tpu.wait_dma2 semaphore(%arg12 : memref<!tpu.dma_semaphore, #tpu.memory_space<semaphore_mem>>) src(%dma_wait3A_540 : memref<128x16xf32, #tpu.memory_space<vmem>>) dst(%dma_wait3A_536 : memref<128x16xf32, #tpu.memory_space<hbm>>)
      } else {
      }
      %mul3A_355 = arith.constant 128 : i32
      %mul3A_356 = arith.muli %mul3A_154, %mul3A_355 : i32
      %add3A_357 = arith.addi %mul3A_34, %mul3A_356 : i32
      %dma_start3A_358 = arith.constant 0 : i32
      %dma_start3A_359 = arith.constant 0 : i32
      %dma_start3A_360 = arith.constant 0 : i32
      %dma_start3A_361 = tpu.memref_slice %arg9[%dma_start3A_358, %dma_start3A_359, %dma_start3A_360] : memref<2x128x16xf32, #tpu.memory_space<vmem>> -> memref<1x128x16xf32, #tpu.memory_space<vmem>>
      %dma_start3A_362 = tpu.memref_squeeze %dma_start3A_361 : memref<1x128x16xf32, #tpu.memory_space<vmem>> -> memref<128x16xf32, #tpu.memory_space<vmem>>
      %dma_start3A_363 = arith.constant 0 : i32
      %dma_start3A_364 = tpu.memref_slice %arg3[%add3A_357, %dma_start3A_363] : memref<131072x16xf32, #tpu.memory_space<hbm>> -> memref<128x16xf32, #tpu.memory_space<hbm>>
      %dma_start3A_365 = arith.constant 0 : i32
      %dma_start3A_366 = tpu.memref_slice %arg3[%add3A_357, %dma_start3A_365] : memref<131072x16xf32, #tpu.memory_space<hbm>> -> memref<128x16xf32, #tpu.memory_space<hbm>>
      %dma_start3A_367 = arith.constant 0 : i32
      %dma_start3A_368 = arith.constant 0 : i32
      %dma_start3A_369 = tpu.memref_slice %arg9[%dma_start3A_358, %dma_start3A_367, %dma_start3A_368] : memref<2x128x16xf32, #tpu.memory_space<vmem>> -> memref<1x128x16xf32, #tpu.memory_space<vmem>>
      %dma_start3A_370 = tpu.memref_squeeze %dma_start3A_369 : memref<1x128x16xf32, #tpu.memory_space<vmem>> -> memref<128x16xf32, #tpu.memory_space<vmem>>
      tpu.enqueue_dma source(%dma_start3A_370 : memref<128x16xf32, #tpu.memory_space<vmem>>) target(%dma_start3A_366 : memref<128x16xf32, #tpu.memory_space<hbm>>) target_semaphore(%arg12 : memref<!tpu.dma_semaphore, #tpu.memory_space<semaphore_mem>>)
      %add3A_371 = arith.constant 1 : i32
      %add3A_372 = arith.addi %scan3A_151, %add3A_371 : i32
      %lt3A_373 = arith.constant 16 : i32
      %lt3A_374 = arith.cmpi slt, %add3A_372, %lt3A_373 : i32
      %convert_element_type3A_375 = arith.extui %lt3A_374 : i1 to i32
      %cond3A_376 = arith.constant 0 : i32
      %cond3A_377 = arith.cmpi ne, %convert_element_type3A_375, %cond3A_376 : i32
      scf.if %cond3A_377 {
        %add3A_523 = arith.constant 2 : i32
        %add3A_524 = arith.addi %mul3A_154, %add3A_523 : i32
        %mul3A_525 = arith.constant 128 : i32
        %mul3A_526 = arith.muli %add3A_524, %mul3A_525 : i32
        %add3A_527 = arith.addi %mul3A_32, %mul3A_526 : i32
        %jit3A_528 = arith.constant 2 : i32
        %div3A_529 = arith.divsi %add3A_527, %jit3A_528 : i32
        %sign3A_530 = arith.constant 0 : i32
        %sign3A_531 = arith.cmpi sgt, %add3A_527, %sign3A_530 : i32
        %sign3A_532 = arith.extui %sign3A_531 : i1 to i32
        %sign3A_533 = arith.constant 0 : i32
        %sign3A_534 = arith.cmpi slt, %add3A_527, %sign3A_533 : i32
        %sign3A_535 = arith.extui %sign3A_534 : i1 to i32
        %sign3A_536 = arith.subi %sign3A_532, %sign3A_535 : i32
        %sign3A_537 = arith.constant 0 : i32
        %sign3A_538 = arith.cmpi sgt, %jit3A_528, %sign3A_537 : i32
        %sign3A_539 = arith.extui %sign3A_538 : i1 to i32
        %sign3A_540 = arith.constant 0 : i32
        %sign3A_541 = arith.cmpi slt, %jit3A_528, %sign3A_540 : i32
        %sign3A_542 = arith.extui %sign3A_541 : i1 to i32
        %sign3A_543 = arith.subi %sign3A_539, %sign3A_542 : i32
        %ne3A_544 = arith.cmpi ne, %sign3A_536, %sign3A_543 : i32
        %rem3A_545 = arith.remsi %add3A_527, %jit3A_528 : i32
        %ne3A_546 = arith.constant 0 : i32
        %ne3A_547 = arith.cmpi ne, %rem3A_545, %ne3A_546 : i32
        %and3A_548 = arith.andi %ne3A_544, %ne3A_547 : i1
        %sub3A_549 = arith.constant 1 : i32
        %sub3A_550 = arith.subi %div3A_529, %sub3A_549 : i32
        %select_n3A_551 = arith.select %and3A_548, %sub3A_550, %div3A_529 : i32
        %sub3A_552 = arith.constant 1 : i32
        %sub3A_553 = arith.subi %select_n3A_551, %sub3A_552 : i32
        %max3A_554 = arith.constant 0 : i32
        %max3A_555 = arith.maxsi %sub3A_553, %max3A_554 : i32
        %add3A_556 = arith.addi %mul3A_36, %max3A_555 : i32
        %mul3A_557 = arith.constant 2 : i32
        %mul3A_558 = arith.muli %mul3A_557, %add3A_527 : i32
        %add3A_559 = arith.constant 1 : i32
        %add3A_560 = arith.addi %mul3A_558, %add3A_559 : i32
        %min3A_561 = arith.constant 16128 : i32
        %min3A_562 = arith.minsi %add3A_560, %min3A_561 : i32
        %add3A_563 = arith.addi %mul3A_36, %min3A_562 : i32
        %add3A_564 = arith.addi %mul3A_36, %add3A_527 : i32
        %dma_start3A_565 = arith.constant 0 : i32
        %dma_start3A_566 = arith.constant 0 : i32
        %dma_start3A_567 = arith.constant 0 : i32
        %dma_start3A_568 = tpu.memref_slice %arg4[%dma_start3A_565, %dma_start3A_566, %dma_start3A_567] : memref<2x128x64xf32, #tpu.memory_space<vmem>> -> memref<1x128x64xf32, #tpu.memory_space<vmem>>
        %dma_start3A_569 = tpu.memref_squeeze %dma_start3A_568 : memref<1x128x64xf32, #tpu.memory_space<vmem>> -> memref<128x64xf32, #tpu.memory_space<vmem>>
        %dma_start3A_570 = arith.constant 0 : i32
        %dma_start3A_571 = tpu.memref_slice %arg2[%add3A_564, %dma_start3A_570] : memref<131072x64xf32, #tpu.memory_space<hbm>> -> memref<128x64xf32, #tpu.memory_space<hbm>>
        %dma_start3A_572 = arith.constant 0 : i32
        %dma_start3A_573 = arith.constant 0 : i32
        %dma_start3A_574 = tpu.memref_slice %arg4[%dma_start3A_565, %dma_start3A_572, %dma_start3A_573] : memref<2x128x64xf32, #tpu.memory_space<vmem>> -> memref<1x128x64xf32, #tpu.memory_space<vmem>>
        %dma_start3A_575 = tpu.memref_squeeze %dma_start3A_574 : memref<1x128x64xf32, #tpu.memory_space<vmem>> -> memref<128x64xf32, #tpu.memory_space<vmem>>
        %dma_start3A_576 = arith.constant 0 : i32
        %dma_start3A_577 = tpu.memref_slice %arg2[%add3A_564, %dma_start3A_576] : memref<131072x64xf32, #tpu.memory_space<hbm>> -> memref<128x64xf32, #tpu.memory_space<hbm>>
        tpu.enqueue_dma source(%dma_start3A_577 : memref<128x64xf32, #tpu.memory_space<hbm>>) target(%dma_start3A_575 : memref<128x64xf32, #tpu.memory_space<vmem>>) target_semaphore(%arg10 : memref<!tpu.dma_semaphore, #tpu.memory_space<semaphore_mem>>)
        %dma_start3A_578 = arith.constant 0 : i32
        %dma_start3A_579 = arith.constant 0 : i32
        %dma_start3A_580 = arith.constant 0 : i32
        %dma_start3A_581 = tpu.memref_slice %arg5[%dma_start3A_578, %dma_start3A_579, %dma_start3A_580] : memref<2x66x64xf32, #tpu.memory_space<vmem>> -> memref<1x66x64xf32, #tpu.memory_space<vmem>>
        %dma_start3A_582 = tpu.memref_squeeze %dma_start3A_581 : memref<1x66x64xf32, #tpu.memory_space<vmem>> -> memref<66x64xf32, #tpu.memory_space<vmem>>
        %dma_start3A_583 = arith.constant 0 : i32
        %dma_start3A_584 = tpu.memref_slice %arg2[%add3A_556, %dma_start3A_583] : memref<131072x64xf32, #tpu.memory_space<hbm>> -> memref<66x64xf32, #tpu.memory_space<hbm>>
        %dma_start3A_585 = arith.constant 0 : i32
        %dma_start3A_586 = arith.constant 0 : i32
        %dma_start3A_587 = tpu.memref_slice %arg5[%dma_start3A_578, %dma_start3A_585, %dma_start3A_586] : memref<2x66x64xf32, #tpu.memory_space<vmem>> -> memref<1x66x64xf32, #tpu.memory_space<vmem>>
        %dma_start3A_588 = tpu.memref_squeeze %dma_start3A_587 : memref<1x66x64xf32, #tpu.memory_space<vmem>> -> memref<66x64xf32, #tpu.memory_space<vmem>>
        %dma_start3A_589 = arith.constant 0 : i32
        %dma_start3A_590 = tpu.memref_slice %arg2[%add3A_556, %dma_start3A_589] : memref<131072x64xf32, #tpu.memory_space<hbm>> -> memref<66x64xf32, #tpu.memory_space<hbm>>
        tpu.enqueue_dma source(%dma_start3A_590 : memref<66x64xf32, #tpu.memory_space<hbm>>) target(%dma_start3A_588 : memref<66x64xf32, #tpu.memory_space<vmem>>) target_semaphore(%arg10 : memref<!tpu.dma_semaphore, #tpu.memory_space<semaphore_mem>>)
        %dma_start3A_591 = arith.constant 0 : i32
        %dma_start3A_592 = arith.constant 0 : i32
        %dma_start3A_593 = arith.constant 0 : i32
        %dma_start3A_594 = tpu.memref_slice %arg6[%dma_start3A_591, %dma_start3A_592, %dma_start3A_593] : memref<2x256x64xf32, #tpu.memory_space<vmem>> -> memref<1x256x64xf32, #tpu.memory_space<vmem>>
        %dma_start3A_595 = tpu.memref_squeeze %dma_start3A_594 : memref<1x256x64xf32, #tpu.memory_space<vmem>> -> memref<256x64xf32, #tpu.memory_space<vmem>>
        %dma_start3A_596 = arith.constant 0 : i32
        %dma_start3A_597 = tpu.memref_slice %arg2[%add3A_563, %dma_start3A_596] : memref<131072x64xf32, #tpu.memory_space<hbm>> -> memref<256x64xf32, #tpu.memory_space<hbm>>
        %dma_start3A_598 = arith.constant 0 : i32
        %dma_start3A_599 = arith.constant 0 : i32
        %dma_start3A_600 = tpu.memref_slice %arg6[%dma_start3A_591, %dma_start3A_598, %dma_start3A_599] : memref<2x256x64xf32, #tpu.memory_space<vmem>> -> memref<1x256x64xf32, #tpu.memory_space<vmem>>
        %dma_start3A_601 = tpu.memref_squeeze %dma_start3A_600 : memref<1x256x64xf32, #tpu.memory_space<vmem>> -> memref<256x64xf32, #tpu.memory_space<vmem>>
        %dma_start3A_602 = arith.constant 0 : i32
        %dma_start3A_603 = tpu.memref_slice %arg2[%add3A_563, %dma_start3A_602] : memref<131072x64xf32, #tpu.memory_space<hbm>> -> memref<256x64xf32, #tpu.memory_space<hbm>>
        tpu.enqueue_dma source(%dma_start3A_603 : memref<256x64xf32, #tpu.memory_space<hbm>>) target(%dma_start3A_601 : memref<256x64xf32, #tpu.memory_space<vmem>>) target_semaphore(%arg10 : memref<!tpu.dma_semaphore, #tpu.memory_space<semaphore_mem>>)
      } else {
      }
      %add3A_378 = arith.constant 1 : i32
      %add3A_379 = arith.addi %mul3A_154, %add3A_378 : i32
      %mul3A_380 = arith.constant 128 : i32
      %mul3A_381 = arith.muli %add3A_379, %mul3A_380 : i32
      %add3A_382 = arith.addi %mul3A_32, %mul3A_381 : i32
      %jit3A_383 = arith.constant 2 : i32
      %div3A_384 = arith.divsi %add3A_382, %jit3A_383 : i32
      %sign3A_385 = arith.constant 0 : i32
      %sign3A_386 = arith.cmpi sgt, %add3A_382, %sign3A_385 : i32
      %sign3A_387 = arith.extui %sign3A_386 : i1 to i32
      %sign3A_388 = arith.constant 0 : i32
      %sign3A_389 = arith.cmpi slt, %add3A_382, %sign3A_388 : i32
      %sign3A_390 = arith.extui %sign3A_389 : i1 to i32
      %sign3A_391 = arith.subi %sign3A_387, %sign3A_390 : i32
      %sign3A_392 = arith.constant 0 : i32
      %sign3A_393 = arith.cmpi sgt, %jit3A_383, %sign3A_392 : i32
      %sign3A_394 = arith.extui %sign3A_393 : i1 to i32
      %sign3A_395 = arith.constant 0 : i32
      %sign3A_396 = arith.cmpi slt, %jit3A_383, %sign3A_395 : i32
      %sign3A_397 = arith.extui %sign3A_396 : i1 to i32
      %sign3A_398 = arith.subi %sign3A_394, %sign3A_397 : i32
      %ne3A_399 = arith.cmpi ne, %sign3A_391, %sign3A_398 : i32
      %rem3A_400 = arith.remsi %add3A_382, %jit3A_383 : i32
      %ne3A_401 = arith.constant 0 : i32
      %ne3A_402 = arith.cmpi ne, %rem3A_400, %ne3A_401 : i32
      %and3A_403 = arith.andi %ne3A_399, %ne3A_402 : i1
      %sub3A_404 = arith.constant 1 : i32
      %sub3A_405 = arith.subi %div3A_384, %sub3A_404 : i32
      %select_n3A_406 = arith.select %and3A_403, %sub3A_405, %div3A_384 : i32
      %sub3A_407 = arith.constant 1 : i32
      %sub3A_408 = arith.subi %select_n3A_406, %sub3A_407 : i32
      %max3A_409 = arith.constant 0 : i32
      %max3A_410 = arith.maxsi %sub3A_408, %max3A_409 : i32
      %add3A_411 = arith.addi %mul3A_36, %max3A_410 : i32
      %mul3A_412 = arith.constant 2 : i32
      %mul3A_413 = arith.muli %mul3A_412, %add3A_382 : i32
      %add3A_414 = arith.constant 1 : i32
      %add3A_415 = arith.addi %mul3A_413, %add3A_414 : i32
      %min3A_416 = arith.constant 16128 : i32
      %min3A_417 = arith.minsi %add3A_415, %min3A_416 : i32
      %add3A_418 = arith.addi %mul3A_36, %min3A_417 : i32
      %add3A_419 = arith.addi %mul3A_36, %add3A_382 : i32
      %dma_wait3A_420 = arith.constant 1 : i32
      %dma_wait3A_421 = arith.constant 0 : i32
      %dma_wait3A_422 = arith.constant 0 : i32
      %dma_wait3A_423 = tpu.memref_slice %arg4[%dma_wait3A_420, %dma_wait3A_421, %dma_wait3A_422] : memref<2x128x64xf32, #tpu.memory_space<vmem>> -> memref<1x128x64xf32, #tpu.memory_space<vmem>>
      %dma_wait3A_424 = tpu.memref_squeeze %dma_wait3A_423 : memref<1x128x64xf32, #tpu.memory_space<vmem>> -> memref<128x64xf32, #tpu.memory_space<vmem>>
      %dma_wait3A_425 = arith.constant 0 : i32
      %dma_wait3A_426 = tpu.memref_slice %arg2[%add3A_419, %dma_wait3A_425] : memref<131072x64xf32, #tpu.memory_space<hbm>> -> memref<128x64xf32, #tpu.memory_space<hbm>>
      %dma_wait3A_427 = arith.constant 0 : i32
      %dma_wait3A_428 = arith.constant 0 : i32
      %dma_wait3A_429 = tpu.memref_slice %arg4[%dma_wait3A_420, %dma_wait3A_427, %dma_wait3A_428] : memref<2x128x64xf32, #tpu.memory_space<vmem>> -> memref<1x128x64xf32, #tpu.memory_space<vmem>>
      %dma_wait3A_430 = tpu.memref_squeeze %dma_wait3A_429 : memref<1x128x64xf32, #tpu.memory_space<vmem>> -> memref<128x64xf32, #tpu.memory_space<vmem>>
      %dma_wait3A_431 = arith.constant 0 : i32
      %dma_wait3A_432 = tpu.memref_slice %arg2[%add3A_419, %dma_wait3A_431] : memref<131072x64xf32, #tpu.memory_space<hbm>> -> memref<128x64xf32, #tpu.memory_space<hbm>>
      tpu.wait_dma2 semaphore(%arg11 : memref<!tpu.dma_semaphore, #tpu.memory_space<semaphore_mem>>) src(%dma_wait3A_432 : memref<128x64xf32, #tpu.memory_space<hbm>>) dst(%dma_wait3A_430 : memref<128x64xf32, #tpu.memory_space<vmem>>)
      %dma_wait3A_433 = arith.constant 1 : i32
      %dma_wait3A_434 = arith.constant 0 : i32
      %dma_wait3A_435 = arith.constant 0 : i32
      %dma_wait3A_436 = tpu.memref_slice %arg5[%dma_wait3A_433, %dma_wait3A_434, %dma_wait3A_435] : memref<2x66x64xf32, #tpu.memory_space<vmem>> -> memref<1x66x64xf32, #tpu.memory_space<vmem>>
      %dma_wait3A_437 = tpu.memref_squeeze %dma_wait3A_436 : memref<1x66x64xf32, #tpu.memory_space<vmem>> -> memref<66x64xf32, #tpu.memory_space<vmem>>
      %dma_wait3A_438 = arith.constant 0 : i32
      %dma_wait3A_439 = tpu.memref_slice %arg2[%add3A_411, %dma_wait3A_438] : memref<131072x64xf32, #tpu.memory_space<hbm>> -> memref<66x64xf32, #tpu.memory_space<hbm>>
      %dma_wait3A_440 = arith.constant 0 : i32
      %dma_wait3A_441 = arith.constant 0 : i32
      %dma_wait3A_442 = tpu.memref_slice %arg5[%dma_wait3A_433, %dma_wait3A_440, %dma_wait3A_441] : memref<2x66x64xf32, #tpu.memory_space<vmem>> -> memref<1x66x64xf32, #tpu.memory_space<vmem>>
      %dma_wait3A_443 = tpu.memref_squeeze %dma_wait3A_442 : memref<1x66x64xf32, #tpu.memory_space<vmem>> -> memref<66x64xf32, #tpu.memory_space<vmem>>
      %dma_wait3A_444 = arith.constant 0 : i32
      %dma_wait3A_445 = tpu.memref_slice %arg2[%add3A_411, %dma_wait3A_444] : memref<131072x64xf32, #tpu.memory_space<hbm>> -> memref<66x64xf32, #tpu.memory_space<hbm>>
      tpu.wait_dma2 semaphore(%arg11 : memref<!tpu.dma_semaphore, #tpu.memory_space<semaphore_mem>>) src(%dma_wait3A_445 : memref<66x64xf32, #tpu.memory_space<hbm>>) dst(%dma_wait3A_443 : memref<66x64xf32, #tpu.memory_space<vmem>>)
      %dma_wait3A_446 = arith.constant 1 : i32
      %dma_wait3A_447 = arith.constant 0 : i32
      %dma_wait3A_448 = arith.constant 0 : i32
      %dma_wait3A_449 = tpu.memref_slice %arg6[%dma_wait3A_446, %dma_wait3A_447, %dma_wait3A_448] : memref<2x256x64xf32, #tpu.memory_space<vmem>> -> memref<1x256x64xf32, #tpu.memory_space<vmem>>
      %dma_wait3A_450 = tpu.memref_squeeze %dma_wait3A_449 : memref<1x256x64xf32, #tpu.memory_space<vmem>> -> memref<256x64xf32, #tpu.memory_space<vmem>>
      %dma_wait3A_451 = arith.constant 0 : i32
      %dma_wait3A_452 = tpu.memref_slice %arg2[%add3A_418, %dma_wait3A_451] : memref<131072x64xf32, #tpu.memory_space<hbm>> -> memref<256x64xf32, #tpu.memory_space<hbm>>
      %dma_wait3A_453 = arith.constant 0 : i32
      %dma_wait3A_454 = arith.constant 0 : i32
      %dma_wait3A_455 = tpu.memref_slice %arg6[%dma_wait3A_446, %dma_wait3A_453, %dma_wait3A_454] : memref<2x256x64xf32, #tpu.memory_space<vmem>> -> memref<1x256x64xf32, #tpu.memory_space<vmem>>
      %dma_wait3A_456 = tpu.memref_squeeze %dma_wait3A_455 : memref<1x256x64xf32, #tpu.memory_space<vmem>> -> memref<256x64xf32, #tpu.memory_space<vmem>>
      %dma_wait3A_457 = arith.constant 0 : i32
      %dma_wait3A_458 = tpu.memref_slice %arg2[%add3A_418, %dma_wait3A_457] : memref<131072x64xf32, #tpu.memory_space<hbm>> -> memref<256x64xf32, #tpu.memory_space<hbm>>
      tpu.wait_dma2 semaphore(%arg11 : memref<!tpu.dma_semaphore, #tpu.memory_space<semaphore_mem>>) src(%dma_wait3A_458 : memref<256x64xf32, #tpu.memory_space<hbm>>) dst(%dma_wait3A_456 : memref<256x64xf32, #tpu.memory_space<vmem>>)
      %add3A_459 = arith.constant 1 : i32
      %add3A_460 = arith.addi %mul3A_154, %add3A_459 : i32
      %mul3A_461 = arith.constant 128 : i32
      %mul3A_462 = arith.muli %add3A_460, %mul3A_461 : i32
      %add3A_463 = arith.addi %mul3A_32, %mul3A_462 : i32
      %eq3A_464 = arith.constant 0 : i32
      %eq3A_465 = arith.cmpi eq, %add3A_463, %eq3A_464 : i32
      %convert_element_type3A_466 = arith.extui %eq3A_465 : i1 to i32
      %cond3A_467 = arith.constant 0 : i32
      %cond3A_468 = arith.cmpi ne, %convert_element_type3A_466, %cond3A_467 : i32
      scf.if %cond3A_468 {
        %scan3A_523 = arith.constant 0 : i32
        %scan3A_524 = arith.constant 0 : i32
        %scan3A_525 = arith.constant 32 : i32
        %scan3A_526 = arith.addi %scan3A_524, %scan3A_525 : i32
        %scan3A_527 = arith.constant 1 : i32
        %scan3A_528 = scf.for %scan3A_568 = %scan3A_524 to %scan3A_526 step %scan3A_527 iter_args(%scan3A_569 = %scan3A_523) -> (i32)  : i32 {
          %mul3A_570 = arith.constant 4 : i32
          %mul3A_571 = arith.muli %scan3A_568, %mul3A_570 : i32
          %add3A_572 = arith.constant 0 : i32
          %add3A_573 = arith.addi %mul3A_571, %add3A_572 : i32
          %get3A_574 = arith.constant 1 : i32
          %get3A_575 = arith.index_cast %get3A_574 : i32 to index
          %get3A_576 = arith.index_cast %add3A_573 : i32 to index
          %get3A_577 = arith.constant 0 : index
          %get3A_578 = tpu.vector_load %arg4[%get3A_575, %get3A_576, %get3A_577] {strides = array<i32>} : memref<2x128x64xf32, #tpu.memory_space<vmem>>, vector<1x1x16xf32>,
          %get3A_579 = vector.shape_cast %get3A_578 : vector<1x1x16xf32> to vector<16xf32>
          %sub3A_580 = arith.constant 1 : i32
          %sub3A_581 = arith.subi %add3A_573, %sub3A_580 : i32
          %max3A_582 = arith.constant 0 : i32
          %max3A_583 = arith.maxsi %sub3A_581, %max3A_582 : i32
          %jit3A_584 = arith.constant 2 : i32
          %div3A_585 = arith.divsi %max3A_583, %jit3A_584 : i32
          %sign3A_586 = arith.constant 0 : i32
          %sign3A_587 = arith.cmpi sgt, %max3A_583, %sign3A_586 : i32
          %sign3A_588 = arith.extui %sign3A_587 : i1 to i32
          %sign3A_589 = arith.constant 0 : i32
          %sign3A_590 = arith.cmpi slt, %max3A_583, %sign3A_589 : i32
          %sign3A_591 = arith.extui %sign3A_590 : i1 to i32
          %sign3A_592 = arith.subi %sign3A_588, %sign3A_591 : i32
          %sign3A_593 = arith.constant 0 : i32
          %sign3A_594 = arith.cmpi sgt, %jit3A_584, %sign3A_593 : i32
          %sign3A_595 = arith.extui %sign3A_594 : i1 to i32
          %sign3A_596 = arith.constant 0 : i32
          %sign3A_597 = arith.cmpi slt, %jit3A_584, %sign3A_596 : i32
          %sign3A_598 = arith.extui %sign3A_597 : i1 to i32
          %sign3A_599 = arith.subi %sign3A_595, %sign3A_598 : i32
          %ne3A_600 = arith.cmpi ne, %sign3A_592, %sign3A_599 : i32
          %rem3A_601 = arith.remsi %max3A_583, %jit3A_584 : i32
          %ne3A_602 = arith.constant 0 : i32
          %ne3A_603 = arith.cmpi ne, %rem3A_601, %ne3A_602 : i32
          %and3A_604 = arith.andi %ne3A_600, %ne3A_603 : i1
          %sub3A_605 = arith.constant 1 : i32
          %sub3A_606 = arith.subi %div3A_585, %sub3A_605 : i32
          %select_n3A_607 = arith.select %and3A_604, %sub3A_606, %div3A_585 : i32
          %get3A_608 = arith.constant 1 : i32
          %get3A_609 = arith.index_cast %get3A_608 : i32 to index
          %get3A_610 = arith.index_cast %select_n3A_607 : i32 to index
          %get3A_611 = arith.constant 16 : index
          %get3A_612 = tpu.vector_load %arg5[%get3A_609, %get3A_610, %get3A_611] {strides = array<i32>} : memref<2x66x64xf32, #tpu.memory_space<vmem>>, vector<1x1x16xf32>,
          %get3A_613 = vector.shape_cast %get3A_612 : vector<1x1x16xf32> to vector<16xf32>
          %add3A_614 = arith.addf %get3A_579, %get3A_613 : vector<16xf32>
          %mul3A_615 = arith.constant 2 : i32
          %mul3A_616 = arith.muli %mul3A_615, %add3A_573 : i32
          %get3A_617 = arith.constant 1 : i32
          %get3A_618 = arith.index_cast %get3A_617 : i32 to index
          %get3A_619 = arith.index_cast %mul3A_616 : i32 to index
          %get3A_620 = arith.constant 32 : index
          %get3A_621 = tpu.vector_load %arg6[%get3A_618, %get3A_619, %get3A_620] {strides = array<i32>} : memref<2x256x64xf32, #tpu.memory_space<vmem>>, vector<1x1x16xf32>,
          %get3A_622 = vector.shape_cast %get3A_621 : vector<1x1x16xf32> to vector<16xf32>
          %add3A_623 = arith.addf %add3A_614, %get3A_622 : vector<16xf32>
          %mul3A_624 = arith.constant 2 : i32
          %mul3A_625 = arith.muli %mul3A_624, %add3A_573 : i32
          %add3A_626 = arith.constant 1 : i32
          %add3A_627 = arith.addi %mul3A_625, %add3A_626 : i32
          %get3A_628 = arith.constant 1 : i32
          %get3A_629 = arith.index_cast %get3A_628 : i32 to index
          %get3A_630 = arith.index_cast %add3A_627 : i32 to index
          %get3A_631 = arith.constant 48 : index
          %get3A_632 = tpu.vector_load %arg6[%get3A_629, %get3A_630, %get3A_631] {strides = array<i32>} : memref<2x256x64xf32, #tpu.memory_space<vmem>>, vector<1x1x16xf32>,
          %get3A_633 = vector.shape_cast %get3A_632 : vector<1x1x16xf32> to vector<16xf32>
          %add3A_634 = arith.addf %add3A_623, %get3A_633 : vector<16xf32>
          %max3A_635 = arith.constant 0.000000e+00 : f32
          %max3A_636 = vector.broadcast %max3A_635 : f32 to vector<16xf32>
          %max3A_637 = arith.maximumf %add3A_634, %max3A_636 : vector<16xf32>
          %swap3A_638 = arith.constant 1 : i32
          %swap3A_639 = arith.index_cast %swap3A_638 : i32 to index
          %swap3A_640 = arith.index_cast %add3A_573 : i32 to index
          %swap3A_641 = arith.constant 0 : index
          %swap3A_642 = tpu.vector_load %arg9[%swap3A_639, %swap3A_640, %swap3A_641] {strides = array<i32>} : memref<2x128x16xf32, #tpu.memory_space<vmem>>, vector<1x1x16xf32>,
          %swap3A_643 = vector.shape_cast %swap3A_642 : vector<1x1x16xf32> to vector<16xf32>
          %swap3A_644 = vector.shape_cast %max3A_637 : vector<16xf32> to vector<1x1x16xf32>
          tpu.vector_store %arg9[%swap3A_639, %swap3A_640, %swap3A_641], %swap3A_644 {strides = array<i32>} : memref<2x128x16xf32, #tpu.memory_space<vmem>>, vector<1x1x16xf32>,
          %mul3A_645 = arith.constant 4 : i32
          %mul3A_646 = arith.muli %scan3A_568, %mul3A_645 : i32
          %add3A_647 = arith.constant 1 : i32
          %add3A_648 = arith.addi %mul3A_646, %add3A_647 : i32
          %get3A_649 = arith.constant 1 : i32
          %get3A_650 = arith.index_cast %get3A_649 : i32 to index
          %get3A_651 = arith.index_cast %add3A_648 : i32 to index
          %get3A_652 = arith.constant 0 : index
          %get3A_653 = tpu.vector_load %arg4[%get3A_650, %get3A_651, %get3A_652] {strides = array<i32>} : memref<2x128x64xf32, #tpu.memory_space<vmem>>, vector<1x1x16xf32>,
          %get3A_654 = vector.shape_cast %get3A_653 : vector<1x1x16xf32> to vector<16xf32>
          %sub3A_655 = arith.constant 1 : i32
          %sub3A_656 = arith.subi %add3A_648, %sub3A_655 : i32
          %max3A_657 = arith.constant 0 : i32
          %max3A_658 = arith.maxsi %sub3A_656, %max3A_657 : i32
          %jit3A_659 = arith.constant 2 : i32
          %div3A_660 = arith.divsi %max3A_658, %jit3A_659 : i32
          %sign3A_661 = arith.constant 0 : i32
          %sign3A_662 = arith.cmpi sgt, %max3A_658, %sign3A_661 : i32
          %sign3A_663 = arith.extui %sign3A_662 : i1 to i32
          %sign3A_664 = arith.constant 0 : i32
          %sign3A_665 = arith.cmpi slt, %max3A_658, %sign3A_664 : i32
          %sign3A_666 = arith.extui %sign3A_665 : i1 to i32
          %sign3A_667 = arith.subi %sign3A_663, %sign3A_666 : i32
          %sign3A_668 = arith.constant 0 : i32
          %sign3A_669 = arith.cmpi sgt, %jit3A_659, %sign3A_668 : i32
          %sign3A_670 = arith.extui %sign3A_669 : i1 to i32
          %sign3A_671 = arith.constant 0 : i32
          %sign3A_672 = arith.cmpi slt, %jit3A_659, %sign3A_671 : i32
          %sign3A_673 = arith.extui %sign3A_672 : i1 to i32
          %sign3A_674 = arith.subi %sign3A_670, %sign3A_673 : i32
          %ne3A_675 = arith.cmpi ne, %sign3A_667, %sign3A_674 : i32
          %rem3A_676 = arith.remsi %max3A_658, %jit3A_659 : i32
          %ne3A_677 = arith.constant 0 : i32
          %ne3A_678 = arith.cmpi ne, %rem3A_676, %ne3A_677 : i32
          %and3A_679 = arith.andi %ne3A_675, %ne3A_678 : i1
          %sub3A_680 = arith.constant 1 : i32
          %sub3A_681 = arith.subi %div3A_660, %sub3A_680 : i32
          %select_n3A_682 = arith.select %and3A_679, %sub3A_681, %div3A_660 : i32
          %get3A_683 = arith.constant 1 : i32
          %get3A_684 = arith.index_cast %get3A_683 : i32 to index
          %get3A_685 = arith.index_cast %select_n3A_682 : i32 to index
          %get3A_686 = arith.constant 16 : index
          %get3A_687 = tpu.vector_load %arg5[%get3A_684, %get3A_685, %get3A_686] {strides = array<i32>} : memref<2x66x64xf32, #tpu.memory_space<vmem>>, vector<1x1x16xf32>,
          %get3A_688 = vector.shape_cast %get3A_687 : vector<1x1x16xf32> to vector<16xf32>
          %add3A_689 = arith.addf %get3A_654, %get3A_688 : vector<16xf32>
          %mul3A_690 = arith.constant 2 : i32
          %mul3A_691 = arith.muli %mul3A_690, %add3A_648 : i32
          %get3A_692 = arith.constant 1 : i32
          %get3A_693 = arith.index_cast %get3A_692 : i32 to index
          %get3A_694 = arith.index_cast %mul3A_691 : i32 to index
          %get3A_695 = arith.constant 32 : index
          %get3A_696 = tpu.vector_load %arg6[%get3A_693, %get3A_694, %get3A_695] {strides = array<i32>} : memref<2x256x64xf32, #tpu.memory_space<vmem>>, vector<1x1x16xf32>,
          %get3A_697 = vector.shape_cast %get3A_696 : vector<1x1x16xf32> to vector<16xf32>
          %add3A_698 = arith.addf %add3A_689, %get3A_697 : vector<16xf32>
          %mul3A_699 = arith.constant 2 : i32
          %mul3A_700 = arith.muli %mul3A_699, %add3A_648 : i32
          %add3A_701 = arith.constant 1 : i32
          %add3A_702 = arith.addi %mul3A_700, %add3A_701 : i32
          %get3A_703 = arith.constant 1 : i32
          %get3A_704 = arith.index_cast %get3A_703 : i32 to index
          %get3A_705 = arith.index_cast %add3A_702 : i32 to index
          %get3A_706 = arith.constant 48 : index
          %get3A_707 = tpu.vector_load %arg6[%get3A_704, %get3A_705, %get3A_706] {strides = array<i32>} : memref<2x256x64xf32, #tpu.memory_space<vmem>>, vector<1x1x16xf32>,
          %get3A_708 = vector.shape_cast %get3A_707 : vector<1x1x16xf32> to vector<16xf32>
          %add3A_709 = arith.addf %add3A_698, %get3A_708 : vector<16xf32>
          %max3A_710 = arith.constant 0.000000e+00 : f32
          %max3A_711 = vector.broadcast %max3A_710 : f32 to vector<16xf32>
          %max3A_712 = arith.maximumf %add3A_709, %max3A_711 : vector<16xf32>
          %swap3A_713 = arith.constant 1 : i32
          %swap3A_714 = arith.index_cast %swap3A_713 : i32 to index
          %swap3A_715 = arith.index_cast %add3A_648 : i32 to index
          %swap3A_716 = arith.constant 0 : index
          %swap3A_717 = tpu.vector_load %arg9[%swap3A_714, %swap3A_715, %swap3A_716] {strides = array<i32>} : memref<2x128x16xf32, #tpu.memory_space<vmem>>, vector<1x1x16xf32>,
          %swap3A_718 = vector.shape_cast %swap3A_717 : vector<1x1x16xf32> to vector<16xf32>
          %swap3A_719 = vector.shape_cast %max3A_712 : vector<16xf32> to vector<1x1x16xf32>
          tpu.vector_store %arg9[%swap3A_714, %swap3A_715, %swap3A_716], %swap3A_719 {strides = array<i32>} : memref<2x128x16xf32, #tpu.memory_space<vmem>>, vector<1x1x16xf32>,
          %mul3A_720 = arith.constant 4 : i32
          %mul3A_721 = arith.muli %scan3A_568, %mul3A_720 : i32
          %add3A_722 = arith.constant 2 : i32
          %add3A_723 = arith.addi %mul3A_721, %add3A_722 : i32
          %get3A_724 = arith.constant 1 : i32
          %get3A_725 = arith.index_cast %get3A_724 : i32 to index
          %get3A_726 = arith.index_cast %add3A_723 : i32 to index
          %get3A_727 = arith.constant 0 : index
          %get3A_728 = tpu.vector_load %arg4[%get3A_725, %get3A_726, %get3A_727] {strides = array<i32>} : memref<2x128x64xf32, #tpu.memory_space<vmem>>, vector<1x1x16xf32>,
          %get3A_729 = vector.shape_cast %get3A_728 : vector<1x1x16xf32> to vector<16xf32>
          %sub3A_730 = arith.constant 1 : i32
          %sub3A_731 = arith.subi %add3A_723, %sub3A_730 : i32
          %max3A_732 = arith.constant 0 : i32
          %max3A_733 = arith.maxsi %sub3A_731, %max3A_732 : i32
          %jit3A_734 = arith.constant 2 : i32
          %div3A_735 = arith.divsi %max3A_733, %jit3A_734 : i32
          %sign3A_736 = arith.constant 0 : i32
          %sign3A_737 = arith.cmpi sgt, %max3A_733, %sign3A_736 : i32
          %sign3A_738 = arith.extui %sign3A_737 : i1 to i32
          %sign3A_739 = arith.constant 0 : i32
          %sign3A_740 = arith.cmpi slt, %max3A_733, %sign3A_739 : i32
          %sign3A_741 = arith.extui %sign3A_740 : i1 to i32
          %sign3A_742 = arith.subi %sign3A_738, %sign3A_741 : i32
          %sign3A_743 = arith.constant 0 : i32
          %sign3A_744 = arith.cmpi sgt, %jit3A_734, %sign3A_743 : i32
          %sign3A_745 = arith.extui %sign3A_744 : i1 to i32
          %sign3A_746 = arith.constant 0 : i32
          %sign3A_747 = arith.cmpi slt, %jit3A_734, %sign3A_746 : i32
          %sign3A_748 = arith.extui %sign3A_747 : i1 to i32
          %sign3A_749 = arith.subi %sign3A_745, %sign3A_748 : i32
          %ne3A_750 = arith.cmpi ne, %sign3A_742, %sign3A_749 : i32
          %rem3A_751 = arith.remsi %max3A_733, %jit3A_734 : i32
          %ne3A_752 = arith.constant 0 : i32
          %ne3A_753 = arith.cmpi ne, %rem3A_751, %ne3A_752 : i32
          %and3A_754 = arith.andi %ne3A_750, %ne3A_753 : i1
          %sub3A_755 = arith.constant 1 : i32
          %sub3A_756 = arith.subi %div3A_735, %sub3A_755 : i32
          %select_n3A_757 = arith.select %and3A_754, %sub3A_756, %div3A_735 : i32
          %get3A_758 = arith.constant 1 : i32
          %get3A_759 = arith.index_cast %get3A_758 : i32 to index
          %get3A_760 = arith.index_cast %select_n3A_757 : i32 to index
          %get3A_761 = arith.constant 16 : index
          %get3A_762 = tpu.vector_load %arg5[%get3A_759, %get3A_760, %get3A_761] {strides = array<i32>} : memref<2x66x64xf32, #tpu.memory_space<vmem>>, vector<1x1x16xf32>,
          %get3A_763 = vector.shape_cast %get3A_762 : vector<1x1x16xf32> to vector<16xf32>
          %add3A_764 = arith.addf %get3A_729, %get3A_763 : vector<16xf32>
          %mul3A_765 = arith.constant 2 : i32
          %mul3A_766 = arith.muli %mul3A_765, %add3A_723 : i32
          %get3A_767 = arith.constant 1 : i32
          %get3A_768 = arith.index_cast %get3A_767 : i32 to index
          %get3A_769 = arith.index_cast %mul3A_766 : i32 to index
          %get3A_770 = arith.constant 32 : index
          %get3A_771 = tpu.vector_load %arg6[%get3A_768, %get3A_769, %get3A_770] {strides = array<i32>} : memref<2x256x64xf32, #tpu.memory_space<vmem>>, vector<1x1x16xf32>,
          %get3A_772 = vector.shape_cast %get3A_771 : vector<1x1x16xf32> to vector<16xf32>
          %add3A_773 = arith.addf %add3A_764, %get3A_772 : vector<16xf32>
          %mul3A_774 = arith.constant 2 : i32
          %mul3A_775 = arith.muli %mul3A_774, %add3A_723 : i32
          %add3A_776 = arith.constant 1 : i32
          %add3A_777 = arith.addi %mul3A_775, %add3A_776 : i32
          %get3A_778 = arith.constant 1 : i32
          %get3A_779 = arith.index_cast %get3A_778 : i32 to index
          %get3A_780 = arith.index_cast %add3A_777 : i32 to index
          %get3A_781 = arith.constant 48 : index
          %get3A_782 = tpu.vector_load %arg6[%get3A_779, %get3A_780, %get3A_781] {strides = array<i32>} : memref<2x256x64xf32, #tpu.memory_space<vmem>>, vector<1x1x16xf32>,
          %get3A_783 = vector.shape_cast %get3A_782 : vector<1x1x16xf32> to vector<16xf32>
          %add3A_784 = arith.addf %add3A_773, %get3A_783 : vector<16xf32>
          %max3A_785 = arith.constant 0.000000e+00 : f32
          %max3A_786 = vector.broadcast %max3A_785 : f32 to vector<16xf32>
          %max3A_787 = arith.maximumf %add3A_784, %max3A_786 : vector<16xf32>
          %swap3A_788 = arith.constant 1 : i32
          %swap3A_789 = arith.index_cast %swap3A_788 : i32 to index
          %swap3A_790 = arith.index_cast %add3A_723 : i32 to index
          %swap3A_791 = arith.constant 0 : index
          %swap3A_792 = tpu.vector_load %arg9[%swap3A_789, %swap3A_790, %swap3A_791] {strides = array<i32>} : memref<2x128x16xf32, #tpu.memory_space<vmem>>, vector<1x1x16xf32>,
          %swap3A_793 = vector.shape_cast %swap3A_792 : vector<1x1x16xf32> to vector<16xf32>
          %swap3A_794 = vector.shape_cast %max3A_787 : vector<16xf32> to vector<1x1x16xf32>
          tpu.vector_store %arg9[%swap3A_789, %swap3A_790, %swap3A_791], %swap3A_794 {strides = array<i32>} : memref<2x128x16xf32, #tpu.memory_space<vmem>>, vector<1x1x16xf32>,
          %mul3A_795 = arith.constant 4 : i32
          %mul3A_796 = arith.muli %scan3A_568, %mul3A_795 : i32
          %add3A_797 = arith.constant 3 : i32
          %add3A_798 = arith.addi %mul3A_796, %add3A_797 : i32
          %get3A_799 = arith.constant 1 : i32
          %get3A_800 = arith.index_cast %get3A_799 : i32 to index
          %get3A_801 = arith.index_cast %add3A_798 : i32 to index
          %get3A_802 = arith.constant 0 : index
          %get3A_803 = tpu.vector_load %arg4[%get3A_800, %get3A_801, %get3A_802] {strides = array<i32>} : memref<2x128x64xf32, #tpu.memory_space<vmem>>, vector<1x1x16xf32>,
          %get3A_804 = vector.shape_cast %get3A_803 : vector<1x1x16xf32> to vector<16xf32>
          %sub3A_805 = arith.constant 1 : i32
          %sub3A_806 = arith.subi %add3A_798, %sub3A_805 : i32
          %max3A_807 = arith.constant 0 : i32
          %max3A_808 = arith.maxsi %sub3A_806, %max3A_807 : i32
          %jit3A_809 = arith.constant 2 : i32
          %div3A_810 = arith.divsi %max3A_808, %jit3A_809 : i32
          %sign3A_811 = arith.constant 0 : i32
          %sign3A_812 = arith.cmpi sgt, %max3A_808, %sign3A_811 : i32
          %sign3A_813 = arith.extui %sign3A_812 : i1 to i32
          %sign3A_814 = arith.constant 0 : i32
          %sign3A_815 = arith.cmpi slt, %max3A_808, %sign3A_814 : i32
          %sign3A_816 = arith.extui %sign3A_815 : i1 to i32
          %sign3A_817 = arith.subi %sign3A_813, %sign3A_816 : i32
          %sign3A_818 = arith.constant 0 : i32
          %sign3A_819 = arith.cmpi sgt, %jit3A_809, %sign3A_818 : i32
          %sign3A_820 = arith.extui %sign3A_819 : i1 to i32
          %sign3A_821 = arith.constant 0 : i32
          %sign3A_822 = arith.cmpi slt, %jit3A_809, %sign3A_821 : i32
          %sign3A_823 = arith.extui %sign3A_822 : i1 to i32
          %sign3A_824 = arith.subi %sign3A_820, %sign3A_823 : i32
          %ne3A_825 = arith.cmpi ne, %sign3A_817, %sign3A_824 : i32
          %rem3A_826 = arith.remsi %max3A_808, %jit3A_809 : i32
          %ne3A_827 = arith.constant 0 : i32
          %ne3A_828 = arith.cmpi ne, %rem3A_826, %ne3A_827 : i32
          %and3A_829 = arith.andi %ne3A_825, %ne3A_828 : i1
          %sub3A_830 = arith.constant 1 : i32
          %sub3A_831 = arith.subi %div3A_810, %sub3A_830 : i32
          %select_n3A_832 = arith.select %and3A_829, %sub3A_831, %div3A_810 : i32
          %get3A_833 = arith.constant 1 : i32
          %get3A_834 = arith.index_cast %get3A_833 : i32 to index
          %get3A_835 = arith.index_cast %select_n3A_832 : i32 to index
          %get3A_836 = arith.constant 16 : index
          %get3A_837 = tpu.vector_load %arg5[%get3A_834, %get3A_835, %get3A_836] {strides = array<i32>} : memref<2x66x64xf32, #tpu.memory_space<vmem>>, vector<1x1x16xf32>,
          %get3A_838 = vector.shape_cast %get3A_837 : vector<1x1x16xf32> to vector<16xf32>
          %add3A_839 = arith.addf %get3A_804, %get3A_838 : vector<16xf32>
          %mul3A_840 = arith.constant 2 : i32
          %mul3A_841 = arith.muli %mul3A_840, %add3A_798 : i32
          %get3A_842 = arith.constant 1 : i32
          %get3A_843 = arith.index_cast %get3A_842 : i32 to index
          %get3A_844 = arith.index_cast %mul3A_841 : i32 to index
          %get3A_845 = arith.constant 32 : index
          %get3A_846 = tpu.vector_load %arg6[%get3A_843, %get3A_844, %get3A_845] {strides = array<i32>} : memref<2x256x64xf32, #tpu.memory_space<vmem>>, vector<1x1x16xf32>,
          %get3A_847 = vector.shape_cast %get3A_846 : vector<1x1x16xf32> to vector<16xf32>
          %add3A_848 = arith.addf %add3A_839, %get3A_847 : vector<16xf32>
          %mul3A_849 = arith.constant 2 : i32
          %mul3A_850 = arith.muli %mul3A_849, %add3A_798 : i32
          %add3A_851 = arith.constant 1 : i32
          %add3A_852 = arith.addi %mul3A_850, %add3A_851 : i32
          %get3A_853 = arith.constant 1 : i32
          %get3A_854 = arith.index_cast %get3A_853 : i32 to index
          %get3A_855 = arith.index_cast %add3A_852 : i32 to index
          %get3A_856 = arith.constant 48 : index
          %get3A_857 = tpu.vector_load %arg6[%get3A_854, %get3A_855, %get3A_856] {strides = array<i32>} : memref<2x256x64xf32, #tpu.memory_space<vmem>>, vector<1x1x16xf32>,
          %get3A_858 = vector.shape_cast %get3A_857 : vector<1x1x16xf32> to vector<16xf32>
          %add3A_859 = arith.addf %add3A_848, %get3A_858 : vector<16xf32>
          %max3A_860 = arith.constant 0.000000e+00 : f32
          %max3A_861 = vector.broadcast %max3A_860 : f32 to vector<16xf32>
          %max3A_862 = arith.maximumf %add3A_859, %max3A_861 : vector<16xf32>
          %swap3A_863 = arith.constant 1 : i32
          %swap3A_864 = arith.index_cast %swap3A_863 : i32 to index
          %swap3A_865 = arith.index_cast %add3A_798 : i32 to index
          %swap3A_866 = arith.constant 0 : index
          %swap3A_867 = tpu.vector_load %arg9[%swap3A_864, %swap3A_865, %swap3A_866] {strides = array<i32>} : memref<2x128x16xf32, #tpu.memory_space<vmem>>, vector<1x1x16xf32>,
          %swap3A_868 = vector.shape_cast %swap3A_867 : vector<1x1x16xf32> to vector<16xf32>
          %swap3A_869 = vector.shape_cast %max3A_862 : vector<16xf32> to vector<1x1x16xf32>
          tpu.vector_store %arg9[%swap3A_864, %swap3A_865, %swap3A_866], %swap3A_869 {strides = array<i32>} : memref<2x128x16xf32, #tpu.memory_space<vmem>>, vector<1x1x16xf32>,
          %scan3A_870 = arith.constant 0 : i32
          scf.yield %scan3A_870 : i32
        }
        %scan3A_529 = arith.constant 32 : i32
        %get3A = arith.constant 1 : i32
        %get3A_530 = arith.constant 0 : i32
        %get3A_531 = arith.index_cast %get3A : i32 to index
        %get3A_532 = arith.index_cast %get3A_530 : i32 to index
        %get3A_533 = arith.constant 0 : index
        %get3A_534 = tpu.vector_load %arg4[%get3A_531, %get3A_532, %get3A_533] {strides = array<i32>} : memref<2x128x64xf32, #tpu.memory_space<vmem>>, vector<1x1x16xf32>,
        %get3A_535 = vector.shape_cast %get3A_534 : vector<1x1x16xf32> to vector<16xf32>
        %get3A_536 = arith.constant 0 : i32
        %get3A_537 = arith.index_cast %get3A_536 : i32 to index
        %get3A_538 = arith.constant 16 : index
        %get3A_539 = tpu.vector_load %arg7[%get3A_537, %get3A_538] {strides = array<i32>} : memref<1x64xf32, #tpu.memory_space<vmem>>, vector<1x16xf32>,
        %get3A_540 = vector.shape_cast %get3A_539 : vector<1x16xf32> to vector<16xf32>
        %add3A_541 = arith.addf %get3A_535, %get3A_540 : vector<16xf32>
        %get3A_542 = arith.constant 1 : i32
        %get3A_543 = arith.constant 0 : i32
        %get3A_544 = arith.index_cast %get3A_542 : i32 to index
        %get3A_545 = arith.index_cast %get3A_543 : i32 to index
        %get3A_546 = arith.constant 32 : index
        %get3A_547 = tpu.vector_load %arg6[%get3A_544, %get3A_545, %get3A_546] {strides = array<i32>} : memref<2x256x64xf32, #tpu.memory_space<vmem>>, vector<1x1x16xf32>,
        %get3A_548 = vector.shape_cast %get3A_547 : vector<1x1x16xf32> to vector<16xf32>
        %add3A_549 = arith.addf %add3A_541, %get3A_548 : vector<16xf32>
        %get3A_550 = arith.constant 1 : i32
        %get3A_551 = arith.constant 1 : i32
        %get3A_552 = arith.index_cast %get3A_550 : i32 to index
        %get3A_553 = arith.index_cast %get3A_551 : i32 to index
        %get3A_554 = arith.constant 48 : index
        %get3A_555 = tpu.vector_load %arg6[%get3A_552, %get3A_553, %get3A_554] {strides = array<i32>} : memref<2x256x64xf32, #tpu.memory_space<vmem>>, vector<1x1x16xf32>,
        %get3A_556 = vector.shape_cast %get3A_555 : vector<1x1x16xf32> to vector<16xf32>
        %add3A_557 = arith.addf %add3A_549, %get3A_556 : vector<16xf32>
        %max3A_558 = arith.constant 0.000000e+00 : f32
        %max3A_559 = vector.broadcast %max3A_558 : f32 to vector<16xf32>
        %max3A_560 = arith.maximumf %add3A_557, %max3A_559 : vector<16xf32>
        %swap3A = arith.constant 1 : i32
        %swap3A_561 = arith.constant 0 : i32
        %swap3A_562 = arith.index_cast %swap3A : i32 to index
        %swap3A_563 = arith.index_cast %swap3A_561 : i32 to index
        %swap3A_564 = arith.constant 0 : index
        %swap3A_565 = tpu.vector_load %arg9[%swap3A_562, %swap3A_563, %swap3A_564] {strides = array<i32>} : memref<2x128x16xf32, #tpu.memory_space<vmem>>, vector<1x1x16xf32>,
        %swap3A_566 = vector.shape_cast %swap3A_565 : vector<1x1x16xf32> to vector<16xf32>
        %swap3A_567 = vector.shape_cast %max3A_560 : vector<16xf32> to vector<1x1x16xf32>
        tpu.vector_store %arg9[%swap3A_562, %swap3A_563, %swap3A_564], %swap3A_567 {strides = array<i32>} : memref<2x128x16xf32, #tpu.memory_space<vmem>>, vector<1x1x16xf32>,
      } else {
      }
      %gt3A_469 = arith.constant 0 : i32
      %gt3A_470 = arith.cmpi sgt, %add3A_463, %gt3A_469 : i32
      %add3A_471 = arith.constant 128 : i32
      %add3A_472 = arith.addi %add3A_463, %add3A_471 : i32
      %le3A_473 = arith.constant 8191 : i32
      %le3A_474 = arith.cmpi sle, %add3A_472, %le3A_473 : i32
      %and3A_475 = arith.andi %gt3A_470, %le3A_474 : i1
      %convert_element_type3A_476 = arith.extui %and3A_475 : i1 to i32
      %cond3A_477 = arith.constant 0 : i32
      %cond3A_478 = arith.cmpi ne, %convert_element_type3A_476, %cond3A_477 : i32
      scf.if %cond3A_478 {
        %scan3A_523 = arith.constant 0 : i32
        %scan3A_524 = arith.constant 0 : i32
        %scan3A_525 = arith.constant 32 : i32
        %scan3A_526 = arith.addi %scan3A_524, %scan3A_525 : i32
        %scan3A_527 = arith.constant 1 : i32
        %scan3A_528 = scf.for %scan3A_530 = %scan3A_524 to %scan3A_526 step %scan3A_527 iter_args(%scan3A_531 = %scan3A_523) -> (i32)  : i32 {
          %mul3A_532 = arith.constant 4 : i32
          %mul3A_533 = arith.muli %scan3A_530, %mul3A_532 : i32
          %add3A_534 = arith.constant 0 : i32
          %add3A_535 = arith.addi %mul3A_533, %add3A_534 : i32
          %get3A = arith.constant 1 : i32
          %get3A_536 = arith.index_cast %get3A : i32 to index
          %get3A_537 = arith.index_cast %add3A_535 : i32 to index
          %get3A_538 = arith.constant 0 : index
          %get3A_539 = tpu.vector_load %arg4[%get3A_536, %get3A_537, %get3A_538] {strides = array<i32>} : memref<2x128x64xf32, #tpu.memory_space<vmem>>, vector<1x1x16xf32>,
          %get3A_540 = vector.shape_cast %get3A_539 : vector<1x1x16xf32> to vector<16xf32>
          %add3A_541 = arith.constant 1 : i32
          %add3A_542 = arith.addi %add3A_535, %add3A_541 : i32
          %jit3A_543 = arith.constant 2 : i32
          %div3A_544 = arith.divsi %add3A_542, %jit3A_543 : i32
          %sign3A_545 = arith.constant 0 : i32
          %sign3A_546 = arith.cmpi sgt, %add3A_542, %sign3A_545 : i32
          %sign3A_547 = arith.extui %sign3A_546 : i1 to i32
          %sign3A_548 = arith.constant 0 : i32
          %sign3A_549 = arith.cmpi slt, %add3A_542, %sign3A_548 : i32
          %sign3A_550 = arith.extui %sign3A_549 : i1 to i32
          %sign3A_551 = arith.subi %sign3A_547, %sign3A_550 : i32
          %sign3A_552 = arith.constant 0 : i32
          %sign3A_553 = arith.cmpi sgt, %jit3A_543, %sign3A_552 : i32
          %sign3A_554 = arith.extui %sign3A_553 : i1 to i32
          %sign3A_555 = arith.constant 0 : i32
          %sign3A_556 = arith.cmpi slt, %jit3A_543, %sign3A_555 : i32
          %sign3A_557 = arith.extui %sign3A_556 : i1 to i32
          %sign3A_558 = arith.subi %sign3A_554, %sign3A_557 : i32
          %ne3A_559 = arith.cmpi ne, %sign3A_551, %sign3A_558 : i32
          %rem3A_560 = arith.remsi %add3A_542, %jit3A_543 : i32
          %ne3A_561 = arith.constant 0 : i32
          %ne3A_562 = arith.cmpi ne, %rem3A_560, %ne3A_561 : i32
          %and3A_563 = arith.andi %ne3A_559, %ne3A_562 : i1
          %sub3A_564 = arith.constant 1 : i32
          %sub3A_565 = arith.subi %div3A_544, %sub3A_564 : i32
          %select_n3A_566 = arith.select %and3A_563, %sub3A_565, %div3A_544 : i32
          %get3A_567 = arith.constant 1 : i32
          %get3A_568 = arith.index_cast %get3A_567 : i32 to index
          %get3A_569 = arith.index_cast %select_n3A_566 : i32 to index
          %get3A_570 = arith.constant 16 : index
          %get3A_571 = tpu.vector_load %arg5[%get3A_568, %get3A_569, %get3A_570] {strides = array<i32>} : memref<2x66x64xf32, #tpu.memory_space<vmem>>, vector<1x1x16xf32>,
          %get3A_572 = vector.shape_cast %get3A_571 : vector<1x1x16xf32> to vector<16xf32>
          %add3A_573 = arith.addf %get3A_540, %get3A_572 : vector<16xf32>
          %mul3A_574 = arith.constant 2 : i32
          %mul3A_575 = arith.muli %mul3A_574, %add3A_535 : i32
          %get3A_576 = arith.constant 1 : i32
          %get3A_577 = arith.index_cast %get3A_576 : i32 to index
          %get3A_578 = arith.index_cast %mul3A_575 : i32 to index
          %get3A_579 = arith.constant 32 : index
          %get3A_580 = tpu.vector_load %arg6[%get3A_577, %get3A_578, %get3A_579] {strides = array<i32>} : memref<2x256x64xf32, #tpu.memory_space<vmem>>, vector<1x1x16xf32>,
          %get3A_581 = vector.shape_cast %get3A_580 : vector<1x1x16xf32> to vector<16xf32>
          %add3A_582 = arith.addf %add3A_573, %get3A_581 : vector<16xf32>
          %mul3A_583 = arith.constant 2 : i32
          %mul3A_584 = arith.muli %mul3A_583, %add3A_535 : i32
          %add3A_585 = arith.constant 1 : i32
          %add3A_586 = arith.addi %mul3A_584, %add3A_585 : i32
          %get3A_587 = arith.constant 1 : i32
          %get3A_588 = arith.index_cast %get3A_587 : i32 to index
          %get3A_589 = arith.index_cast %add3A_586 : i32 to index
          %get3A_590 = arith.constant 48 : index
          %get3A_591 = tpu.vector_load %arg6[%get3A_588, %get3A_589, %get3A_590] {strides = array<i32>} : memref<2x256x64xf32, #tpu.memory_space<vmem>>, vector<1x1x16xf32>,
          %get3A_592 = vector.shape_cast %get3A_591 : vector<1x1x16xf32> to vector<16xf32>
          %add3A_593 = arith.addf %add3A_582, %get3A_592 : vector<16xf32>
          %max3A_594 = arith.constant 0.000000e+00 : f32
          %max3A_595 = vector.broadcast %max3A_594 : f32 to vector<16xf32>
          %max3A_596 = arith.maximumf %add3A_593, %max3A_595 : vector<16xf32>
          %swap3A = arith.constant 1 : i32
          %swap3A_597 = arith.index_cast %swap3A : i32 to index
          %swap3A_598 = arith.index_cast %add3A_535 : i32 to index
          %swap3A_599 = arith.constant 0 : index
          %swap3A_600 = tpu.vector_load %arg9[%swap3A_597, %swap3A_598, %swap3A_599] {strides = array<i32>} : memref<2x128x16xf32, #tpu.memory_space<vmem>>, vector<1x1x16xf32>,
          %swap3A_601 = vector.shape_cast %swap3A_600 : vector<1x1x16xf32> to vector<16xf32>
          %swap3A_602 = vector.shape_cast %max3A_596 : vector<16xf32> to vector<1x1x16xf32>
          tpu.vector_store %arg9[%swap3A_597, %swap3A_598, %swap3A_599], %swap3A_602 {strides = array<i32>} : memref<2x128x16xf32, #tpu.memory_space<vmem>>, vector<1x1x16xf32>,
          %mul3A_603 = arith.constant 4 : i32
          %mul3A_604 = arith.muli %scan3A_530, %mul3A_603 : i32
          %add3A_605 = arith.constant 1 : i32
          %add3A_606 = arith.addi %mul3A_604, %add3A_605 : i32
          %get3A_607 = arith.constant 1 : i32
          %get3A_608 = arith.index_cast %get3A_607 : i32 to index
          %get3A_609 = arith.index_cast %add3A_606 : i32 to index
          %get3A_610 = arith.constant 0 : index
          %get3A_611 = tpu.vector_load %arg4[%get3A_608, %get3A_609, %get3A_610] {strides = array<i32>} : memref<2x128x64xf32, #tpu.memory_space<vmem>>, vector<1x1x16xf32>,
          %get3A_612 = vector.shape_cast %get3A_611 : vector<1x1x16xf32> to vector<16xf32>
          %add3A_613 = arith.constant 1 : i32
          %add3A_614 = arith.addi %add3A_606, %add3A_613 : i32
          %jit3A_615 = arith.constant 2 : i32
          %div3A_616 = arith.divsi %add3A_614, %jit3A_615 : i32
          %sign3A_617 = arith.constant 0 : i32
          %sign3A_618 = arith.cmpi sgt, %add3A_614, %sign3A_617 : i32
          %sign3A_619 = arith.extui %sign3A_618 : i1 to i32
          %sign3A_620 = arith.constant 0 : i32
          %sign3A_621 = arith.cmpi slt, %add3A_614, %sign3A_620 : i32
          %sign3A_622 = arith.extui %sign3A_621 : i1 to i32
          %sign3A_623 = arith.subi %sign3A_619, %sign3A_622 : i32
          %sign3A_624 = arith.constant 0 : i32
          %sign3A_625 = arith.cmpi sgt, %jit3A_615, %sign3A_624 : i32
          %sign3A_626 = arith.extui %sign3A_625 : i1 to i32
          %sign3A_627 = arith.constant 0 : i32
          %sign3A_628 = arith.cmpi slt, %jit3A_615, %sign3A_627 : i32
          %sign3A_629 = arith.extui %sign3A_628 : i1 to i32
          %sign3A_630 = arith.subi %sign3A_626, %sign3A_629 : i32
          %ne3A_631 = arith.cmpi ne, %sign3A_623, %sign3A_630 : i32
          %rem3A_632 = arith.remsi %add3A_614, %jit3A_615 : i32
          %ne3A_633 = arith.constant 0 : i32
          %ne3A_634 = arith.cmpi ne, %rem3A_632, %ne3A_633 : i32
          %and3A_635 = arith.andi %ne3A_631, %ne3A_634 : i1
          %sub3A_636 = arith.constant 1 : i32
          %sub3A_637 = arith.subi %div3A_616, %sub3A_636 : i32
          %select_n3A_638 = arith.select %and3A_635, %sub3A_637, %div3A_616 : i32
          %get3A_639 = arith.constant 1 : i32
          %get3A_640 = arith.index_cast %get3A_639 : i32 to index
          %get3A_641 = arith.index_cast %select_n3A_638 : i32 to index
          %get3A_642 = arith.constant 16 : index
          %get3A_643 = tpu.vector_load %arg5[%get3A_640, %get3A_641, %get3A_642] {strides = array<i32>} : memref<2x66x64xf32, #tpu.memory_space<vmem>>, vector<1x1x16xf32>,
          %get3A_644 = vector.shape_cast %get3A_643 : vector<1x1x16xf32> to vector<16xf32>
          %add3A_645 = arith.addf %get3A_612, %get3A_644 : vector<16xf32>
          %mul3A_646 = arith.constant 2 : i32
          %mul3A_647 = arith.muli %mul3A_646, %add3A_606 : i32
          %get3A_648 = arith.constant 1 : i32
          %get3A_649 = arith.index_cast %get3A_648 : i32 to index
          %get3A_650 = arith.index_cast %mul3A_647 : i32 to index
          %get3A_651 = arith.constant 32 : index
          %get3A_652 = tpu.vector_load %arg6[%get3A_649, %get3A_650, %get3A_651] {strides = array<i32>} : memref<2x256x64xf32, #tpu.memory_space<vmem>>, vector<1x1x16xf32>,
          %get3A_653 = vector.shape_cast %get3A_652 : vector<1x1x16xf32> to vector<16xf32>
          %add3A_654 = arith.addf %add3A_645, %get3A_653 : vector<16xf32>
          %mul3A_655 = arith.constant 2 : i32
          %mul3A_656 = arith.muli %mul3A_655, %add3A_606 : i32
          %add3A_657 = arith.constant 1 : i32
          %add3A_658 = arith.addi %mul3A_656, %add3A_657 : i32
          %get3A_659 = arith.constant 1 : i32
          %get3A_660 = arith.index_cast %get3A_659 : i32 to index
          %get3A_661 = arith.index_cast %add3A_658 : i32 to index
          %get3A_662 = arith.constant 48 : index
          %get3A_663 = tpu.vector_load %arg6[%get3A_660, %get3A_661, %get3A_662] {strides = array<i32>} : memref<2x256x64xf32, #tpu.memory_space<vmem>>, vector<1x1x16xf32>,
          %get3A_664 = vector.shape_cast %get3A_663 : vector<1x1x16xf32> to vector<16xf32>
          %add3A_665 = arith.addf %add3A_654, %get3A_664 : vector<16xf32>
          %max3A_666 = arith.constant 0.000000e+00 : f32
          %max3A_667 = vector.broadcast %max3A_666 : f32 to vector<16xf32>
          %max3A_668 = arith.maximumf %add3A_665, %max3A_667 : vector<16xf32>
          %swap3A_669 = arith.constant 1 : i32
          %swap3A_670 = arith.index_cast %swap3A_669 : i32 to index
          %swap3A_671 = arith.index_cast %add3A_606 : i32 to index
          %swap3A_672 = arith.constant 0 : index
          %swap3A_673 = tpu.vector_load %arg9[%swap3A_670, %swap3A_671, %swap3A_672] {strides = array<i32>} : memref<2x128x16xf32, #tpu.memory_space<vmem>>, vector<1x1x16xf32>,
          %swap3A_674 = vector.shape_cast %swap3A_673 : vector<1x1x16xf32> to vector<16xf32>
          %swap3A_675 = vector.shape_cast %max3A_668 : vector<16xf32> to vector<1x1x16xf32>
          tpu.vector_store %arg9[%swap3A_670, %swap3A_671, %swap3A_672], %swap3A_675 {strides = array<i32>} : memref<2x128x16xf32, #tpu.memory_space<vmem>>, vector<1x1x16xf32>,
          %mul3A_676 = arith.constant 4 : i32
          %mul3A_677 = arith.muli %scan3A_530, %mul3A_676 : i32
          %add3A_678 = arith.constant 2 : i32
          %add3A_679 = arith.addi %mul3A_677, %add3A_678 : i32
          %get3A_680 = arith.constant 1 : i32
          %get3A_681 = arith.index_cast %get3A_680 : i32 to index
          %get3A_682 = arith.index_cast %add3A_679 : i32 to index
          %get3A_683 = arith.constant 0 : index
          %get3A_684 = tpu.vector_load %arg4[%get3A_681, %get3A_682, %get3A_683] {strides = array<i32>} : memref<2x128x64xf32, #tpu.memory_space<vmem>>, vector<1x1x16xf32>,
          %get3A_685 = vector.shape_cast %get3A_684 : vector<1x1x16xf32> to vector<16xf32>
          %add3A_686 = arith.constant 1 : i32
          %add3A_687 = arith.addi %add3A_679, %add3A_686 : i32
          %jit3A_688 = arith.constant 2 : i32
          %div3A_689 = arith.divsi %add3A_687, %jit3A_688 : i32
          %sign3A_690 = arith.constant 0 : i32
          %sign3A_691 = arith.cmpi sgt, %add3A_687, %sign3A_690 : i32
          %sign3A_692 = arith.extui %sign3A_691 : i1 to i32
          %sign3A_693 = arith.constant 0 : i32
          %sign3A_694 = arith.cmpi slt, %add3A_687, %sign3A_693 : i32
          %sign3A_695 = arith.extui %sign3A_694 : i1 to i32
          %sign3A_696 = arith.subi %sign3A_692, %sign3A_695 : i32
          %sign3A_697 = arith.constant 0 : i32
          %sign3A_698 = arith.cmpi sgt, %jit3A_688, %sign3A_697 : i32
          %sign3A_699 = arith.extui %sign3A_698 : i1 to i32
          %sign3A_700 = arith.constant 0 : i32
          %sign3A_701 = arith.cmpi slt, %jit3A_688, %sign3A_700 : i32
          %sign3A_702 = arith.extui %sign3A_701 : i1 to i32
          %sign3A_703 = arith.subi %sign3A_699, %sign3A_702 : i32
          %ne3A_704 = arith.cmpi ne, %sign3A_696, %sign3A_703 : i32
          %rem3A_705 = arith.remsi %add3A_687, %jit3A_688 : i32
          %ne3A_706 = arith.constant 0 : i32
          %ne3A_707 = arith.cmpi ne, %rem3A_705, %ne3A_706 : i32
          %and3A_708 = arith.andi %ne3A_704, %ne3A_707 : i1
          %sub3A_709 = arith.constant 1 : i32
          %sub3A_710 = arith.subi %div3A_689, %sub3A_709 : i32
          %select_n3A_711 = arith.select %and3A_708, %sub3A_710, %div3A_689 : i32
          %get3A_712 = arith.constant 1 : i32
          %get3A_713 = arith.index_cast %get3A_712 : i32 to index
          %get3A_714 = arith.index_cast %select_n3A_711 : i32 to index
          %get3A_715 = arith.constant 16 : index
          %get3A_716 = tpu.vector_load %arg5[%get3A_713, %get3A_714, %get3A_715] {strides = array<i32>} : memref<2x66x64xf32, #tpu.memory_space<vmem>>, vector<1x1x16xf32>,
          %get3A_717 = vector.shape_cast %get3A_716 : vector<1x1x16xf32> to vector<16xf32>
          %add3A_718 = arith.addf %get3A_685, %get3A_717 : vector<16xf32>
          %mul3A_719 = arith.constant 2 : i32
          %mul3A_720 = arith.muli %mul3A_719, %add3A_679 : i32
          %get3A_721 = arith.constant 1 : i32
          %get3A_722 = arith.index_cast %get3A_721 : i32 to index
          %get3A_723 = arith.index_cast %mul3A_720 : i32 to index
          %get3A_724 = arith.constant 32 : index
          %get3A_725 = tpu.vector_load %arg6[%get3A_722, %get3A_723, %get3A_724] {strides = array<i32>} : memref<2x256x64xf32, #tpu.memory_space<vmem>>, vector<1x1x16xf32>,
          %get3A_726 = vector.shape_cast %get3A_725 : vector<1x1x16xf32> to vector<16xf32>
          %add3A_727 = arith.addf %add3A_718, %get3A_726 : vector<16xf32>
          %mul3A_728 = arith.constant 2 : i32
          %mul3A_729 = arith.muli %mul3A_728, %add3A_679 : i32
          %add3A_730 = arith.constant 1 : i32
          %add3A_731 = arith.addi %mul3A_729, %add3A_730 : i32
          %get3A_732 = arith.constant 1 : i32
          %get3A_733 = arith.index_cast %get3A_732 : i32 to index
          %get3A_734 = arith.index_cast %add3A_731 : i32 to index
          %get3A_735 = arith.constant 48 : index
          %get3A_736 = tpu.vector_load %arg6[%get3A_733, %get3A_734, %get3A_735] {strides = array<i32>} : memref<2x256x64xf32, #tpu.memory_space<vmem>>, vector<1x1x16xf32>,
          %get3A_737 = vector.shape_cast %get3A_736 : vector<1x1x16xf32> to vector<16xf32>
          %add3A_738 = arith.addf %add3A_727, %get3A_737 : vector<16xf32>
          %max3A_739 = arith.constant 0.000000e+00 : f32
          %max3A_740 = vector.broadcast %max3A_739 : f32 to vector<16xf32>
          %max3A_741 = arith.maximumf %add3A_738, %max3A_740 : vector<16xf32>
          %swap3A_742 = arith.constant 1 : i32
          %swap3A_743 = arith.index_cast %swap3A_742 : i32 to index
          %swap3A_744 = arith.index_cast %add3A_679 : i32 to index
          %swap3A_745 = arith.constant 0 : index
          %swap3A_746 = tpu.vector_load %arg9[%swap3A_743, %swap3A_744, %swap3A_745] {strides = array<i32>} : memref<2x128x16xf32, #tpu.memory_space<vmem>>, vector<1x1x16xf32>,
          %swap3A_747 = vector.shape_cast %swap3A_746 : vector<1x1x16xf32> to vector<16xf32>
          %swap3A_748 = vector.shape_cast %max3A_741 : vector<16xf32> to vector<1x1x16xf32>
          tpu.vector_store %arg9[%swap3A_743, %swap3A_744, %swap3A_745], %swap3A_748 {strides = array<i32>} : memref<2x128x16xf32, #tpu.memory_space<vmem>>, vector<1x1x16xf32>,
          %mul3A_749 = arith.constant 4 : i32
          %mul3A_750 = arith.muli %scan3A_530, %mul3A_749 : i32
          %add3A_751 = arith.constant 3 : i32
          %add3A_752 = arith.addi %mul3A_750, %add3A_751 : i32
          %get3A_753 = arith.constant 1 : i32
          %get3A_754 = arith.index_cast %get3A_753 : i32 to index
          %get3A_755 = arith.index_cast %add3A_752 : i32 to index
          %get3A_756 = arith.constant 0 : index
          %get3A_757 = tpu.vector_load %arg4[%get3A_754, %get3A_755, %get3A_756] {strides = array<i32>} : memref<2x128x64xf32, #tpu.memory_space<vmem>>, vector<1x1x16xf32>,
          %get3A_758 = vector.shape_cast %get3A_757 : vector<1x1x16xf32> to vector<16xf32>
          %add3A_759 = arith.constant 1 : i32
          %add3A_760 = arith.addi %add3A_752, %add3A_759 : i32
          %jit3A_761 = arith.constant 2 : i32
          %div3A_762 = arith.divsi %add3A_760, %jit3A_761 : i32
          %sign3A_763 = arith.constant 0 : i32
          %sign3A_764 = arith.cmpi sgt, %add3A_760, %sign3A_763 : i32
          %sign3A_765 = arith.extui %sign3A_764 : i1 to i32
          %sign3A_766 = arith.constant 0 : i32
          %sign3A_767 = arith.cmpi slt, %add3A_760, %sign3A_766 : i32
          %sign3A_768 = arith.extui %sign3A_767 : i1 to i32
          %sign3A_769 = arith.subi %sign3A_765, %sign3A_768 : i32
          %sign3A_770 = arith.constant 0 : i32
          %sign3A_771 = arith.cmpi sgt, %jit3A_761, %sign3A_770 : i32
          %sign3A_772 = arith.extui %sign3A_771 : i1 to i32
          %sign3A_773 = arith.constant 0 : i32
          %sign3A_774 = arith.cmpi slt, %jit3A_761, %sign3A_773 : i32
          %sign3A_775 = arith.extui %sign3A_774 : i1 to i32
          %sign3A_776 = arith.subi %sign3A_772, %sign3A_775 : i32
          %ne3A_777 = arith.cmpi ne, %sign3A_769, %sign3A_776 : i32
          %rem3A_778 = arith.remsi %add3A_760, %jit3A_761 : i32
          %ne3A_779 = arith.constant 0 : i32
          %ne3A_780 = arith.cmpi ne, %rem3A_778, %ne3A_779 : i32
          %and3A_781 = arith.andi %ne3A_777, %ne3A_780 : i1
          %sub3A_782 = arith.constant 1 : i32
          %sub3A_783 = arith.subi %div3A_762, %sub3A_782 : i32
          %select_n3A_784 = arith.select %and3A_781, %sub3A_783, %div3A_762 : i32
          %get3A_785 = arith.constant 1 : i32
          %get3A_786 = arith.index_cast %get3A_785 : i32 to index
          %get3A_787 = arith.index_cast %select_n3A_784 : i32 to index
          %get3A_788 = arith.constant 16 : index
          %get3A_789 = tpu.vector_load %arg5[%get3A_786, %get3A_787, %get3A_788] {strides = array<i32>} : memref<2x66x64xf32, #tpu.memory_space<vmem>>, vector<1x1x16xf32>,
          %get3A_790 = vector.shape_cast %get3A_789 : vector<1x1x16xf32> to vector<16xf32>
          %add3A_791 = arith.addf %get3A_758, %get3A_790 : vector<16xf32>
          %mul3A_792 = arith.constant 2 : i32
          %mul3A_793 = arith.muli %mul3A_792, %add3A_752 : i32
          %get3A_794 = arith.constant 1 : i32
          %get3A_795 = arith.index_cast %get3A_794 : i32 to index
          %get3A_796 = arith.index_cast %mul3A_793 : i32 to index
          %get3A_797 = arith.constant 32 : index
          %get3A_798 = tpu.vector_load %arg6[%get3A_795, %get3A_796, %get3A_797] {strides = array<i32>} : memref<2x256x64xf32, #tpu.memory_space<vmem>>, vector<1x1x16xf32>,
          %get3A_799 = vector.shape_cast %get3A_798 : vector<1x1x16xf32> to vector<16xf32>
          %add3A_800 = arith.addf %add3A_791, %get3A_799 : vector<16xf32>
          %mul3A_801 = arith.constant 2 : i32
          %mul3A_802 = arith.muli %mul3A_801, %add3A_752 : i32
          %add3A_803 = arith.constant 1 : i32
          %add3A_804 = arith.addi %mul3A_802, %add3A_803 : i32
          %get3A_805 = arith.constant 1 : i32
          %get3A_806 = arith.index_cast %get3A_805 : i32 to index
          %get3A_807 = arith.index_cast %add3A_804 : i32 to index
          %get3A_808 = arith.constant 48 : index
          %get3A_809 = tpu.vector_load %arg6[%get3A_806, %get3A_807, %get3A_808] {strides = array<i32>} : memref<2x256x64xf32, #tpu.memory_space<vmem>>, vector<1x1x16xf32>,
          %get3A_810 = vector.shape_cast %get3A_809 : vector<1x1x16xf32> to vector<16xf32>
          %add3A_811 = arith.addf %add3A_800, %get3A_810 : vector<16xf32>
          %max3A_812 = arith.constant 0.000000e+00 : f32
          %max3A_813 = vector.broadcast %max3A_812 : f32 to vector<16xf32>
          %max3A_814 = arith.maximumf %add3A_811, %max3A_813 : vector<16xf32>
          %swap3A_815 = arith.constant 1 : i32
          %swap3A_816 = arith.index_cast %swap3A_815 : i32 to index
          %swap3A_817 = arith.index_cast %add3A_752 : i32 to index
          %swap3A_818 = arith.constant 0 : index
          %swap3A_819 = tpu.vector_load %arg9[%swap3A_816, %swap3A_817, %swap3A_818] {strides = array<i32>} : memref<2x128x16xf32, #tpu.memory_space<vmem>>, vector<1x1x16xf32>,
          %swap3A_820 = vector.shape_cast %swap3A_819 : vector<1x1x16xf32> to vector<16xf32>
          %swap3A_821 = vector.shape_cast %max3A_814 : vector<16xf32> to vector<1x1x16xf32>
          tpu.vector_store %arg9[%swap3A_816, %swap3A_817, %swap3A_818], %swap3A_821 {strides = array<i32>} : memref<2x128x16xf32, #tpu.memory_space<vmem>>, vector<1x1x16xf32>,
          %scan3A_822 = arith.constant 0 : i32
          scf.yield %scan3A_822 : i32
        }
        %scan3A_529 = arith.constant 32 : i32
      } else {
      }
      %lt3A_479 = arith.constant 8191 : i32
      %lt3A_480 = arith.cmpi slt, %add3A_463, %lt3A_479 : i32
      %add3A_481 = arith.constant 128 : i32
      %add3A_482 = arith.addi %add3A_463, %add3A_481 : i32
      %gt3A_483 = arith.constant 8191 : i32
      %gt3A_484 = arith.cmpi sgt, %add3A_482, %gt3A_483 : i32
      %and3A_485 = arith.andi %lt3A_480, %gt3A_484 : i1
      %convert_element_type3A_486 = arith.extui %and3A_485 : i1 to i32
      %cond3A_487 = arith.constant 0 : i32
      %cond3A_488 = arith.cmpi ne, %convert_element_type3A_486, %cond3A_487 : i32
      scf.if %cond3A_488 {
        %mul3A_523 = arith.constant 2 : i32
        %mul3A_524 = arith.muli %mul3A_523, %add3A_463 : i32
        %add3A_525 = arith.addi %mul3A_36, %mul3A_524 : i32
        %add3A_526 = arith.constant 1 : i32
        %add3A_527 = arith.addi %add3A_525, %add3A_526 : i32
        %run_scoped3A = arith.constant 1 : i32
        "tpu.region"() ({
          %run_scoped3A_571 = tpu.sem_alloc : memref<!tpu.dma_semaphore, #tpu.memory_space<semaphore_mem>>
          %dma_start3A_572 = arith.constant 0 : i32
          %dma_start3A_573 = arith.constant 0 : i32
          %dma_start3A_574 = tpu.memref_slice %arg6[%run_scoped3A, %dma_start3A_572, %dma_start3A_573] : memref<2x256x64xf32, #tpu.memory_space<vmem>> -> memref<1x255x64xf32, #tpu.memory_space<vmem>>
          %dma_start3A_575 = tpu.memref_squeeze %dma_start3A_574 : memref<1x255x64xf32, #tpu.memory_space<vmem>> -> memref<255x64xf32, #tpu.memory_space<vmem>>
          %dma_start3A_576 = arith.constant 0 : i32
          %dma_start3A_577 = tpu.memref_slice %arg2[%add3A_527, %dma_start3A_576] : memref<131072x64xf32, #tpu.memory_space<hbm>> -> memref<255x64xf32, #tpu.memory_space<hbm>>
          %dma_start3A_578 = arith.constant 0 : i32
          %dma_start3A_579 = arith.constant 0 : i32
          %dma_start3A_580 = tpu.memref_slice %arg6[%run_scoped3A, %dma_start3A_578, %dma_start3A_579] : memref<2x256x64xf32, #tpu.memory_space<vmem>> -> memref<1x255x64xf32, #tpu.memory_space<vmem>>
          %dma_start3A_581 = tpu.memref_squeeze %dma_start3A_580 : memref<1x255x64xf32, #tpu.memory_space<vmem>> -> memref<255x64xf32, #tpu.memory_space<vmem>>
          %dma_start3A_582 = arith.constant 0 : i32
          %dma_start3A_583 = tpu.memref_slice %arg2[%add3A_527, %dma_start3A_582] : memref<131072x64xf32, #tpu.memory_space<hbm>> -> memref<255x64xf32, #tpu.memory_space<hbm>>
          tpu.enqueue_dma source(%dma_start3A_583 : memref<255x64xf32, #tpu.memory_space<hbm>>) target(%dma_start3A_581 : memref<255x64xf32, #tpu.memory_space<vmem>>) target_semaphore(%run_scoped3A_571 : memref<!tpu.dma_semaphore, #tpu.memory_space<semaphore_mem>>)
          %dma_wait3A_584 = arith.constant 0 : i32
          %dma_wait3A_585 = arith.constant 0 : i32
          %dma_wait3A_586 = tpu.memref_slice %arg6[%run_scoped3A, %dma_wait3A_584, %dma_wait3A_585] : memref<2x256x64xf32, #tpu.memory_space<vmem>> -> memref<1x255x64xf32, #tpu.memory_space<vmem>>
          %dma_wait3A_587 = tpu.memref_squeeze %dma_wait3A_586 : memref<1x255x64xf32, #tpu.memory_space<vmem>> -> memref<255x64xf32, #tpu.memory_space<vmem>>
          %dma_wait3A_588 = arith.constant 0 : i32
          %dma_wait3A_589 = tpu.memref_slice %arg2[%add3A_527, %dma_wait3A_588] : memref<131072x64xf32, #tpu.memory_space<hbm>> -> memref<255x64xf32, #tpu.memory_space<hbm>>
          %dma_wait3A_590 = arith.constant 0 : i32
          %dma_wait3A_591 = arith.constant 0 : i32
          %dma_wait3A_592 = tpu.memref_slice %arg6[%run_scoped3A, %dma_wait3A_590, %dma_wait3A_591] : memref<2x256x64xf32, #tpu.memory_space<vmem>> -> memref<1x255x64xf32, #tpu.memory_space<vmem>>
          %dma_wait3A_593 = tpu.memref_squeeze %dma_wait3A_592 : memref<1x255x64xf32, #tpu.memory_space<vmem>> -> memref<255x64xf32, #tpu.memory_space<vmem>>
          %dma_wait3A_594 = arith.constant 0 : i32
          %dma_wait3A_595 = tpu.memref_slice %arg2[%add3A_527, %dma_wait3A_594] : memref<131072x64xf32, #tpu.memory_space<hbm>> -> memref<255x64xf32, #tpu.memory_space<hbm>>
          tpu.wait_dma2 semaphore(%run_scoped3A_571 : memref<!tpu.dma_semaphore, #tpu.memory_space<semaphore_mem>>) src(%dma_wait3A_595 : memref<255x64xf32, #tpu.memory_space<hbm>>) dst(%dma_wait3A_593 : memref<255x64xf32, #tpu.memory_space<vmem>>)
          tpu.yield
        }) : () -> ()
        %scan3A_528 = arith.constant 0 : i32
        %scan3A_529 = arith.constant 0 : i32
        %scan3A_530 = arith.constant 32 : i32
        %scan3A_531 = arith.addi %scan3A_529, %scan3A_530 : i32
        %scan3A_532 = arith.constant 1 : i32
        %scan3A_533 = scf.for %scan3A_571 = %scan3A_529 to %scan3A_531 step %scan3A_532 iter_args(%scan3A_572 = %scan3A_528) -> (i32)  : i32 {
          %mul3A_573 = arith.constant 4 : i32
          %mul3A_574 = arith.muli %scan3A_571, %mul3A_573 : i32
          %add3A_575 = arith.constant 0 : i32
          %add3A_576 = arith.addi %mul3A_574, %add3A_575 : i32
          %get3A_577 = arith.constant 1 : i32
          %get3A_578 = arith.index_cast %get3A_577 : i32 to index
          %get3A_579 = arith.index_cast %add3A_576 : i32 to index
          %get3A_580 = arith.constant 0 : index
          %get3A_581 = tpu.vector_load %arg4[%get3A_578, %get3A_579, %get3A_580] {strides = array<i32>} : memref<2x128x64xf32, #tpu.memory_space<vmem>>, vector<1x1x16xf32>,
          %get3A_582 = vector.shape_cast %get3A_581 : vector<1x1x16xf32> to vector<16xf32>
          %add3A_583 = arith.constant 1 : i32
          %add3A_584 = arith.addi %add3A_576, %add3A_583 : i32
          %jit3A_585 = arith.constant 2 : i32
          %div3A_586 = arith.divsi %add3A_584, %jit3A_585 : i32
          %sign3A_587 = arith.constant 0 : i32
          %sign3A_588 = arith.cmpi sgt, %add3A_584, %sign3A_587 : i32
          %sign3A_589 = arith.extui %sign3A_588 : i1 to i32
          %sign3A_590 = arith.constant 0 : i32
          %sign3A_591 = arith.cmpi slt, %add3A_584, %sign3A_590 : i32
          %sign3A_592 = arith.extui %sign3A_591 : i1 to i32
          %sign3A_593 = arith.subi %sign3A_589, %sign3A_592 : i32
          %sign3A_594 = arith.constant 0 : i32
          %sign3A_595 = arith.cmpi sgt, %jit3A_585, %sign3A_594 : i32
          %sign3A_596 = arith.extui %sign3A_595 : i1 to i32
          %sign3A_597 = arith.constant 0 : i32
          %sign3A_598 = arith.cmpi slt, %jit3A_585, %sign3A_597 : i32
          %sign3A_599 = arith.extui %sign3A_598 : i1 to i32
          %sign3A_600 = arith.subi %sign3A_596, %sign3A_599 : i32
          %ne3A_601 = arith.cmpi ne, %sign3A_593, %sign3A_600 : i32
          %rem3A_602 = arith.remsi %add3A_584, %jit3A_585 : i32
          %ne3A_603 = arith.constant 0 : i32
          %ne3A_604 = arith.cmpi ne, %rem3A_602, %ne3A_603 : i32
          %and3A_605 = arith.andi %ne3A_601, %ne3A_604 : i1
          %sub3A_606 = arith.constant 1 : i32
          %sub3A_607 = arith.subi %div3A_586, %sub3A_606 : i32
          %select_n3A_608 = arith.select %and3A_605, %sub3A_607, %div3A_586 : i32
          %get3A_609 = arith.constant 1 : i32
          %get3A_610 = arith.index_cast %get3A_609 : i32 to index
          %get3A_611 = arith.index_cast %select_n3A_608 : i32 to index
          %get3A_612 = arith.constant 16 : index
          %get3A_613 = tpu.vector_load %arg5[%get3A_610, %get3A_611, %get3A_612] {strides = array<i32>} : memref<2x66x64xf32, #tpu.memory_space<vmem>>, vector<1x1x16xf32>,
          %get3A_614 = vector.shape_cast %get3A_613 : vector<1x1x16xf32> to vector<16xf32>
          %add3A_615 = arith.addf %get3A_582, %get3A_614 : vector<16xf32>
          %mul3A_616 = arith.constant 2 : i32
          %mul3A_617 = arith.muli %mul3A_616, %add3A_576 : i32
          %get3A_618 = arith.constant 1 : i32
          %get3A_619 = arith.index_cast %get3A_618 : i32 to index
          %get3A_620 = arith.index_cast %mul3A_617 : i32 to index
          %get3A_621 = arith.constant 32 : index
          %get3A_622 = tpu.vector_load %arg6[%get3A_619, %get3A_620, %get3A_621] {strides = array<i32>} : memref<2x256x64xf32, #tpu.memory_space<vmem>>, vector<1x1x16xf32>,
          %get3A_623 = vector.shape_cast %get3A_622 : vector<1x1x16xf32> to vector<16xf32>
          %add3A_624 = arith.addf %add3A_615, %get3A_623 : vector<16xf32>
          %mul3A_625 = arith.constant 2 : i32
          %mul3A_626 = arith.muli %mul3A_625, %add3A_576 : i32
          %add3A_627 = arith.constant 1 : i32
          %add3A_628 = arith.addi %mul3A_626, %add3A_627 : i32
          %get3A_629 = arith.constant 1 : i32
          %get3A_630 = arith.index_cast %get3A_629 : i32 to index
          %get3A_631 = arith.index_cast %add3A_628 : i32 to index
          %get3A_632 = arith.constant 48 : index
          %get3A_633 = tpu.vector_load %arg6[%get3A_630, %get3A_631, %get3A_632] {strides = array<i32>} : memref<2x256x64xf32, #tpu.memory_space<vmem>>, vector<1x1x16xf32>,
          %get3A_634 = vector.shape_cast %get3A_633 : vector<1x1x16xf32> to vector<16xf32>
          %add3A_635 = arith.addf %add3A_624, %get3A_634 : vector<16xf32>
          %max3A_636 = arith.constant 0.000000e+00 : f32
          %max3A_637 = vector.broadcast %max3A_636 : f32 to vector<16xf32>
          %max3A_638 = arith.maximumf %add3A_635, %max3A_637 : vector<16xf32>
          %swap3A_639 = arith.constant 1 : i32
          %swap3A_640 = arith.index_cast %swap3A_639 : i32 to index
          %swap3A_641 = arith.index_cast %add3A_576 : i32 to index
          %swap3A_642 = arith.constant 0 : index
          %swap3A_643 = tpu.vector_load %arg9[%swap3A_640, %swap3A_641, %swap3A_642] {strides = array<i32>} : memref<2x128x16xf32, #tpu.memory_space<vmem>>, vector<1x1x16xf32>,
          %swap3A_644 = vector.shape_cast %swap3A_643 : vector<1x1x16xf32> to vector<16xf32>
          %swap3A_645 = vector.shape_cast %max3A_638 : vector<16xf32> to vector<1x1x16xf32>
          tpu.vector_store %arg9[%swap3A_640, %swap3A_641, %swap3A_642], %swap3A_645 {strides = array<i32>} : memref<2x128x16xf32, #tpu.memory_space<vmem>>, vector<1x1x16xf32>,
          %mul3A_646 = arith.constant 4 : i32
          %mul3A_647 = arith.muli %scan3A_571, %mul3A_646 : i32
          %add3A_648 = arith.constant 1 : i32
          %add3A_649 = arith.addi %mul3A_647, %add3A_648 : i32
          %get3A_650 = arith.constant 1 : i32
          %get3A_651 = arith.index_cast %get3A_650 : i32 to index
          %get3A_652 = arith.index_cast %add3A_649 : i32 to index
          %get3A_653 = arith.constant 0 : index
          %get3A_654 = tpu.vector_load %arg4[%get3A_651, %get3A_652, %get3A_653] {strides = array<i32>} : memref<2x128x64xf32, #tpu.memory_space<vmem>>, vector<1x1x16xf32>,
          %get3A_655 = vector.shape_cast %get3A_654 : vector<1x1x16xf32> to vector<16xf32>
          %add3A_656 = arith.constant 1 : i32
          %add3A_657 = arith.addi %add3A_649, %add3A_656 : i32
          %jit3A_658 = arith.constant 2 : i32
          %div3A_659 = arith.divsi %add3A_657, %jit3A_658 : i32
          %sign3A_660 = arith.constant 0 : i32
          %sign3A_661 = arith.cmpi sgt, %add3A_657, %sign3A_660 : i32
          %sign3A_662 = arith.extui %sign3A_661 : i1 to i32
          %sign3A_663 = arith.constant 0 : i32
          %sign3A_664 = arith.cmpi slt, %add3A_657, %sign3A_663 : i32
          %sign3A_665 = arith.extui %sign3A_664 : i1 to i32
          %sign3A_666 = arith.subi %sign3A_662, %sign3A_665 : i32
          %sign3A_667 = arith.constant 0 : i32
          %sign3A_668 = arith.cmpi sgt, %jit3A_658, %sign3A_667 : i32
          %sign3A_669 = arith.extui %sign3A_668 : i1 to i32
          %sign3A_670 = arith.constant 0 : i32
          %sign3A_671 = arith.cmpi slt, %jit3A_658, %sign3A_670 : i32
          %sign3A_672 = arith.extui %sign3A_671 : i1 to i32
          %sign3A_673 = arith.subi %sign3A_669, %sign3A_672 : i32
          %ne3A_674 = arith.cmpi ne, %sign3A_666, %sign3A_673 : i32
          %rem3A_675 = arith.remsi %add3A_657, %jit3A_658 : i32
          %ne3A_676 = arith.constant 0 : i32
          %ne3A_677 = arith.cmpi ne, %rem3A_675, %ne3A_676 : i32
          %and3A_678 = arith.andi %ne3A_674, %ne3A_677 : i1
          %sub3A_679 = arith.constant 1 : i32
          %sub3A_680 = arith.subi %div3A_659, %sub3A_679 : i32
          %select_n3A_681 = arith.select %and3A_678, %sub3A_680, %div3A_659 : i32
          %get3A_682 = arith.constant 1 : i32
          %get3A_683 = arith.index_cast %get3A_682 : i32 to index
          %get3A_684 = arith.index_cast %select_n3A_681 : i32 to index
          %get3A_685 = arith.constant 16 : index
          %get3A_686 = tpu.vector_load %arg5[%get3A_683, %get3A_684, %get3A_685] {strides = array<i32>} : memref<2x66x64xf32, #tpu.memory_space<vmem>>, vector<1x1x16xf32>,
          %get3A_687 = vector.shape_cast %get3A_686 : vector<1x1x16xf32> to vector<16xf32>
          %add3A_688 = arith.addf %get3A_655, %get3A_687 : vector<16xf32>
          %mul3A_689 = arith.constant 2 : i32
          %mul3A_690 = arith.muli %mul3A_689, %add3A_649 : i32
          %get3A_691 = arith.constant 1 : i32
          %get3A_692 = arith.index_cast %get3A_691 : i32 to index
          %get3A_693 = arith.index_cast %mul3A_690 : i32 to index
          %get3A_694 = arith.constant 32 : index
          %get3A_695 = tpu.vector_load %arg6[%get3A_692, %get3A_693, %get3A_694] {strides = array<i32>} : memref<2x256x64xf32, #tpu.memory_space<vmem>>, vector<1x1x16xf32>,
          %get3A_696 = vector.shape_cast %get3A_695 : vector<1x1x16xf32> to vector<16xf32>
          %add3A_697 = arith.addf %add3A_688, %get3A_696 : vector<16xf32>
          %mul3A_698 = arith.constant 2 : i32
          %mul3A_699 = arith.muli %mul3A_698, %add3A_649 : i32
          %add3A_700 = arith.constant 1 : i32
          %add3A_701 = arith.addi %mul3A_699, %add3A_700 : i32
          %get3A_702 = arith.constant 1 : i32
          %get3A_703 = arith.index_cast %get3A_702 : i32 to index
          %get3A_704 = arith.index_cast %add3A_701 : i32 to index
          %get3A_705 = arith.constant 48 : index
          %get3A_706 = tpu.vector_load %arg6[%get3A_703, %get3A_704, %get3A_705] {strides = array<i32>} : memref<2x256x64xf32, #tpu.memory_space<vmem>>, vector<1x1x16xf32>,
          %get3A_707 = vector.shape_cast %get3A_706 : vector<1x1x16xf32> to vector<16xf32>
          %add3A_708 = arith.addf %add3A_697, %get3A_707 : vector<16xf32>
          %max3A_709 = arith.constant 0.000000e+00 : f32
          %max3A_710 = vector.broadcast %max3A_709 : f32 to vector<16xf32>
          %max3A_711 = arith.maximumf %add3A_708, %max3A_710 : vector<16xf32>
          %swap3A_712 = arith.constant 1 : i32
          %swap3A_713 = arith.index_cast %swap3A_712 : i32 to index
          %swap3A_714 = arith.index_cast %add3A_649 : i32 to index
          %swap3A_715 = arith.constant 0 : index
          %swap3A_716 = tpu.vector_load %arg9[%swap3A_713, %swap3A_714, %swap3A_715] {strides = array<i32>} : memref<2x128x16xf32, #tpu.memory_space<vmem>>, vector<1x1x16xf32>,
          %swap3A_717 = vector.shape_cast %swap3A_716 : vector<1x1x16xf32> to vector<16xf32>
          %swap3A_718 = vector.shape_cast %max3A_711 : vector<16xf32> to vector<1x1x16xf32>
          tpu.vector_store %arg9[%swap3A_713, %swap3A_714, %swap3A_715], %swap3A_718 {strides = array<i32>} : memref<2x128x16xf32, #tpu.memory_space<vmem>>, vector<1x1x16xf32>,
          %mul3A_719 = arith.constant 4 : i32
          %mul3A_720 = arith.muli %scan3A_571, %mul3A_719 : i32
          %add3A_721 = arith.constant 2 : i32
          %add3A_722 = arith.addi %mul3A_720, %add3A_721 : i32
          %get3A_723 = arith.constant 1 : i32
          %get3A_724 = arith.index_cast %get3A_723 : i32 to index
          %get3A_725 = arith.index_cast %add3A_722 : i32 to index
          %get3A_726 = arith.constant 0 : index
          %get3A_727 = tpu.vector_load %arg4[%get3A_724, %get3A_725, %get3A_726] {strides = array<i32>} : memref<2x128x64xf32, #tpu.memory_space<vmem>>, vector<1x1x16xf32>,
          %get3A_728 = vector.shape_cast %get3A_727 : vector<1x1x16xf32> to vector<16xf32>
          %add3A_729 = arith.constant 1 : i32
          %add3A_730 = arith.addi %add3A_722, %add3A_729 : i32
          %jit3A_731 = arith.constant 2 : i32
          %div3A_732 = arith.divsi %add3A_730, %jit3A_731 : i32
          %sign3A_733 = arith.constant 0 : i32
          %sign3A_734 = arith.cmpi sgt, %add3A_730, %sign3A_733 : i32
          %sign3A_735 = arith.extui %sign3A_734 : i1 to i32
          %sign3A_736 = arith.constant 0 : i32
          %sign3A_737 = arith.cmpi slt, %add3A_730, %sign3A_736 : i32
          %sign3A_738 = arith.extui %sign3A_737 : i1 to i32
          %sign3A_739 = arith.subi %sign3A_735, %sign3A_738 : i32
          %sign3A_740 = arith.constant 0 : i32
          %sign3A_741 = arith.cmpi sgt, %jit3A_731, %sign3A_740 : i32
          %sign3A_742 = arith.extui %sign3A_741 : i1 to i32
          %sign3A_743 = arith.constant 0 : i32
          %sign3A_744 = arith.cmpi slt, %jit3A_731, %sign3A_743 : i32
          %sign3A_745 = arith.extui %sign3A_744 : i1 to i32
          %sign3A_746 = arith.subi %sign3A_742, %sign3A_745 : i32
          %ne3A_747 = arith.cmpi ne, %sign3A_739, %sign3A_746 : i32
          %rem3A_748 = arith.remsi %add3A_730, %jit3A_731 : i32
          %ne3A_749 = arith.constant 0 : i32
          %ne3A_750 = arith.cmpi ne, %rem3A_748, %ne3A_749 : i32
          %and3A_751 = arith.andi %ne3A_747, %ne3A_750 : i1
          %sub3A_752 = arith.constant 1 : i32
          %sub3A_753 = arith.subi %div3A_732, %sub3A_752 : i32
          %select_n3A_754 = arith.select %and3A_751, %sub3A_753, %div3A_732 : i32
          %get3A_755 = arith.constant 1 : i32
          %get3A_756 = arith.index_cast %get3A_755 : i32 to index
          %get3A_757 = arith.index_cast %select_n3A_754 : i32 to index
          %get3A_758 = arith.constant 16 : index
          %get3A_759 = tpu.vector_load %arg5[%get3A_756, %get3A_757, %get3A_758] {strides = array<i32>} : memref<2x66x64xf32, #tpu.memory_space<vmem>>, vector<1x1x16xf32>,
          %get3A_760 = vector.shape_cast %get3A_759 : vector<1x1x16xf32> to vector<16xf32>
          %add3A_761 = arith.addf %get3A_728, %get3A_760 : vector<16xf32>
          %mul3A_762 = arith.constant 2 : i32
          %mul3A_763 = arith.muli %mul3A_762, %add3A_722 : i32
          %get3A_764 = arith.constant 1 : i32
          %get3A_765 = arith.index_cast %get3A_764 : i32 to index
          %get3A_766 = arith.index_cast %mul3A_763 : i32 to index
          %get3A_767 = arith.constant 32 : index
          %get3A_768 = tpu.vector_load %arg6[%get3A_765, %get3A_766, %get3A_767] {strides = array<i32>} : memref<2x256x64xf32, #tpu.memory_space<vmem>>, vector<1x1x16xf32>,
          %get3A_769 = vector.shape_cast %get3A_768 : vector<1x1x16xf32> to vector<16xf32>
          %add3A_770 = arith.addf %add3A_761, %get3A_769 : vector<16xf32>
          %mul3A_771 = arith.constant 2 : i32
          %mul3A_772 = arith.muli %mul3A_771, %add3A_722 : i32
          %add3A_773 = arith.constant 1 : i32
          %add3A_774 = arith.addi %mul3A_772, %add3A_773 : i32
          %get3A_775 = arith.constant 1 : i32
          %get3A_776 = arith.index_cast %get3A_775 : i32 to index
          %get3A_777 = arith.index_cast %add3A_774 : i32 to index
          %get3A_778 = arith.constant 48 : index
          %get3A_779 = tpu.vector_load %arg6[%get3A_776, %get3A_777, %get3A_778] {strides = array<i32>} : memref<2x256x64xf32, #tpu.memory_space<vmem>>, vector<1x1x16xf32>,
          %get3A_780 = vector.shape_cast %get3A_779 : vector<1x1x16xf32> to vector<16xf32>
          %add3A_781 = arith.addf %add3A_770, %get3A_780 : vector<16xf32>
          %max3A_782 = arith.constant 0.000000e+00 : f32
          %max3A_783 = vector.broadcast %max3A_782 : f32 to vector<16xf32>
          %max3A_784 = arith.maximumf %add3A_781, %max3A_783 : vector<16xf32>
          %swap3A_785 = arith.constant 1 : i32
          %swap3A_786 = arith.index_cast %swap3A_785 : i32 to index
          %swap3A_787 = arith.index_cast %add3A_722 : i32 to index
          %swap3A_788 = arith.constant 0 : index
          %swap3A_789 = tpu.vector_load %arg9[%swap3A_786, %swap3A_787, %swap3A_788] {strides = array<i32>} : memref<2x128x16xf32, #tpu.memory_space<vmem>>, vector<1x1x16xf32>,
          %swap3A_790 = vector.shape_cast %swap3A_789 : vector<1x1x16xf32> to vector<16xf32>
          %swap3A_791 = vector.shape_cast %max3A_784 : vector<16xf32> to vector<1x1x16xf32>
          tpu.vector_store %arg9[%swap3A_786, %swap3A_787, %swap3A_788], %swap3A_791 {strides = array<i32>} : memref<2x128x16xf32, #tpu.memory_space<vmem>>, vector<1x1x16xf32>,
          %mul3A_792 = arith.constant 4 : i32
          %mul3A_793 = arith.muli %scan3A_571, %mul3A_792 : i32
          %add3A_794 = arith.constant 3 : i32
          %add3A_795 = arith.addi %mul3A_793, %add3A_794 : i32
          %get3A_796 = arith.constant 1 : i32
          %get3A_797 = arith.index_cast %get3A_796 : i32 to index
          %get3A_798 = arith.index_cast %add3A_795 : i32 to index
          %get3A_799 = arith.constant 0 : index
          %get3A_800 = tpu.vector_load %arg4[%get3A_797, %get3A_798, %get3A_799] {strides = array<i32>} : memref<2x128x64xf32, #tpu.memory_space<vmem>>, vector<1x1x16xf32>,
          %get3A_801 = vector.shape_cast %get3A_800 : vector<1x1x16xf32> to vector<16xf32>
          %add3A_802 = arith.constant 1 : i32
          %add3A_803 = arith.addi %add3A_795, %add3A_802 : i32
          %jit3A_804 = arith.constant 2 : i32
          %div3A_805 = arith.divsi %add3A_803, %jit3A_804 : i32
          %sign3A_806 = arith.constant 0 : i32
          %sign3A_807 = arith.cmpi sgt, %add3A_803, %sign3A_806 : i32
          %sign3A_808 = arith.extui %sign3A_807 : i1 to i32
          %sign3A_809 = arith.constant 0 : i32
          %sign3A_810 = arith.cmpi slt, %add3A_803, %sign3A_809 : i32
          %sign3A_811 = arith.extui %sign3A_810 : i1 to i32
          %sign3A_812 = arith.subi %sign3A_808, %sign3A_811 : i32
          %sign3A_813 = arith.constant 0 : i32
          %sign3A_814 = arith.cmpi sgt, %jit3A_804, %sign3A_813 : i32
          %sign3A_815 = arith.extui %sign3A_814 : i1 to i32
          %sign3A_816 = arith.constant 0 : i32
          %sign3A_817 = arith.cmpi slt, %jit3A_804, %sign3A_816 : i32
          %sign3A_818 = arith.extui %sign3A_817 : i1 to i32
          %sign3A_819 = arith.subi %sign3A_815, %sign3A_818 : i32
          %ne3A_820 = arith.cmpi ne, %sign3A_812, %sign3A_819 : i32
          %rem3A_821 = arith.remsi %add3A_803, %jit3A_804 : i32
          %ne3A_822 = arith.constant 0 : i32
          %ne3A_823 = arith.cmpi ne, %rem3A_821, %ne3A_822 : i32
          %and3A_824 = arith.andi %ne3A_820, %ne3A_823 : i1
          %sub3A_825 = arith.constant 1 : i32
          %sub3A_826 = arith.subi %div3A_805, %sub3A_825 : i32
          %select_n3A_827 = arith.select %and3A_824, %sub3A_826, %div3A_805 : i32
          %get3A_828 = arith.constant 1 : i32
          %get3A_829 = arith.index_cast %get3A_828 : i32 to index
          %get3A_830 = arith.index_cast %select_n3A_827 : i32 to index
          %get3A_831 = arith.constant 16 : index
          %get3A_832 = tpu.vector_load %arg5[%get3A_829, %get3A_830, %get3A_831] {strides = array<i32>} : memref<2x66x64xf32, #tpu.memory_space<vmem>>, vector<1x1x16xf32>,
          %get3A_833 = vector.shape_cast %get3A_832 : vector<1x1x16xf32> to vector<16xf32>
          %add3A_834 = arith.addf %get3A_801, %get3A_833 : vector<16xf32>
          %mul3A_835 = arith.constant 2 : i32
          %mul3A_836 = arith.muli %mul3A_835, %add3A_795 : i32
          %get3A_837 = arith.constant 1 : i32
          %get3A_838 = arith.index_cast %get3A_837 : i32 to index
          %get3A_839 = arith.index_cast %mul3A_836 : i32 to index
          %get3A_840 = arith.constant 32 : index
          %get3A_841 = tpu.vector_load %arg6[%get3A_838, %get3A_839, %get3A_840] {strides = array<i32>} : memref<2x256x64xf32, #tpu.memory_space<vmem>>, vector<1x1x16xf32>,
          %get3A_842 = vector.shape_cast %get3A_841 : vector<1x1x16xf32> to vector<16xf32>
          %add3A_843 = arith.addf %add3A_834, %get3A_842 : vector<16xf32>
          %mul3A_844 = arith.constant 2 : i32
          %mul3A_845 = arith.muli %mul3A_844, %add3A_795 : i32
          %add3A_846 = arith.constant 1 : i32
          %add3A_847 = arith.addi %mul3A_845, %add3A_846 : i32
          %get3A_848 = arith.constant 1 : i32
          %get3A_849 = arith.index_cast %get3A_848 : i32 to index
          %get3A_850 = arith.index_cast %add3A_847 : i32 to index
          %get3A_851 = arith.constant 48 : index
          %get3A_852 = tpu.vector_load %arg6[%get3A_849, %get3A_850, %get3A_851] {strides = array<i32>} : memref<2x256x64xf32, #tpu.memory_space<vmem>>, vector<1x1x16xf32>,
          %get3A_853 = vector.shape_cast %get3A_852 : vector<1x1x16xf32> to vector<16xf32>
          %add3A_854 = arith.addf %add3A_843, %get3A_853 : vector<16xf32>
          %max3A_855 = arith.constant 0.000000e+00 : f32
          %max3A_856 = vector.broadcast %max3A_855 : f32 to vector<16xf32>
          %max3A_857 = arith.maximumf %add3A_854, %max3A_856 : vector<16xf32>
          %swap3A_858 = arith.constant 1 : i32
          %swap3A_859 = arith.index_cast %swap3A_858 : i32 to index
          %swap3A_860 = arith.index_cast %add3A_795 : i32 to index
          %swap3A_861 = arith.constant 0 : index
          %swap3A_862 = tpu.vector_load %arg9[%swap3A_859, %swap3A_860, %swap3A_861] {strides = array<i32>} : memref<2x128x16xf32, #tpu.memory_space<vmem>>, vector<1x1x16xf32>,
          %swap3A_863 = vector.shape_cast %swap3A_862 : vector<1x1x16xf32> to vector<16xf32>
          %swap3A_864 = vector.shape_cast %max3A_857 : vector<16xf32> to vector<1x1x16xf32>
          tpu.vector_store %arg9[%swap3A_859, %swap3A_860, %swap3A_861], %swap3A_864 {strides = array<i32>} : memref<2x128x16xf32, #tpu.memory_space<vmem>>, vector<1x1x16xf32>,
          %scan3A_865 = arith.constant 0 : i32
          scf.yield %scan3A_865 : i32
        }
        %scan3A_534 = arith.constant 32 : i32
        %get3A = arith.constant 1 : i32
        %get3A_535 = arith.constant 127 : i32
        %get3A_536 = arith.index_cast %get3A : i32 to index
        %get3A_537 = arith.index_cast %get3A_535 : i32 to index
        %get3A_538 = arith.constant 0 : index
        %get3A_539 = tpu.vector_load %arg4[%get3A_536, %get3A_537, %get3A_538] {strides = array<i32>} : memref<2x128x64xf32, #tpu.memory_space<vmem>>, vector<1x1x16xf32>,
        %get3A_540 = vector.shape_cast %get3A_539 : vector<1x1x16xf32> to vector<16xf32>
        %get3A_541 = arith.constant 1 : i32
        %get3A_542 = arith.constant 64 : i32
        %get3A_543 = arith.index_cast %get3A_541 : i32 to index
        %get3A_544 = arith.index_cast %get3A_542 : i32 to index
        %get3A_545 = arith.constant 16 : index
        %get3A_546 = tpu.vector_load %arg5[%get3A_543, %get3A_544, %get3A_545] {strides = array<i32>} : memref<2x66x64xf32, #tpu.memory_space<vmem>>, vector<1x1x16xf32>,
        %get3A_547 = vector.shape_cast %get3A_546 : vector<1x1x16xf32> to vector<16xf32>
        %add3A_548 = arith.addf %get3A_540, %get3A_547 : vector<16xf32>
        %get3A_549 = arith.constant 0 : i32
        %get3A_550 = arith.index_cast %get3A_549 : i32 to index
        %get3A_551 = arith.constant 32 : index
        %get3A_552 = tpu.vector_load %arg7[%get3A_550, %get3A_551] {strides = array<i32>} : memref<1x64xf32, #tpu.memory_space<vmem>>, vector<1x16xf32>,
        %get3A_553 = vector.shape_cast %get3A_552 : vector<1x16xf32> to vector<16xf32>
        %add3A_554 = arith.addf %add3A_548, %get3A_553 : vector<16xf32>
        %get3A_555 = arith.constant 0 : i32
        %get3A_556 = arith.index_cast %get3A_555 : i32 to index
        %get3A_557 = arith.constant 48 : index
        %get3A_558 = tpu.vector_load %arg7[%get3A_556, %get3A_557] {strides = array<i32>} : memref<1x64xf32, #tpu.memory_space<vmem>>, vector<1x16xf32>,
        %get3A_559 = vector.shape_cast %get3A_558 : vector<1x16xf32> to vector<16xf32>
        %add3A_560 = arith.addf %add3A_554, %get3A_559 : vector<16xf32>
        %max3A_561 = arith.constant 0.000000e+00 : f32
        %max3A_562 = vector.broadcast %max3A_561 : f32 to vector<16xf32>
        %max3A_563 = arith.maximumf %add3A_560, %max3A_562 : vector<16xf32>
        %swap3A = arith.constant 1 : i32
        %swap3A_564 = arith.constant 127 : i32
        %swap3A_565 = arith.index_cast %swap3A : i32 to index
        %swap3A_566 = arith.index_cast %swap3A_564 : i32 to index
        %swap3A_567 = arith.constant 0 : index
        %swap3A_568 = tpu.vector_load %arg9[%swap3A_565, %swap3A_566, %swap3A_567] {strides = array<i32>} : memref<2x128x16xf32, #tpu.memory_space<vmem>>, vector<1x1x16xf32>,
        %swap3A_569 = vector.shape_cast %swap3A_568 : vector<1x1x16xf32> to vector<16xf32>
        %swap3A_570 = vector.shape_cast %max3A_563 : vector<16xf32> to vector<1x1x16xf32>
        tpu.vector_store %arg9[%swap3A_565, %swap3A_566, %swap3A_567], %swap3A_570 {strides = array<i32>} : memref<2x128x16xf32, #tpu.memory_space<vmem>>, vector<1x1x16xf32>,
      } else {
      }
      %ge3A_489 = arith.constant 8191 : i32
      %ge3A_490 = arith.cmpi sge, %add3A_463, %ge3A_489 : i32
      %convert_element_type3A_491 = arith.extui %ge3A_490 : i1 to i32
      %cond3A_492 = arith.constant 0 : i32
      %cond3A_493 = arith.cmpi ne, %convert_element_type3A_491, %cond3A_492 : i32
      scf.if %cond3A_493 {
        %get3A = arith.constant 0 : i32
        %get3A_523 = arith.index_cast %get3A : i32 to index
        %get3A_524 = arith.constant 32 : index
        %get3A_525 = tpu.vector_load %arg7[%get3A_523, %get3A_524] {strides = array<i32>} : memref<1x64xf32, #tpu.memory_space<vmem>>, vector<1x16xf32>,
        %get3A_526 = vector.shape_cast %get3A_525 : vector<1x16xf32> to vector<16xf32>
        %get3A_527 = arith.constant 0 : i32
        %get3A_528 = arith.index_cast %get3A_527 : i32 to index
        %get3A_529 = arith.constant 48 : index
        %get3A_530 = tpu.vector_load %arg7[%get3A_528, %get3A_529] {strides = array<i32>} : memref<1x64xf32, #tpu.memory_space<vmem>>, vector<1x16xf32>,
        %get3A_531 = vector.shape_cast %get3A_530 : vector<1x16xf32> to vector<16xf32>
        %add3A_532 = arith.addf %get3A_526, %get3A_531 : vector<16xf32>
        %scan3A_533 = arith.constant 0 : i32
        %scan3A_534 = arith.constant 0 : i32
        %scan3A_535 = arith.constant 32 : i32
        %scan3A_536 = arith.addi %scan3A_534, %scan3A_535 : i32
        %scan3A_537 = arith.constant 1 : i32
        %scan3A_538 = scf.for %scan3A_540 = %scan3A_534 to %scan3A_536 step %scan3A_537 iter_args(%scan3A_541 = %scan3A_533) -> (i32)  : i32 {
          %mul3A_542 = arith.constant 4 : i32
          %mul3A_543 = arith.muli %scan3A_540, %mul3A_542 : i32
          %add3A_544 = arith.constant 0 : i32
          %add3A_545 = arith.addi %mul3A_543, %add3A_544 : i32
          %get3A_546 = arith.constant 1 : i32
          %get3A_547 = arith.index_cast %get3A_546 : i32 to index
          %get3A_548 = arith.index_cast %add3A_545 : i32 to index
          %get3A_549 = arith.constant 0 : index
          %get3A_550 = tpu.vector_load %arg4[%get3A_547, %get3A_548, %get3A_549] {strides = array<i32>} : memref<2x128x64xf32, #tpu.memory_space<vmem>>, vector<1x1x16xf32>,
          %get3A_551 = vector.shape_cast %get3A_550 : vector<1x1x16xf32> to vector<16xf32>
          %add3A_552 = arith.constant 1 : i32
          %add3A_553 = arith.addi %add3A_545, %add3A_552 : i32
          %jit3A_554 = arith.constant 2 : i32
          %div3A_555 = arith.divsi %add3A_553, %jit3A_554 : i32
          %sign3A_556 = arith.constant 0 : i32
          %sign3A_557 = arith.cmpi sgt, %add3A_553, %sign3A_556 : i32
          %sign3A_558 = arith.extui %sign3A_557 : i1 to i32
          %sign3A_559 = arith.constant 0 : i32
          %sign3A_560 = arith.cmpi slt, %add3A_553, %sign3A_559 : i32
          %sign3A_561 = arith.extui %sign3A_560 : i1 to i32
          %sign3A_562 = arith.subi %sign3A_558, %sign3A_561 : i32
          %sign3A_563 = arith.constant 0 : i32
          %sign3A_564 = arith.cmpi sgt, %jit3A_554, %sign3A_563 : i32
          %sign3A_565 = arith.extui %sign3A_564 : i1 to i32
          %sign3A_566 = arith.constant 0 : i32
          %sign3A_567 = arith.cmpi slt, %jit3A_554, %sign3A_566 : i32
          %sign3A_568 = arith.extui %sign3A_567 : i1 to i32
          %sign3A_569 = arith.subi %sign3A_565, %sign3A_568 : i32
          %ne3A_570 = arith.cmpi ne, %sign3A_562, %sign3A_569 : i32
          %rem3A_571 = arith.remsi %add3A_553, %jit3A_554 : i32
          %ne3A_572 = arith.constant 0 : i32
          %ne3A_573 = arith.cmpi ne, %rem3A_571, %ne3A_572 : i32
          %and3A_574 = arith.andi %ne3A_570, %ne3A_573 : i1
          %sub3A_575 = arith.constant 1 : i32
          %sub3A_576 = arith.subi %div3A_555, %sub3A_575 : i32
          %select_n3A_577 = arith.select %and3A_574, %sub3A_576, %div3A_555 : i32
          %get3A_578 = arith.constant 1 : i32
          %get3A_579 = arith.index_cast %get3A_578 : i32 to index
          %get3A_580 = arith.index_cast %select_n3A_577 : i32 to index
          %get3A_581 = arith.constant 16 : index
          %get3A_582 = tpu.vector_load %arg5[%get3A_579, %get3A_580, %get3A_581] {strides = array<i32>} : memref<2x66x64xf32, #tpu.memory_space<vmem>>, vector<1x1x16xf32>,
          %get3A_583 = vector.shape_cast %get3A_582 : vector<1x1x16xf32> to vector<16xf32>
          %add3A_584 = arith.addf %get3A_551, %get3A_583 : vector<16xf32>
          %add3A_585 = arith.addf %add3A_584, %add3A_532 : vector<16xf32>
          %max3A_586 = arith.constant 0.000000e+00 : f32
          %max3A_587 = vector.broadcast %max3A_586 : f32 to vector<16xf32>
          %max3A_588 = arith.maximumf %add3A_585, %max3A_587 : vector<16xf32>
          %swap3A = arith.constant 1 : i32
          %swap3A_589 = arith.index_cast %swap3A : i32 to index
          %swap3A_590 = arith.index_cast %add3A_545 : i32 to index
          %swap3A_591 = arith.constant 0 : index
          %swap3A_592 = tpu.vector_load %arg9[%swap3A_589, %swap3A_590, %swap3A_591] {strides = array<i32>} : memref<2x128x16xf32, #tpu.memory_space<vmem>>, vector<1x1x16xf32>,
          %swap3A_593 = vector.shape_cast %swap3A_592 : vector<1x1x16xf32> to vector<16xf32>
          %swap3A_594 = vector.shape_cast %max3A_588 : vector<16xf32> to vector<1x1x16xf32>
          tpu.vector_store %arg9[%swap3A_589, %swap3A_590, %swap3A_591], %swap3A_594 {strides = array<i32>} : memref<2x128x16xf32, #tpu.memory_space<vmem>>, vector<1x1x16xf32>,
          %mul3A_595 = arith.constant 4 : i32
          %mul3A_596 = arith.muli %scan3A_540, %mul3A_595 : i32
          %add3A_597 = arith.constant 1 : i32
          %add3A_598 = arith.addi %mul3A_596, %add3A_597 : i32
          %get3A_599 = arith.constant 1 : i32
          %get3A_600 = arith.index_cast %get3A_599 : i32 to index
          %get3A_601 = arith.index_cast %add3A_598 : i32 to index
          %get3A_602 = arith.constant 0 : index
          %get3A_603 = tpu.vector_load %arg4[%get3A_600, %get3A_601, %get3A_602] {strides = array<i32>} : memref<2x128x64xf32, #tpu.memory_space<vmem>>, vector<1x1x16xf32>,
          %get3A_604 = vector.shape_cast %get3A_603 : vector<1x1x16xf32> to vector<16xf32>
          %add3A_605 = arith.constant 1 : i32
          %add3A_606 = arith.addi %add3A_598, %add3A_605 : i32
          %jit3A_607 = arith.constant 2 : i32
          %div3A_608 = arith.divsi %add3A_606, %jit3A_607 : i32
          %sign3A_609 = arith.constant 0 : i32
          %sign3A_610 = arith.cmpi sgt, %add3A_606, %sign3A_609 : i32
          %sign3A_611 = arith.extui %sign3A_610 : i1 to i32
          %sign3A_612 = arith.constant 0 : i32
          %sign3A_613 = arith.cmpi slt, %add3A_606, %sign3A_612 : i32
          %sign3A_614 = arith.extui %sign3A_613 : i1 to i32
          %sign3A_615 = arith.subi %sign3A_611, %sign3A_614 : i32
          %sign3A_616 = arith.constant 0 : i32
          %sign3A_617 = arith.cmpi sgt, %jit3A_607, %sign3A_616 : i32
          %sign3A_618 = arith.extui %sign3A_617 : i1 to i32
          %sign3A_619 = arith.constant 0 : i32
          %sign3A_620 = arith.cmpi slt, %jit3A_607, %sign3A_619 : i32
          %sign3A_621 = arith.extui %sign3A_620 : i1 to i32
          %sign3A_622 = arith.subi %sign3A_618, %sign3A_621 : i32
          %ne3A_623 = arith.cmpi ne, %sign3A_615, %sign3A_622 : i32
          %rem3A_624 = arith.remsi %add3A_606, %jit3A_607 : i32
          %ne3A_625 = arith.constant 0 : i32
          %ne3A_626 = arith.cmpi ne, %rem3A_624, %ne3A_625 : i32
          %and3A_627 = arith.andi %ne3A_623, %ne3A_626 : i1
          %sub3A_628 = arith.constant 1 : i32
          %sub3A_629 = arith.subi %div3A_608, %sub3A_628 : i32
          %select_n3A_630 = arith.select %and3A_627, %sub3A_629, %div3A_608 : i32
          %get3A_631 = arith.constant 1 : i32
          %get3A_632 = arith.index_cast %get3A_631 : i32 to index
          %get3A_633 = arith.index_cast %select_n3A_630 : i32 to index
          %get3A_634 = arith.constant 16 : index
          %get3A_635 = tpu.vector_load %arg5[%get3A_632, %get3A_633, %get3A_634] {strides = array<i32>} : memref<2x66x64xf32, #tpu.memory_space<vmem>>, vector<1x1x16xf32>,
          %get3A_636 = vector.shape_cast %get3A_635 : vector<1x1x16xf32> to vector<16xf32>
          %add3A_637 = arith.addf %get3A_604, %get3A_636 : vector<16xf32>
          %add3A_638 = arith.addf %add3A_637, %add3A_532 : vector<16xf32>
          %max3A_639 = arith.constant 0.000000e+00 : f32
          %max3A_640 = vector.broadcast %max3A_639 : f32 to vector<16xf32>
          %max3A_641 = arith.maximumf %add3A_638, %max3A_640 : vector<16xf32>
          %swap3A_642 = arith.constant 1 : i32
          %swap3A_643 = arith.index_cast %swap3A_642 : i32 to index
          %swap3A_644 = arith.index_cast %add3A_598 : i32 to index
          %swap3A_645 = arith.constant 0 : index
          %swap3A_646 = tpu.vector_load %arg9[%swap3A_643, %swap3A_644, %swap3A_645] {strides = array<i32>} : memref<2x128x16xf32, #tpu.memory_space<vmem>>, vector<1x1x16xf32>,
          %swap3A_647 = vector.shape_cast %swap3A_646 : vector<1x1x16xf32> to vector<16xf32>
          %swap3A_648 = vector.shape_cast %max3A_641 : vector<16xf32> to vector<1x1x16xf32>
          tpu.vector_store %arg9[%swap3A_643, %swap3A_644, %swap3A_645], %swap3A_648 {strides = array<i32>} : memref<2x128x16xf32, #tpu.memory_space<vmem>>, vector<1x1x16xf32>,
          %mul3A_649 = arith.constant 4 : i32
          %mul3A_650 = arith.muli %scan3A_540, %mul3A_649 : i32
          %add3A_651 = arith.constant 2 : i32
          %add3A_652 = arith.addi %mul3A_650, %add3A_651 : i32
          %get3A_653 = arith.constant 1 : i32
          %get3A_654 = arith.index_cast %get3A_653 : i32 to index
          %get3A_655 = arith.index_cast %add3A_652 : i32 to index
          %get3A_656 = arith.constant 0 : index
          %get3A_657 = tpu.vector_load %arg4[%get3A_654, %get3A_655, %get3A_656] {strides = array<i32>} : memref<2x128x64xf32, #tpu.memory_space<vmem>>, vector<1x1x16xf32>,
          %get3A_658 = vector.shape_cast %get3A_657 : vector<1x1x16xf32> to vector<16xf32>
          %add3A_659 = arith.constant 1 : i32
          %add3A_660 = arith.addi %add3A_652, %add3A_659 : i32
          %jit3A_661 = arith.constant 2 : i32
          %div3A_662 = arith.divsi %add3A_660, %jit3A_661 : i32
          %sign3A_663 = arith.constant 0 : i32
          %sign3A_664 = arith.cmpi sgt, %add3A_660, %sign3A_663 : i32
          %sign3A_665 = arith.extui %sign3A_664 : i1 to i32
          %sign3A_666 = arith.constant 0 : i32
          %sign3A_667 = arith.cmpi slt, %add3A_660, %sign3A_666 : i32
          %sign3A_668 = arith.extui %sign3A_667 : i1 to i32
          %sign3A_669 = arith.subi %sign3A_665, %sign3A_668 : i32
          %sign3A_670 = arith.constant 0 : i32
          %sign3A_671 = arith.cmpi sgt, %jit3A_661, %sign3A_670 : i32
          %sign3A_672 = arith.extui %sign3A_671 : i1 to i32
          %sign3A_673 = arith.constant 0 : i32
          %sign3A_674 = arith.cmpi slt, %jit3A_661, %sign3A_673 : i32
          %sign3A_675 = arith.extui %sign3A_674 : i1 to i32
          %sign3A_676 = arith.subi %sign3A_672, %sign3A_675 : i32
          %ne3A_677 = arith.cmpi ne, %sign3A_669, %sign3A_676 : i32
          %rem3A_678 = arith.remsi %add3A_660, %jit3A_661 : i32
          %ne3A_679 = arith.constant 0 : i32
          %ne3A_680 = arith.cmpi ne, %rem3A_678, %ne3A_679 : i32
          %and3A_681 = arith.andi %ne3A_677, %ne3A_680 : i1
          %sub3A_682 = arith.constant 1 : i32
          %sub3A_683 = arith.subi %div3A_662, %sub3A_682 : i32
          %select_n3A_684 = arith.select %and3A_681, %sub3A_683, %div3A_662 : i32
          %get3A_685 = arith.constant 1 : i32
          %get3A_686 = arith.index_cast %get3A_685 : i32 to index
          %get3A_687 = arith.index_cast %select_n3A_684 : i32 to index
          %get3A_688 = arith.constant 16 : index
          %get3A_689 = tpu.vector_load %arg5[%get3A_686, %get3A_687, %get3A_688] {strides = array<i32>} : memref<2x66x64xf32, #tpu.memory_space<vmem>>, vector<1x1x16xf32>,
          %get3A_690 = vector.shape_cast %get3A_689 : vector<1x1x16xf32> to vector<16xf32>
          %add3A_691 = arith.addf %get3A_658, %get3A_690 : vector<16xf32>
          %add3A_692 = arith.addf %add3A_691, %add3A_532 : vector<16xf32>
          %max3A_693 = arith.constant 0.000000e+00 : f32
          %max3A_694 = vector.broadcast %max3A_693 : f32 to vector<16xf32>
          %max3A_695 = arith.maximumf %add3A_692, %max3A_694 : vector<16xf32>
          %swap3A_696 = arith.constant 1 : i32
          %swap3A_697 = arith.index_cast %swap3A_696 : i32 to index
          %swap3A_698 = arith.index_cast %add3A_652 : i32 to index
          %swap3A_699 = arith.constant 0 : index
          %swap3A_700 = tpu.vector_load %arg9[%swap3A_697, %swap3A_698, %swap3A_699] {strides = array<i32>} : memref<2x128x16xf32, #tpu.memory_space<vmem>>, vector<1x1x16xf32>,
          %swap3A_701 = vector.shape_cast %swap3A_700 : vector<1x1x16xf32> to vector<16xf32>
          %swap3A_702 = vector.shape_cast %max3A_695 : vector<16xf32> to vector<1x1x16xf32>
          tpu.vector_store %arg9[%swap3A_697, %swap3A_698, %swap3A_699], %swap3A_702 {strides = array<i32>} : memref<2x128x16xf32, #tpu.memory_space<vmem>>, vector<1x1x16xf32>,
          %mul3A_703 = arith.constant 4 : i32
          %mul3A_704 = arith.muli %scan3A_540, %mul3A_703 : i32
          %add3A_705 = arith.constant 3 : i32
          %add3A_706 = arith.addi %mul3A_704, %add3A_705 : i32
          %get3A_707 = arith.constant 1 : i32
          %get3A_708 = arith.index_cast %get3A_707 : i32 to index
          %get3A_709 = arith.index_cast %add3A_706 : i32 to index
          %get3A_710 = arith.constant 0 : index
          %get3A_711 = tpu.vector_load %arg4[%get3A_708, %get3A_709, %get3A_710] {strides = array<i32>} : memref<2x128x64xf32, #tpu.memory_space<vmem>>, vector<1x1x16xf32>,
          %get3A_712 = vector.shape_cast %get3A_711 : vector<1x1x16xf32> to vector<16xf32>
          %add3A_713 = arith.constant 1 : i32
          %add3A_714 = arith.addi %add3A_706, %add3A_713 : i32
          %jit3A_715 = arith.constant 2 : i32
          %div3A_716 = arith.divsi %add3A_714, %jit3A_715 : i32
          %sign3A_717 = arith.constant 0 : i32
          %sign3A_718 = arith.cmpi sgt, %add3A_714, %sign3A_717 : i32
          %sign3A_719 = arith.extui %sign3A_718 : i1 to i32
          %sign3A_720 = arith.constant 0 : i32
          %sign3A_721 = arith.cmpi slt, %add3A_714, %sign3A_720 : i32
          %sign3A_722 = arith.extui %sign3A_721 : i1 to i32
          %sign3A_723 = arith.subi %sign3A_719, %sign3A_722 : i32
          %sign3A_724 = arith.constant 0 : i32
          %sign3A_725 = arith.cmpi sgt, %jit3A_715, %sign3A_724 : i32
          %sign3A_726 = arith.extui %sign3A_725 : i1 to i32
          %sign3A_727 = arith.constant 0 : i32
          %sign3A_728 = arith.cmpi slt, %jit3A_715, %sign3A_727 : i32
          %sign3A_729 = arith.extui %sign3A_728 : i1 to i32
          %sign3A_730 = arith.subi %sign3A_726, %sign3A_729 : i32
          %ne3A_731 = arith.cmpi ne, %sign3A_723, %sign3A_730 : i32
          %rem3A_732 = arith.remsi %add3A_714, %jit3A_715 : i32
          %ne3A_733 = arith.constant 0 : i32
          %ne3A_734 = arith.cmpi ne, %rem3A_732, %ne3A_733 : i32
          %and3A_735 = arith.andi %ne3A_731, %ne3A_734 : i1
          %sub3A_736 = arith.constant 1 : i32
          %sub3A_737 = arith.subi %div3A_716, %sub3A_736 : i32
          %select_n3A_738 = arith.select %and3A_735, %sub3A_737, %div3A_716 : i32
          %get3A_739 = arith.constant 1 : i32
          %get3A_740 = arith.index_cast %get3A_739 : i32 to index
          %get3A_741 = arith.index_cast %select_n3A_738 : i32 to index
          %get3A_742 = arith.constant 16 : index
          %get3A_743 = tpu.vector_load %arg5[%get3A_740, %get3A_741, %get3A_742] {strides = array<i32>} : memref<2x66x64xf32, #tpu.memory_space<vmem>>, vector<1x1x16xf32>,
          %get3A_744 = vector.shape_cast %get3A_743 : vector<1x1x16xf32> to vector<16xf32>
          %add3A_745 = arith.addf %get3A_712, %get3A_744 : vector<16xf32>
          %add3A_746 = arith.addf %add3A_745, %add3A_532 : vector<16xf32>
          %max3A_747 = arith.constant 0.000000e+00 : f32
          %max3A_748 = vector.broadcast %max3A_747 : f32 to vector<16xf32>
          %max3A_749 = arith.maximumf %add3A_746, %max3A_748 : vector<16xf32>
          %swap3A_750 = arith.constant 1 : i32
          %swap3A_751 = arith.index_cast %swap3A_750 : i32 to index
          %swap3A_752 = arith.index_cast %add3A_706 : i32 to index
          %swap3A_753 = arith.constant 0 : index
          %swap3A_754 = tpu.vector_load %arg9[%swap3A_751, %swap3A_752, %swap3A_753] {strides = array<i32>} : memref<2x128x16xf32, #tpu.memory_space<vmem>>, vector<1x1x16xf32>,
          %swap3A_755 = vector.shape_cast %swap3A_754 : vector<1x1x16xf32> to vector<16xf32>
          %swap3A_756 = vector.shape_cast %max3A_749 : vector<16xf32> to vector<1x1x16xf32>
          tpu.vector_store %arg9[%swap3A_751, %swap3A_752, %swap3A_753], %swap3A_756 {strides = array<i32>} : memref<2x128x16xf32, #tpu.memory_space<vmem>>, vector<1x1x16xf32>,
          %scan3A_757 = arith.constant 0 : i32
          scf.yield %scan3A_757 : i32
        }
        %scan3A_539 = arith.constant 32 : i32
      } else {
      }
      %add3A_494 = arith.constant 128 : i32
      %add3A_495 = arith.addi %add3A_463, %add3A_494 : i32
      %eq3A_496 = arith.constant 16384 : i32
      %eq3A_497 = arith.cmpi eq, %add3A_495, %eq3A_496 : i32
      %convert_element_type3A_498 = arith.extui %eq3A_497 : i1 to i32
      %cond3A_499 = arith.constant 0 : i32
      %cond3A_500 = arith.cmpi ne, %convert_element_type3A_498, %cond3A_499 : i32
      scf.if %cond3A_500 {
        %get3A = arith.constant 0 : i32
        %get3A_523 = arith.index_cast %get3A : i32 to index
        %get3A_524 = arith.constant 0 : index
        %get3A_525 = tpu.vector_load %arg8[%get3A_523, %get3A_524] {strides = array<i32>} : memref<1x64xf32, #tpu.memory_space<vmem>>, vector<1x16xf32>,
        %get3A_526 = vector.shape_cast %get3A_525 : vector<1x16xf32> to vector<16xf32>
        %get3A_527 = arith.constant 0 : i32
        %get3A_528 = arith.index_cast %get3A_527 : i32 to index
        %get3A_529 = arith.constant 16 : index
        %get3A_530 = tpu.vector_load %arg8[%get3A_528, %get3A_529] {strides = array<i32>} : memref<1x64xf32, #tpu.memory_space<vmem>>, vector<1x16xf32>,
        %get3A_531 = vector.shape_cast %get3A_530 : vector<1x16xf32> to vector<16xf32>
        %add3A_532 = arith.addf %get3A_526, %get3A_531 : vector<16xf32>
        %get3A_533 = arith.constant 0 : i32
        %get3A_534 = arith.index_cast %get3A_533 : i32 to index
        %get3A_535 = arith.constant 32 : index
        %get3A_536 = tpu.vector_load %arg8[%get3A_534, %get3A_535] {strides = array<i32>} : memref<1x64xf32, #tpu.memory_space<vmem>>, vector<1x16xf32>,
        %get3A_537 = vector.shape_cast %get3A_536 : vector<1x16xf32> to vector<16xf32>
        %add3A_538 = arith.addf %add3A_532, %get3A_537 : vector<16xf32>
        %get3A_539 = arith.constant 0 : i32
        %get3A_540 = arith.index_cast %get3A_539 : i32 to index
        %get3A_541 = arith.constant 48 : index
        %get3A_542 = tpu.vector_load %arg8[%get3A_540, %get3A_541] {strides = array<i32>} : memref<1x64xf32, #tpu.memory_space<vmem>>, vector<1x16xf32>,
        %get3A_543 = vector.shape_cast %get3A_542 : vector<1x16xf32> to vector<16xf32>
        %add3A_544 = arith.addf %add3A_538, %get3A_543 : vector<16xf32>
        %max3A_545 = arith.constant 0.000000e+00 : f32
        %max3A_546 = vector.broadcast %max3A_545 : f32 to vector<16xf32>
        %max3A_547 = arith.maximumf %add3A_544, %max3A_546 : vector<16xf32>
        %swap3A = arith.constant 1 : i32
        %swap3A_548 = arith.constant 127 : i32
        %swap3A_549 = arith.index_cast %swap3A : i32 to index
        %swap3A_550 = arith.index_cast %swap3A_548 : i32 to index
        %swap3A_551 = arith.constant 0 : index
        %swap3A_552 = tpu.vector_load %arg9[%swap3A_549, %swap3A_550, %swap3A_551] {strides = array<i32>} : memref<2x128x16xf32, #tpu.memory_space<vmem>>, vector<1x1x16xf32>,
        %swap3A_553 = vector.shape_cast %swap3A_552 : vector<1x1x16xf32> to vector<16xf32>
        %swap3A_554 = vector.shape_cast %max3A_547 : vector<16xf32> to vector<1x1x16xf32>
        tpu.vector_store %arg9[%swap3A_549, %swap3A_550, %swap3A_551], %swap3A_554 {strides = array<i32>} : memref<2x128x16xf32, #tpu.memory_space<vmem>>, vector<1x1x16xf32>,
      } else {
      }
      %ge3A_501 = arith.constant 2 : i32
      %ge3A_502 = arith.cmpi sge, %add3A_460, %ge3A_501 : i32
      %convert_element_type3A_503 = arith.extui %ge3A_502 : i1 to i32
      %cond3A_504 = arith.constant 0 : i32
      %cond3A_505 = arith.cmpi ne, %convert_element_type3A_503, %cond3A_504 : i32
      scf.if %cond3A_505 {
        %sub3A_523 = arith.constant 2 : i32
        %sub3A_524 = arith.subi %add3A_460, %sub3A_523 : i32
        %mul3A_525 = arith.constant 128 : i32
        %mul3A_526 = arith.muli %sub3A_524, %mul3A_525 : i32
        %add3A_527 = arith.addi %mul3A_34, %mul3A_526 : i32
        %dma_wait3A_528 = arith.constant 1 : i32
        %dma_wait3A_529 = arith.constant 0 : i32
        %dma_wait3A_530 = arith.constant 0 : i32
        %dma_wait3A_531 = tpu.memref_slice %arg9[%dma_wait3A_528, %dma_wait3A_529, %dma_wait3A_530] : memref<2x128x16xf32, #tpu.memory_space<vmem>> -> memref<1x128x16xf32, #tpu.memory_space<vmem>>
        %dma_wait3A_532 = tpu.memref_squeeze %dma_wait3A_531 : memref<1x128x16xf32, #tpu.memory_space<vmem>> -> memref<128x16xf32, #tpu.memory_space<vmem>>
        %dma_wait3A_533 = arith.constant 0 : i32
        %dma_wait3A_534 = tpu.memref_slice %arg3[%add3A_527, %dma_wait3A_533] : memref<131072x16xf32, #tpu.memory_space<hbm>> -> memref<128x16xf32, #tpu.memory_space<hbm>>
        %dma_wait3A_535 = arith.constant 0 : i32
        %dma_wait3A_536 = tpu.memref_slice %arg3[%add3A_527, %dma_wait3A_535] : memref<131072x16xf32, #tpu.memory_space<hbm>> -> memref<128x16xf32, #tpu.memory_space<hbm>>
        %dma_wait3A_537 = arith.constant 0 : i32
        %dma_wait3A_538 = arith.constant 0 : i32
        %dma_wait3A_539 = tpu.memref_slice %arg9[%dma_wait3A_528, %dma_wait3A_537, %dma_wait3A_538] : memref<2x128x16xf32, #tpu.memory_space<vmem>> -> memref<1x128x16xf32, #tpu.memory_space<vmem>>
        %dma_wait3A_540 = tpu.memref_squeeze %dma_wait3A_539 : memref<1x128x16xf32, #tpu.memory_space<vmem>> -> memref<128x16xf32, #tpu.memory_space<vmem>>
        tpu.wait_dma2 semaphore(%arg13 : memref<!tpu.dma_semaphore, #tpu.memory_space<semaphore_mem>>) src(%dma_wait3A_540 : memref<128x16xf32, #tpu.memory_space<vmem>>) dst(%dma_wait3A_536 : memref<128x16xf32, #tpu.memory_space<hbm>>)
      } else {
      }
      %mul3A_506 = arith.constant 128 : i32
      %mul3A_507 = arith.muli %add3A_460, %mul3A_506 : i32
      %add3A_508 = arith.addi %mul3A_34, %mul3A_507 : i32
      %dma_start3A_509 = arith.constant 1 : i32
      %dma_start3A_510 = arith.constant 0 : i32
      %dma_start3A_511 = arith.constant 0 : i32
      %dma_start3A_512 = tpu.memref_slice %arg9[%dma_start3A_509, %dma_start3A_510, %dma_start3A_511] : memref<2x128x16xf32, #tpu.memory_space<vmem>> -> memref<1x128x16xf32, #tpu.memory_space<vmem>>
      %dma_start3A_513 = tpu.memref_squeeze %dma_start3A_512 : memref<1x128x16xf32, #tpu.memory_space<vmem>> -> memref<128x16xf32, #tpu.memory_space<vmem>>
      %dma_start3A_514 = arith.constant 0 : i32
      %dma_start3A_515 = tpu.memref_slice %arg3[%add3A_508, %dma_start3A_514] : memref<131072x16xf32, #tpu.memory_space<hbm>> -> memref<128x16xf32, #tpu.memory_space<hbm>>
      %dma_start3A_516 = arith.constant 0 : i32
      %dma_start3A_517 = tpu.memref_slice %arg3[%add3A_508, %dma_start3A_516] : memref<131072x16xf32, #tpu.memory_space<hbm>> -> memref<128x16xf32, #tpu.memory_space<hbm>>
      %dma_start3A_518 = arith.constant 0 : i32
      %dma_start3A_519 = arith.constant 0 : i32
      %dma_start3A_520 = tpu.memref_slice %arg9[%dma_start3A_509, %dma_start3A_518, %dma_start3A_519] : memref<2x128x16xf32, #tpu.memory_space<vmem>> -> memref<1x128x16xf32, #tpu.memory_space<vmem>>
      %dma_start3A_521 = tpu.memref_squeeze %dma_start3A_520 : memref<1x128x16xf32, #tpu.memory_space<vmem>> -> memref<128x16xf32, #tpu.memory_space<vmem>>
      tpu.enqueue_dma source(%dma_start3A_521 : memref<128x16xf32, #tpu.memory_space<vmem>>) target(%dma_start3A_517 : memref<128x16xf32, #tpu.memory_space<hbm>>) target_semaphore(%arg13 : memref<!tpu.dma_semaphore, #tpu.memory_space<semaphore_mem>>)
      %scan3A_522 = arith.constant 0 : i32
      scf.yield %scan3A_522 : i32
    }
    %scan3A_121 = arith.constant 16 : i32
    %add3A_122 = arith.constant 3840 : i32
    %add3A_123 = arith.addi %mul3A_34, %add3A_122 : i32
    %dma_wait3A = arith.constant 0 : i32
    %dma_wait3A_124 = arith.constant 0 : i32
    %dma_wait3A_125 = arith.constant 0 : i32
    %dma_wait3A_126 = tpu.memref_slice %arg9[%dma_wait3A, %dma_wait3A_124, %dma_wait3A_125] : memref<2x128x16xf32, #tpu.memory_space<vmem>> -> memref<1x128x16xf32, #tpu.memory_space<vmem>>
    %dma_wait3A_127 = tpu.memref_squeeze %dma_wait3A_126 : memref<1x128x16xf32, #tpu.memory_space<vmem>> -> memref<128x16xf32, #tpu.memory_space<vmem>>
    %dma_wait3A_128 = arith.constant 0 : i32
    %dma_wait3A_129 = tpu.memref_slice %arg3[%add3A_123, %dma_wait3A_128] : memref<131072x16xf32, #tpu.memory_space<hbm>> -> memref<128x16xf32, #tpu.memory_space<hbm>>
    %dma_wait3A_130 = arith.constant 0 : i32
    %dma_wait3A_131 = tpu.memref_slice %arg3[%add3A_123, %dma_wait3A_130] : memref<131072x16xf32, #tpu.memory_space<hbm>> -> memref<128x16xf32, #tpu.memory_space<hbm>>
    %dma_wait3A_132 = arith.constant 0 : i32
    %dma_wait3A_133 = arith.constant 0 : i32
    %dma_wait3A_134 = tpu.memref_slice %arg9[%dma_wait3A, %dma_wait3A_132, %dma_wait3A_133] : memref<2x128x16xf32, #tpu.memory_space<vmem>> -> memref<1x128x16xf32, #tpu.memory_space<vmem>>
    %dma_wait3A_135 = tpu.memref_squeeze %dma_wait3A_134 : memref<1x128x16xf32, #tpu.memory_space<vmem>> -> memref<128x16xf32, #tpu.memory_space<vmem>>
    tpu.wait_dma2 semaphore(%arg12 : memref<!tpu.dma_semaphore, #tpu.memory_space<semaphore_mem>>) src(%dma_wait3A_135 : memref<128x16xf32, #tpu.memory_space<vmem>>) dst(%dma_wait3A_131 : memref<128x16xf32, #tpu.memory_space<hbm>>)
    %add3A_136 = arith.constant 3968 : i32
    %add3A_137 = arith.addi %mul3A_34, %add3A_136 : i32
    %dma_wait3A_138 = arith.constant 1 : i32
    %dma_wait3A_139 = arith.constant 0 : i32
    %dma_wait3A_140 = arith.constant 0 : i32
    %dma_wait3A_141 = tpu.memref_slice %arg9[%dma_wait3A_138, %dma_wait3A_139, %dma_wait3A_140] : memref<2x128x16xf32, #tpu.memory_space<vmem>> -> memref<1x128x16xf32, #tpu.memory_space<vmem>>
    %dma_wait3A_142 = tpu.memref_squeeze %dma_wait3A_141 : memref<1x128x16xf32, #tpu.memory_space<vmem>> -> memref<128x16xf32, #tpu.memory_space<vmem>>
    %dma_wait3A_143 = arith.constant 0 : i32
    %dma_wait3A_144 = tpu.memref_slice %arg3[%add3A_137, %dma_wait3A_143] : memref<131072x16xf32, #tpu.memory_space<hbm>> -> memref<128x16xf32, #tpu.memory_space<hbm>>
    %dma_wait3A_145 = arith.constant 0 : i32
    %dma_wait3A_146 = tpu.memref_slice %arg3[%add3A_137, %dma_wait3A_145] : memref<131072x16xf32, #tpu.memory_space<hbm>> -> memref<128x16xf32, #tpu.memory_space<hbm>>
    %dma_wait3A_147 = arith.constant 0 : i32
    %dma_wait3A_148 = arith.constant 0 : i32
    %dma_wait3A_149 = tpu.memref_slice %arg9[%dma_wait3A_138, %dma_wait3A_147, %dma_wait3A_148] : memref<2x128x16xf32, #tpu.memory_space<vmem>> -> memref<1x128x16xf32, #tpu.memory_space<vmem>>
    %dma_wait3A_150 = tpu.memref_squeeze %dma_wait3A_149 : memref<1x128x16xf32, #tpu.memory_space<vmem>> -> memref<128x16xf32, #tpu.memory_space<vmem>>
    tpu.wait_dma2 semaphore(%arg13 : memref<!tpu.dma_semaphore, #tpu.memory_space<semaphore_mem>>) src(%dma_wait3A_150 : memref<128x16xf32, #tpu.memory_space<vmem>>) dst(%dma_wait3A_146 : memref<128x16xf32, #tpu.memory_space<hbm>>)
    return
  }
}

module attributes {stable_mosaic.version = 14 : i64} {
  func.func @_mm_body(%arg0: i32, %arg1: memref<2048x64xf32, #tpu.memory_space<vmem>>, %arg2: memref<64x64xf32, #tpu.memory_space<vmem>>, %arg3: memref<8x64xf32, #tpu.memory_space<vmem>>, %arg4: memref<2048x64xf32, #tpu.memory_space<vmem>>) attributes {dimension_semantics = [#tpu.dimension_semantics<arbitrary>], iteration_bounds = array<i64: 64>, scalar_prefetch = 0 : i64, scratch_operands = 0 : i64, tpu.core_type = #tpu.core_type<tc>, window_params = [{transform_indices = @transform_0, window_bounds = array<i64: 2048, 64>}, {pipeline_mode = #tpu.pipeline_mode<synchronous>, transform_indices = @transform_1, window_bounds = array<i64: 64, 64>}, {pipeline_mode = #tpu.pipeline_mode<synchronous>, transform_indices = @transform_2, window_bounds = array<i64: 8, 64>}, {transform_indices = @transform_3, window_bounds = array<i64: 2048, 64>}]} {
    %get3A = arith.constant 0 : index
    %get3A_0 = arith.constant 0 : index
    %get3A_1 = vector.load %arg1[%get3A, %get3A_0] : memref<2048x64xf32, #tpu.memory_space<vmem>>, vector<2048x64xf32>
    %get3A_2 = arith.constant 0 : index
    %get3A_3 = arith.constant 0 : index
    %get3A_4 = vector.load %arg2[%get3A_2, %get3A_3] : memref<64x64xf32, #tpu.memory_space<vmem>>, vector<64x64xf32>
    %dot_general3A = arith.constant dense<0.000000e+00> : vector<2048x64xf32>
    %dot_general3A_5 = tpu.matmul %get3A_1, %get3A_4, %dot_general3A {dimension_numbers = #tpu.dot_dimension_numbers<[1], [0], [0], [1], [0, 0, 1, 1], [], []>, transpose_lhs_hint = false} : vector<2048x64xf32>, vector<64x64xf32>, vector<2048x64xf32> -> vector<2048x64xf32>
    %get3A_6 = arith.constant 0 : index
    %get3A_7 = arith.constant 0 : index
    %get3A_8 = vector.load %arg3[%get3A_6, %get3A_7] : memref<8x64xf32, #tpu.memory_space<vmem>>, vector<1x64xf32>
    %add3A = vector.broadcast %get3A_8 : vector<1x64xf32> to vector<2048x64xf32>
    %add3A_9 = arith.addf %dot_general3A_5, %add3A : vector<2048x64xf32>
    %swap3A = arith.constant 0 : index
    %swap3A_10 = arith.constant 0 : index
    %swap3A_11 = vector.load %arg4[%swap3A, %swap3A_10] : memref<2048x64xf32, #tpu.memory_space<vmem>>, vector<2048x64xf32>
    tpu.vector_store %arg4[%swap3A, %swap3A_10], %add3A_9 {strides = array<i32>} : memref<2048x64xf32, #tpu.memory_space<vmem>>, vector<2048x64xf32>,
    return
  }
  func.func @transform_0(%arg0: i32) -> (i32, i32) {
    %c0_i32 = arith.constant 0 : i32
    %c0_i32_0 = arith.constant 0 : i32
    return %arg0, %c0_i32 : i32, i32
  }
  func.func @transform_1(%arg0: i32) -> (i32, i32) {
    %c0_i32 = arith.constant 0 : i32
    %c0_i32_0 = arith.constant 0 : i32
    %c0_i32_1 = arith.constant 0 : i32
    return %c0_i32, %c0_i32_0 : i32, i32
  }
  func.func @transform_2(%arg0: i32) -> (i32, i32) {
    %c0_i32 = arith.constant 0 : i32
    %c0_i32_0 = arith.constant 0 : i32
    %c0_i32_1 = arith.constant 0 : i32
    return %c0_i32, %c0_i32_0 : i32, i32
  }
  func.func @transform_3(%arg0: i32) -> (i32, i32) {
    %c0_i32 = arith.constant 0 : i32
    %c0_i32_0 = arith.constant 0 : i32
    return %arg0, %c0_i32 : i32, i32
  }
}

</mosaic_0001>

<sc_bundles>
// kernel: kernel.4.cloned.1.call-start
scs
__scs_entry_jumppad:
0x0: {  	(pc) =	sbr.rel $0x88, $3  }
0x1: {  	(tag) =	ssettag $0x0;
	lr =	simm.s32 $0x1  }
0x2: {  	[smem:$0x3F9E] =	sst lr;
	_ =	strace $0xD0000000  }
0x3: {  	_ = 	snop  }
0x4: {  	_ = 	snop  }
0x5: {  	_ = 	snop  }
0x6: {  	_ = 	snop  }
0x7: {  	_ = 	snop  }
__scs_overlays_trampoline_lowered:
0x8: {  	[smem:$0x3FAD] =	sst s0  }
0x9: {  	[smem:$0x3FAE] =	sst s1  }
0xa: {  	[smem:$0x3FAF] =	sst s2  }
0xb: {  	[smem:$0x3FB0] =	sst s3  }
0xc: {  	[smem:$0x3FB1] =	sst s4  }
0xd: {  	[smem:$0x3FB2] =	sst s5  }
0xe: {  	[smem:$0x3FB3] =	sst s6  }
0xf: {  	[smem:$0x3FB4] =	sst s7  }
0x10: {  	[smem:$0x3FB5] =	sst s8  }
0x11: {  	[smem:$0x3FB6] =	sst s9;
	s0 =	simm.s32 @!p0 $0x0  }
0x12: {  	s1 =	sld [smem:$0x3F9C];
	s0 =	simm.s32 @p0 $0x1  }
0x13: {  	[smem:$0x3FB7] =	sst s0;
	s0 =	simm.s32 @!p1 $0x0  }
0x14: {  	s2 =	sld [smem:$0x3F9B];
	s0 =	simm.s32 @p1 $0x1  }
0x15: {  	[smem:$0x3FB8] =	sst s0;
	s0 =	simm.s32 @!p2 $0x0  }
0x16: {  	s3 =	sld [smem:$0x3FDB];
	s0 =	simm.s32 @p2 $0x1  }
0x17: {  	s4 =	simm.s32 $0x1BF5;
	[smem:$0x3FBA] =	sst s0  }
0x18: {  	s0 =	sld [smem:$0x3F9D];
	_ =	swait.ge [sflag:s4], $0x0  }
0x19: {  	s7 =	sld [smem:$0x3F9E]  }
0x1a: {  	s8 =	sadd.s32 $0xFFFFE003, lr  }
0x1b: {  	s9 =	sadd.s32 $0xFFFFFEF7, lr;
	s5 =	simm.s32 $0xFFFFFFFF;
	p2 =	slt.u32 s8, $0xFFFFF086  }
0x1c: {  	p1 =	slt.u32 s9, $0xF7A;
	s5 =	simm.s32 @!p2 $0x0  }
0x1d: {  	s5 =	simm.s32 @p1 $0x1;
	p0 =	seq.s32 s7, s2  }
0x1e: {  	s7 =	smul.u32 @!p0 $0xF7A, s2;
	p2 =	seq.s32 @!p0 s5, $0x0  }
0x1f: {  	s9 =	smul.u32 $0xF7A, s1;
	s8 =	simm.s32 @!p0 $0x1BF5;
	p2 =	por !p2, p0  }
0x20: {  	[sflag:s8] =	ssyncset.s32 @!p0 $0xFFFFF086;
	s6 =	sadd.s32 @!p0 s3, s7;
	s7 =	simm.s32 @!p0 $0x108  }
0x21: {  	s3 =	sadd.s32 s3, s9;
	s6 =	sadd.s32 @!p0 $0x88, s6;
	s7 =	simm.s32 @p2 $0x1082  }
0x22: {  	[simem:s7], [sflag:s8] =	dma.local @!p0 [hbm:s6], $0xF7A  }
0x23: {  	s9 =	sor.u32 $0xD0000000, s2;
	s6 =	simm.s32 $0x108;
	_ =	swait.ge @!p0 [sflag:s8], $0x0  }
0x24: {  	s3 =	sadd.s32 $0x88, s3;
	s6 =	simm.s32 @!p1 $0x1082;
	[sflag:s4] =	ssyncset.s32 $0xFFFFF086  }
0x25: {  	[simem:s6], [sflag:s4] =	dma.local [hbm:s3], $0xF7A  }
0x26: {  	[smem:$0x3F9E] =	sst s1;
	(tag) =	ssettag s2;
	_ =	strace s9  }
0x27: {  	s1 =	sld [smem:$0x3FAE]  }
0x28: {  	s2 =	sld [smem:$0x3FAF]  }
0x29: {  	s4 =	sld [smem:$0x3FB1]  }
0x2a: {  	p0 =	seq.s32 s5, $0x0;
	s5 =	sld [smem:$0x3FB2]  }
0x2b: {  	s6 =	sld [smem:$0x3FB3]  }
0x2c: {  	s7 =	sld [smem:$0x3FB4]  }
0x2d: {  	s3 =	simm.s32 $0x108;
	s8 =	sld [smem:$0x3FB5]  }
0x2e: {  	s3 =	simm.s32 @!p0 $0x1082;
	s9 =	sld [smem:$0x3FB6]  }
0x2f: {  	lr =	sadd.s32 s0, s3;
	s0 =	sld [smem:$0x3FAD]  }
0x30: {  	s3 =	sld [smem:$0x3FB0]  }
0x31: {  	[smem:$0x3FB9] =	sst s10  }
0x32: {  	s10 =	sld [smem:$0x3FB7];
	_ =	sdelay $0x3  }
0x33: {  	p0 =	seq.s32 s10, $0x1;
	s10 =	sld [smem:$0x3FB9];
	_ =	sdelay $0x3  }
0x34: {  	[smem:$0x3FB9] =	sst s10  }
0x35: {  	s10 =	sld [smem:$0x3FB8];
	_ =	sdelay $0x3  }
0x36: {  	p1 =	seq.s32 s10, $0x1;
	s10 =	sld [smem:$0x3FB9];
	_ =	sdelay $0x3  }
0x37: {  	[smem:$0x3FB9] =	sst s10  }
0x38: {  	s10 =	sld [smem:$0x3FBA]  }
0x39: {  	_ = 	snop;
	(pc) =	sbr.ind lr, $3  }
0x3a: {  	_ = 	snop  }
0x3b: {  	_ = 	snop  }
0x3c: {  	p2 =	seq.s32 s10, $0x1;
	s10 =	sld [smem:$0x3FB9]  }
0x3d: {  	_ =	shalt  }
0x3e: {  	_ =	shalt  }
0x3f: {  	_ =	shalt  }
0x40: {  	_ =	shalt  }
0x41: {  	_ =	shalt  }
0x42: {  	_ =	shalt  }
0x43: {  	_ =	shalt  }
0x44: {  	_ =	shalt  }
0x45: {  	_ =	shalt  }
0x46: {  	_ =	shalt  }
0x47: {  	_ =	shalt  }
0x48: {  	_ =	shalt  }
0x49: {  	_ =	shalt  }
0x4a: {  	_ =	shalt  }
0x4b: {  	_ =	shalt  }
0x4c: {  	_ =	shalt  }
0x4d: {  	_ =	shalt  }
0x4e: {  	_ =	shalt  }
0x4f: {  	_ =	shalt  }
0x50: {  	_ =	shalt  }
0x51: {  	_ =	shalt  }
0x52: {  	_ =	shalt  }
0x53: {  	_ =	shalt  }
0x54: {  	_ =	shalt  }
0x55: {  	_ =	shalt  }
0x56: {  	_ =	shalt  }
0x57: {  	_ =	shalt  }
0x58: {  	_ =	shalt  }
0x59: {  	_ =	shalt  }
0x5a: {  	_ =	shalt  }
0x5b: {  	_ =	shalt  }
0x5c: {  	_ =	shalt  }
0x5d: {  	_ =	shalt  }
0x5e: {  	_ =	shalt  }
0x5f: {  	_ =	shalt  }
0x60: {  	_ =	shalt  }
0x61: {  	_ =	shalt  }
0x62: {  	_ =	shalt  }
0x63: {  	_ =	shalt  }
0x64: {  	_ =	shalt  }
0x65: {  	_ =	shalt  }
0x66: {  	_ =	shalt  }
0x67: {  	_ =	shalt  }
0x68: {  	_ =	shalt  }
0x69: {  	_ =	shalt  }
0x6a: {  	_ =	shalt  }
0x6b: {  	_ =	shalt  }
0x6c: {  	_ =	shalt  }
0x6d: {  	_ =	shalt  }
0x6e: {  	_ =	shalt  }
0x6f: {  	_ =	shalt  }
0x70: {  	_ =	shalt  }
0x71: {  	_ =	shalt  }
0x72: {  	_ =	shalt  }
0x73: {  	_ =	shalt  }
0x74: {  	_ =	shalt  }
0x75: {  	_ =	shalt  }
0x76: {  	_ =	shalt  }
0x77: {  	_ =	shalt  }
0x78: {  	_ =	shalt  }
0x79: {  	_ =	shalt  }
0x7a: {  	_ =	shalt  }
0x7b: {  	_ =	shalt  }
0x7c: {  	_ =	shalt  }
0x7d: {  	_ =	shalt  }
0x7e: {  	_ =	shalt  }
0x7f: {  	_ =	shalt  }
0x80: {  	_ =	shalt  }
0x81: {  	_ =	shalt  }
0x82: {  	_ =	shalt  }
0x83: {  	_ =	shalt  }
0x84: {  	_ =	shalt  }
0x85: {  	_ =	shalt  }
0x86: {  	_ =	shalt  }
0x87: {  	_ =	shalt  }
.Lfunc_end0:
.L_simem_size_0:
called_computation_lowered:
.L_overlay_start_0:
0x88: {  	s2 =	sld [smem:$0x3FD9]  }
0x89: {  	s3 =	sld [smem:$0x3FFE];
	_ =	sdelay $0x1  }
0x8a: {  	s1 =	srdreg.scid  }
0x8b: {  	s0 =	sand.u32 $0x1, s1  }
0x8c: {  	s17 =	sshll.u32 s0, $0xA;
	s2 =	sadd.s32 s3, s2  }
0x8d: {  	s2 =	sadd.s32 s2, s17  }
0x8e: {  	[smem:$0x3FC5] =	sst s2  }
0x8f: {  	_ = 	snop  }
0x90: {  	s2 =	sld [smem:$0x3FD0];
	(tm) =	ssettm $0x1  }
0x91: {  	s18 =	sld [smem:$0x3FFB];
	_ =	sdelay $0x3  }
0x92: {  	_ =	strace s18  }
0x93: {  	s3 =	sld [smem:$0x3FFC];
	_ =	sdelay $0x3  }
0x94: {  	_ =	strace s3  }
0x95: {  	s3 =	sld [smem:$0x3FFD];
	_ =	sdelay $0x3  }
0x96: {  	_ =	strace s3  }
0x97: {  	_ =	strace $0x8FFFFFFF  }
0x98: {  	s19 =	sld [smem:$0x3FDB];
	_ =	sdelay $0x1  }
0x99: {  	s4 =	simm.s32 $_scs_section_size  }
0x9a: {  	s5 =	simm.s32 $_size__tile_overlayer_lowered;
	s6 =	simm.s32 $_tile_overlayer_lowered  }
0x9b: {  	s22 =	simm.s32 $0x1BFF;
	s21 =	sshll.u32 s6, $0x1;
	s3 =	sadd.s32 s4, s19  }
0x9c: {  	s7 =	simm.s32 $0x0;
	s20 =	sshll.u32 s5, $0x1;
	s5 =	sadd.s32 s21, s3  }
0x9d: {  	[timem:s7], [sflag:s22] =	dma.local [hbm:s5], s20  }
0x9e: {  	_ =	swait.ge [sflag:s22], s20  }
0x9f: {  	s4 =	ssub.s32 $0x0, s20;
	[sflag:s22] =	ssyncset.done $0x0  }
0xa0: {  	[sflag:s22] =	ssyncadd.s32 s4;
	_ =	sdelay $0x1  }
0xa1: {  	s23 =	simm.s32 $0x1B8B  }
0xa2: {  	_ =	swait.ge [sflag:s23], $0x1  }
0xa3: {  	[sflag:s23] =	ssyncset.done $0x0  }
0xa4: {  	s25 =	simm.s32 $0x1B8E;
	s24 =	sld [smem:$0x3FFE];
	[sflag:s23] =	ssyncadd.s32 $0xFFFFFFFF  }
0xa5: {  	s26 =	simm.s32 $execute0_lowered;
	[smem:$0x3FD2] =	sst s25  }
0xa6: {  	s5 =	sshll.u32 s26, $0x1;
	_ =	strace $0x80000046;
	[dreg:$0x1] =	wrdreg $0xFFFFFFFF  }
0xa7: {  	s28 =	simm.s32 $_size_execute0_lowered;
	s3 =	sadd.s32 s3, s5;
	[dreg:$0x0] =	wrdreg $0x0  }
0xa8: {  	s5 =	sshll.u32 s28, $0x1;
	[dreg:$0x2] =	wrdreg s3  }
0xa9: {  	[dreg:$0x3] =	wrdreg s5  }
0xaa: {  	[dreg:$0x4] =	wrdreg $0xC0  }
0xab: {  	_ =	task [dreg:s7], $0x5FFFF  }
0xac: {  	[dreg:$0x1] =	wrdreg $0xFFFFFFFF  }
0xad: {  	[dreg:$0x0] =	wrdreg $0x60  }
0xae: {  	[dreg:$0x2] =	wrdreg s24  }
0xaf: {  	[dreg:$0x3] =	wrdreg s2  }
0xb0: {  	[dreg:$0x4] =	wrdreg $0x9  }
0xb1: {  	_ =	task.clear_ibuf [dreg:s7], $0x5FFFF;
	_ =	strace $0x90000046  }
0xb2: {  	s29 =	simm.s32 $0x9;
	_ =	strace $0x80000048  }
0xb3: {  	_ =	swait.ge [sflag:s29], $0x1  }
0xb4: {  	[sflag:s29] =	ssyncadd.s32 $0xFFFFFFFF  }
0xb5: {  	_ =	strace $0x90000048  }
0xb6: {  	_ =	sfence  }
0xb7: {  	s30 =	sld [smem:$0x0];
	_ =	sdelay $0x2  }
0xb8: {  	s31 =	sshll.u32 s1, $0xD;
	s1 =	sshrl.u32 s1, $0x2  }
0xb9: {  	s3 =	sand.u32 $0x4000, s31;
	s1 =	sadd.s32 s1, s30  }
0xba: {  	s0 =	sor.u32 s3, s0;
	s1 =	sshll.u32 s1, $0x11  }
0xbb: {  	s0 =	sor.u32 s1, s0  }
0xbc: {  	s0 =	sadd.s32 $0x8F2B, s0  }
0xbd: {  	[sflag:s0] =	ssyncadd.remote.s32 $0x1  }
0xbe: {  	_ =	sfence.sel $0xFFFF  }
0xbf: {  	[dreg:$0x0] =	wrdreg $0xFFFFFFFF;
	(pc) =	sbr.abs _section_cstart, $3  }
0xc0: {  	[dreg:$0x1] =	wrdreg $0xFFFFFFFF  }
0xc1: {  	_ =	task.clear_ibuf [dreg:s7], $0x2FFFF;
	_ =	strace $0x9FFFFFFF  }
0xc2: {  	(tm) =	ssettm $0x7FFFFFFF  }
0xc3: {  	_ =	shalt  }
tec
execute0_lowered:
.L_overlay_start_1:
0x0: {  	(tag) =	ssettag $0x1  }
0x1: {  	s0 =	rddreg [dreg:$0x0]  }
0x2: {  	s2 =	rddreg [dreg:$0x1];
	s3 =	simm.s32 $0x0;
	s1 =	srdreg.scid  }
0x3: {  	s6 =	stileid.u32;
	s18 =	simm.s32 $0x5;
	s28 =	simm.s32 $0x2  }
0x4: {  	s29 =	simm.s32 $0xE980;
	s30 =	simm.s32 $0x3;
	s31 =	simm.s32 $0x4  }
0x5: {  	[smem:$0x7FF] =	sst s3;
	s1 =	sand.u32 $0x1, s1;
	s4 =	sshll.u32 s6, $0x1  }
0x6: {  	s8 =	sshrl.u32 s6, $0x1;
	_ =	strace $0x80000047;
	s5 =	ssub.s32 $0x2, s1  }
0x7: {  	s1 =	sor.u32 s1, s4;
	s4 =	sadd.s32 $0x400, s0;
	s7 =	sshll.u32 s8, $0xE  }
0x8: {  	s23 =	sshll.u32 s8, $0x11;
	s22 =	sshrl.u32 s5, $0x1;
	s9 =	sand.u32 $0x3, s1  }
0x9: {  	s6 =	sshll.u32 s1, $0xC;
	s8 =	sadd.s32 s4, s23;
	s23 =	simm.s32 $0x5080  }
0xa: {  	s0 =	ssub.s32 s5, s22;
	s5 =	sshll.u32 s9, $0xC;
	s24 =	sshll.u32 s9, $0xB  }
0xb: {  	s10 =	sshll.u32 s9, $0xD;
	s9 =	sadd.s32 $0x3FFFFFF, s7;
	s11 =	sadd.s32 $0x1FFF8, s8  }
0xc: {  	s15 =	sadd.s32 $0x1F808, s8;
	s22 =	simm.s32 $0x2000;
	s1 =	smax.u32 s24, $0x1  }
0xd: {  	s10 =	sor.u32 $0x1, s10;
	[dreg:$0x3] =	wrdreg s11;
	s25 =	sor.u32 s7, s5  }
0xe: {  	s14 =	sor.u32 $0x100, s5;
	s0 =	smax.u32 s0, $0x1;
	s24 =	simm.s32 $0xA100  }
0xf: {  	s1 =	sadd.s32 s1, s9;
	s10 =	smin.u32 s10, $0x3F00;
	s11 =	sshll.u32 s25, $0x3  }
.Ltmp0:
0x10: {  	[dreg:$0x7] =	wrdreg s0;
	s1 =	sshll.u32 s1, $0x3;
	(pc) =	sbr.rel .LBB2_1-.Ltmp0, $4  }
0x11: {  	s10 =	sor.u32 s7, s10;
	s11 =	sadd.s32 s4, s11;
	s1 =	sand.u32 $0x1FFFFFF8, s1  }
0x12: {  	s10 =	sshll.u32 s10, $0x3;
	[dreg:$0x4] =	wrdreg s11;
	s1 =	sadd.s32 s4, s1  }
0x13: {  	s25 =	simm.s32 $0x1;
	s26 =	sadd.s32 s4, s10;
	[dreg:$0x5] =	wrdreg s1  }
0x14: {  	s0 =	simm.s32 $0x0;
	[dreg:$0x6] =	wrdreg s26;
	s26 =	simm.s32 $0xE180  }
.LBB2_28:
0x15: {  	_ =	swait.ge [sflag:s30], $0x800  }
0x16: {  	[sflag:s30] =	ssyncset.done $0x0  }
0x17: {  	[sflag:s30] =	ssyncadd.s32 $0xFFFFF800  }
0x18: {  	_ =	swait.ge [sflag:s31], $0x800  }
0x19: {  	s0 =	sadd.s32 $0x1, s0;
	s1 =	rddreg [dreg:$0x7]  }
0x1a: {  	p0 =	sne.s32 s0, s1  }
.Ltmp1:
0x1b: {  	_ = 	snop;
	(pc) =	sbr.rel @!p0 .LBB2_29-.Ltmp1, $3  }
0x1c: {  	_ =	sdelay $0x1  }
0x1d: {  	[sflag:s31] =	ssyncset.done $0x0  }
0x1e: {  	[sflag:s31] =	ssyncadd.s32 $0xFFFFF800  }
.LBB2_1:
0x1f: {  	s1 =	rddreg [dreg:$0x3];
	s10 =	simm.s32 $0xE100  }
0x20: {  	[tilespmem:s10], [sflag:$0x5] =	stream.linear.gather [hbm4b:s1+s3], $0x40, $0x38;
	[tilespmem:$0xF180] =	vst v63  }
0x21: {  	_ =	swait.ge [sflag:s18], $0x40  }
0x22: {  	[sflag:s18] =	ssyncset.done $0x0  }
0x23: {  	s13 =	simm.s32 $0xE140;
	[sflag:s18] =	ssyncadd.s32 $0xFFFFFFC0  }
0x24: {  	[tilespmem:s13], [sflag:$0x5] =	stream.linear.gather [hbm4b:s8+s3], $0x40, $0x38;
	[tilespmem:$0xF180] =	vst v63  }
0x25: {  	_ =	swait.ge [sflag:s18], $0x40  }
0x26: {  	[sflag:s18] =	ssyncset.done $0x0  }
0x27: {  	s16 =	rddreg [dreg:$0x4];
	[sflag:s18] =	ssyncadd.s32 $0xFFFFFFC0  }
0x28: {  	[tilespmem:s3], [sflag:$0x1] =	stream.linear.gather [hbm4b:s16+s3], $0x2000, $0x38;
	[tilespmem:$0xF180] =	vst v63  }
.Ltmp2:
0x29: {  	_ = 	snop;
	(pc) =	sbr.rel .LBB2_2-.Ltmp2, $4  }
0x2a: {  	s19 =	simm.s32 $0x4000;
	s17 =	rddreg [dreg:$0x5]  }
0x2b: {  	[tilespmem:s19], [sflag:$0x1] =	stream.linear.gather [hbm4b:s17+s3], $0x1080, $0x38;
	[tilespmem:$0xF180] =	vst v63  }
0x2c: {  	s21 =	simm.s32 $0x6100;
	s1 =	simm.s32 $0x0;
	s20 =	rddreg [dreg:$0x6]  }
0x2d: {  	[tilespmem:s21], [sflag:$0x1] =	stream.linear.gather [hbm4b:s20+s3], $0x4000, $0x38;
	[tilespmem:$0xF180] =	vst v63  }
.LBB2_26:
0x2e: {  	v0 =	vmax.f32 v0, $0.0e+00  }
0x2f: {  	[tilespmem:$0xF170] =	vst v0  }
.LBB2_27:
0x30: {  	s10 =	simm.s32 @!p0 $0x4  }
0x31: {  	_ =	swait.ge @!p0 [sflag:s10], $0x800  }
0x32: {  	s1 =	sadd.s32 $0x1, s1;
	[sflag:s10] =	ssyncset.done @!p0 $0x0  }
0x33: {  	[sflag:s10] =	ssyncadd.s32 @!p0 $0xFFFFF800;
	p0 =	sne.s32 s1, $0x10  }
.Ltmp3:
0x34: {  	s11 =	sadd.s32 s6, s17;
	(pc) =	sbr.rel @!p0 .LBB2_28-.Ltmp3, $4  }
0x35: {  	s11 =	sshll.u32 s11, $0x1  }
0x36: {  	s11 =	sand.u32 $0x1FFFFF00, s11  }
0x37: {  	s21 =	sadd.s32 s2, s11  }
0x38: {  	[hbm4b:s21+s3] =	stream.linear.scatter [tilespmem:s29], [sflag:$0x4], $0x800, $0x38;
	[tilespmem:$0xF180] =	vst v63  }
.LBB2_2:
0x39: {  	s20 =	sshll.u32 s1, $0x8  }
0x3a: {  	s17 =	sor.u32 $0x80, s20  }
0x3b: {  	s19 =	sor.u32 s5, s17  }
0x3c: {  	s10 =	sadd.s32 s7, s19  }
0x3d: {  	s11 =	sshrl.u32 s19, $0x1;
	s10 =	sshll.u32 s10, $0x3  }
0x3e: {  	s11 =	sadd.s32 s9, s11;
	s10 =	sand.u32 $0x1FFFFC00, s10  }
0x3f: {  	s21 =	sshllo.u32 s19, $0x1;
	s11 =	sshll.u32 s11, $0x3;
	s10 =	sadd.s32 s4, s10  }
0x40: {  	[tilespmem:s22], [sflag:$0x2] =	stream.linear.gather [hbm4b:s10+s3], $0x2000, $0x38;
	[tilespmem:$0xF180] =	vst v63  }
0x41: {  	s11 =	sand.u32 $0x1FFFFFF8, s11;
	s10 =	smin.u32 s21, $0x3F00  }
0x42: {  	s11 =	sadd.s32 s4, s11;
	s10 =	sor.u32 s7, s10  }
0x43: {  	[tilespmem:s23], [sflag:$0x2] =	stream.linear.gather [hbm4b:s11+s3], $0x1080, $0x38;
	[tilespmem:$0xF180] =	vst v63  }
0x44: {  	s10 =	sshll.u32 s10, $0x3  }
0x45: {  	s10 =	sadd.s32 s4, s10  }
0x46: {  	[tilespmem:s24], [sflag:$0x2] =	stream.linear.gather [hbm4b:s10+s3], $0x4000, $0x38;
	[tilespmem:$0xF180] =	vst v63  }
0x47: {  	_ =	swait.ge [sflag:s25], $0x2000  }
0x48: {  	[sflag:s25] =	ssyncset.done $0x0  }
0x49: {  	s10 =	sor.u32 s5, s20;
	[sflag:s25] =	ssyncadd.s32 $0xFFFFE000  }
0x4a: {  	p0 =	sne.s32 s10, $0x0;
	_ =	swait.ge [sflag:s25], $0x1080  }
.Ltmp4:
0x4b: {  	[sflag:s25] =	ssyncset.done $0x0;
	(pc) =	sbr.rel @!p0 .LBB2_3-.Ltmp4, $4  }
0x4c: {  	[sflag:s25] =	ssyncadd.s32 $0xFFFFEF80  }
0x4d: {  	_ =	swait.ge [sflag:s25], $0x4000  }
0x4e: {  	[sflag:s25] =	ssyncset.done $0x0  }
0x4f: {  	[sflag:s25] =	ssyncadd.s32 $0xFFFFC000  }
0x50: {  	p0 =	sgt.u32 s10, $0x1FFF  }
.Ltmp5:
0x51: {  	_ = 	snop;
	(pc) =	sbr.rel @p0 .LBB2_10-.Ltmp5, $1  }
0x52: {  	_ =	sdelay $0x3  }
0x53: {  	s12 =	simm.s32 $0x0  }
0x54: {  	s21 =	simm.s32 $0x80;
	v0 =	vld [tilespmem:s12+$0x4010]  }
0x55: {  	v1 =	vld [tilespmem:s21+$0xFFFFFF80]  }
0x56: {  	s10 =	simm.s32 $0x6220  }
0x57: {  	v2 =	vld [tilespmem:s10+$0xFFFFFF00];
	_ =	sdelay $0x1  }
0x58: {  	v3 =	vld [tilespmem:s10+$0xFFFFFF50]  }
0x59: {  	v0 =	vadd.f32 v0, v1;
	_ =	sdelay $0x1  }
0x5a: {  	v0 =	vadd.f32 v2, v0;
	_ =	sdelay $0x1  }
0x5b: {  	v0 =	vadd.f32 v3, v0;
	_ =	sdelay $0x1  }
0x5c: {  	s11 =	simm.s32 $0xE1A0;
	v0 =	vmax.f32 v0, $0.0e+00  }
0x5d: {  	[tilespmem:s11+$0xFFFFFFE0] =	vst v0  }
0x5e: {  	v0 =	vld [tilespmem:s21+$0xFFFFFFC0]  }
0x5f: {  	v1 =	vld [tilespmem:s12+$0x4050];
	_ =	sdelay $0x1  }
0x60: {  	v2 =	vld [tilespmem:s10+$0xFFFFFF80];
	_ =	sdelay $0x1  }
0x61: {  	v3 =	vld [tilespmem:s10+$0xFFFFFFD0]  }
0x62: {  	v0 =	vadd.f32 v1, v0;
	_ =	sdelay $0x1  }
0x63: {  	v0 =	vadd.f32 v2, v0;
	_ =	sdelay $0x1  }
0x64: {  	v0 =	vadd.f32 v3, v0;
	_ =	sdelay $0x1  }
0x65: {  	v0 =	vmax.f32 v0, $0.0e+00  }
0x66: {  	[tilespmem:s11+$0xFFFFFFF0] =	vst v0  }
0x67: {  	v0 =	vld [tilespmem:s21+$0x0]  }
0x68: {  	v1 =	vld [tilespmem:s12+$0x4050];
	_ =	sdelay $0x1  }
0x69: {  	v2 =	vld [tilespmem:s10+$0x0];
	_ =	sdelay $0x1  }
0x6a: {  	v3 =	vld [tilespmem:s10+$0x50]  }
0x6b: {  	v0 =	vadd.f32 v1, v0;
	_ =	sdelay $0x1  }
0x6c: {  	v0 =	vadd.f32 v2, v0;
	_ =	sdelay $0x1  }
0x6d: {  	v0 =	vadd.f32 v3, v0;
	_ =	sdelay $0x1  }
0x6e: {  	v0 =	vmax.f32 v0, $0.0e+00  }
0x6f: {  	[tilespmem:s11+$0x0] =	vst v0  }
0x70: {  	v0 =	vld [tilespmem:s21+$0x40]  }
0x71: {  	v1 =	vld [tilespmem:s12+$0x4090];
	_ =	sdelay $0x2  }
0x72: {  	v2 =	vld [tilespmem:s10+$0x80];
	_ =	sdelay $0x1  }
0x73: {  	v1 =	vadd.f32 v1, v0;
	v0 =	vld [tilespmem:s10+$0xD0];
	_ =	sdelay $0x2  }
0x74: {  	s13 =	simm.s32 $0xE1A0;
	s12 =	simm.s32 $0x200;
	v1 =	vadd.f32 v2, v1  }
.LBB2_8:
0x75: {  	s10 =	sadd.s32 $0x200, s10;
	s11 =	sadd.s32 $0x40, s11;
	s21 =	sadd.s32 $0x100, s21  }
0x76: {  	p0 =	seq.s32 s12, $0x3E00;
	s16 =	smov.u32 s12;
	s12 =	sadd.s32 $0x200, s12;
	v0 =	vadd.f32 v0, v1  }
0x77: {  	_ = 	snop  }
0x78: {  	v0 =	vmax.f32 v0, $0.0e+00  }
0x79: {  	s16 =	sshra.s32 s16, $0x2;
	[tilespmem:s13+$0x10] =	vst v0;
	s13 =	smov.u32 s11  }
0x7a: {  	v0 =	vld [tilespmem:s16+$0x4010]  }
0x7b: {  	v1 =	vld [tilespmem:s21+$0xFFFFFF80];
	_ =	sdelay $0x1  }
0x7c: {  	v2 =	vld [tilespmem:s10+$0xFFFFFF00];
	_ =	sdelay $0x1  }
0x7d: {  	v3 =	vld [tilespmem:s10+$0xFFFFFF50]  }
0x7e: {  	v0 =	vadd.f32 v0, v1;
	_ =	sdelay $0x1  }
0x7f: {  	v0 =	vadd.f32 v2, v0;
	_ =	sdelay $0x1  }
0x80: {  	v0 =	vadd.f32 v3, v0;
	_ =	sdelay $0x1  }
0x81: {  	v0 =	vmax.f32 v0, $0.0e+00  }
0x82: {  	[tilespmem:s11+$0xFFFFFFE0] =	vst v0  }
0x83: {  	v0 =	vld [tilespmem:s21+$0xFFFFFFC0]  }
0x84: {  	v1 =	vld [tilespmem:s16+$0x4050];
	_ =	sdelay $0x1  }
0x85: {  	v2 =	vld [tilespmem:s10+$0xFFFFFF80];
	_ =	sdelay $0x1  }
0x86: {  	v3 =	vld [tilespmem:s10+$0xFFFFFFD0]  }
0x87: {  	v0 =	vadd.f32 v1, v0;
	_ =	sdelay $0x1  }
0x88: {  	v0 =	vadd.f32 v2, v0;
	_ =	sdelay $0x1  }
0x89: {  	v0 =	vadd.f32 v3, v0;
	_ =	sdelay $0x1  }
0x8a: {  	v0 =	vmax.f32 v0, $0.0e+00  }
0x8b: {  	[tilespmem:s11+$0xFFFFFFF0] =	vst v0  }
0x8c: {  	v0 =	vld [tilespmem:s21+$0x0]  }
0x8d: {  	v1 =	vld [tilespmem:s16+$0x4050];
	_ =	sdelay $0x1  }
0x8e: {  	v2 =	vld [tilespmem:s10+$0x0];
	_ =	sdelay $0x1  }
0x8f: {  	v3 =	vld [tilespmem:s10+$0x50]  }
0x90: {  	v0 =	vadd.f32 v1, v0;
	_ =	sdelay $0x1  }
0x91: {  	v0 =	vadd.f32 v2, v0;
	_ =	sdelay $0x1  }
0x92: {  	v0 =	vadd.f32 v3, v0;
	_ =	sdelay $0x1  }
0x93: {  	v0 =	vmax.f32 v0, $0.0e+00  }
0x94: {  	[tilespmem:s11+$0x0] =	vst v0  }
0x95: {  	v1 =	vld [tilespmem:s21+$0x40]  }
0x96: {  	v2 =	vld [tilespmem:s16+$0x4090]  }
0x97: {  	v3 =	vld [tilespmem:s10+$0x80]  }
0x98: {  	v0 =	vld [tilespmem:s10+$0xD0]  }
.Ltmp6:
0x99: {  	(pc) =	sbr.rel @!p0 .LBB2_8-.Ltmp6, $3  }
0x9a: {  	_ = 	snop  }
0x9b: {  	v1 =	vadd.f32 v2, v1;
	_ =	sdelay $0x1  }
0x9c: {  	v1 =	vadd.f32 v3, v1  }
.Ltmp7:
0x9d: {  	_ = 	snop;
	(pc) =	sbr.rel .LBB2_13-.Ltmp7, $3  }
0x9e: {  	v0 =	vadd.f32 v0, v1;
	_ =	sdelay $0x1  }
0x9f: {  	v0 =	vmax.f32 v0, $0.0e+00  }
0xa0: {  	[tilespmem:s13+$0x10] =	vst v0  }
.LBB2_3:
0xa1: {  	v0 =	vld [tilespmem:$0x0]  }
0xa2: {  	v1 =	vld [tilespmem:$0x4010]  }
0xa3: {  	v2 =	vld [tilespmem:$0x6120]  }
0xa4: {  	v3 =	vld [tilespmem:$0x6170]  }
0xa5: {  	v4 =	vld [tilespmem:$0x40]  }
0xa6: {  	v5 =	vld [tilespmem:$0x4010]  }
0xa7: {  	v6 =	vld [tilespmem:$0x61A0]  }
0xa8: {  	v7 =	vld [tilespmem:$0x61F0]  }
0xa9: {  	v8 =	vld [tilespmem:$0x80]  }
0xaa: {  	v9 =	vld [tilespmem:$0x4010]  }
0xab: {  	v10 =	vld [tilespmem:$0xC0]  }
0xac: {  	v11 =	vld [tilespmem:$0x4050]  }
0xad: {  	v12 =	vld [tilespmem:$0x6220]  }
0xae: {  	v0 =	vadd.f32 v1, v0;
	v1 =	vld [tilespmem:$0x62A0]  }
0xaf: {  	v61 =	vld [tilespmem:$0x6270];
	v4 =	vadd.f32 v5, v4  }
0xb0: {  	v62 =	vld [tilespmem:$0x62F0];
	v0 =	vadd.f32 v2, v0;
	v2 =	vadd.f32 v9, v8  }
0xb1: {  	v63 =	vadd.f32 v11, v10;
	v4 =	vadd.f32 v6, v4  }
0xb2: {  	v0 =	vadd.f32 v3, v0;
	v2 =	vadd.f32 v12, v2  }
0xb3: {  	v3 =	vadd.f32 v7, v4;
	v1 =	vadd.f32 v1, v63  }
0xb4: {  	v2 =	vadd.f32 v61, v2;
	v0 =	vmax.f32 v0, $0.0e+00  }
0xb5: {  	[tilespmem:$0xE180] =	vst v0;
	v0 =	vmax.f32 v3, $0.0e+00;
	v1 =	vadd.f32 v62, v1  }
0xb6: {  	[tilespmem:$0xE190] =	vst v0;
	v0 =	vmax.f32 v2, $0.0e+00  }
0xb7: {  	[tilespmem:$0xE1A0] =	vst v0;
	v0 =	vmax.f32 v1, $0.0e+00  }
0xb8: {  	s21 =	simm.s32 $0x4090;
	[tilespmem:$0xE1B0] =	vst v0  }
0xb9: {  	s10 =	simm.s32 $0x1C0;
	v0 =	vld [tilespmem:s21+$0xFFFFFFC0]  }
0xba: {  	v1 =	vld [tilespmem:s10+$0xFFFFFF40]  }
0xbb: {  	s11 =	simm.s32 $0x64F0  }
0xbc: {  	v2 =	vld [tilespmem:s11+$0xFFFFFE30];
	_ =	sdelay $0x1  }
0xbd: {  	v3 =	vld [tilespmem:s11+$0xFFFFFE80]  }
0xbe: {  	v0 =	vadd.f32 v0, v1;
	_ =	sdelay $0x1  }
0xbf: {  	v0 =	vadd.f32 v2, v0;
	_ =	sdelay $0x1  }
0xc0: {  	v0 =	vadd.f32 v3, v0;
	_ =	sdelay $0x1  }
0xc1: {  	s12 =	simm.s32 $0x0;
	v0 =	vmax.f32 v0, $0.0e+00  }
0xc2: {  	[tilespmem:s12+$0xE1C0] =	vst v0  }
0xc3: {  	v0 =	vld [tilespmem:s10+$0xFFFFFF80]  }
0xc4: {  	v1 =	vld [tilespmem:s21+$0x0];
	_ =	sdelay $0x1  }
0xc5: {  	v2 =	vld [tilespmem:s11+$0xFFFFFEB0];
	_ =	sdelay $0x1  }
0xc6: {  	v3 =	vld [tilespmem:s11+$0xFFFFFF00]  }
0xc7: {  	v0 =	vadd.f32 v1, v0;
	_ =	sdelay $0x1  }
0xc8: {  	v0 =	vadd.f32 v2, v0;
	_ =	sdelay $0x1  }
0xc9: {  	v0 =	vadd.f32 v3, v0;
	_ =	sdelay $0x1  }
0xca: {  	v0 =	vmax.f32 v0, $0.0e+00  }
0xcb: {  	[tilespmem:s12+$0xE1D0] =	vst v0  }
0xcc: {  	v0 =	vld [tilespmem:s10+$0xFFFFFFC0]  }
0xcd: {  	v1 =	vld [tilespmem:s21+$0x0];
	_ =	sdelay $0x1  }
0xce: {  	v2 =	vld [tilespmem:s11+$0xFFFFFF30];
	_ =	sdelay $0x1  }
0xcf: {  	v3 =	vld [tilespmem:s11+$0xFFFFFF80]  }
0xd0: {  	v0 =	vadd.f32 v1, v0;
	_ =	sdelay $0x1  }
0xd1: {  	v0 =	vadd.f32 v2, v0;
	_ =	sdelay $0x1  }
0xd2: {  	v0 =	vadd.f32 v3, v0;
	_ =	sdelay $0x1  }
0xd3: {  	v0 =	vmax.f32 v0, $0.0e+00  }
0xd4: {  	[tilespmem:s12+$0xE1E0] =	vst v0  }
0xd5: {  	v0 =	vld [tilespmem:s10+$0x0]  }
0xd6: {  	v1 =	vld [tilespmem:s21+$0x40];
	_ =	sdelay $0x2  }
0xd7: {  	v2 =	vld [tilespmem:s11+$0xFFFFFFB0];
	_ =	sdelay $0x1  }
0xd8: {  	v1 =	vadd.f32 v1, v0;
	v0 =	vld [tilespmem:s11+$0x0];
	_ =	sdelay $0x2  }
0xd9: {  	s13 =	simm.s32 $0x100;
	v1 =	vadd.f32 v2, v1  }
.LBB2_4:
0xda: {  	s21 =	sadd.s32 $0x80, s21;
	s10 =	sadd.s32 $0x100, s10;
	s11 =	sadd.s32 $0x200, s11  }
0xdb: {  	p0 =	sne.s32 s13, $0x1E00;
	s16 =	smov.u32 s13;
	s13 =	sadd.s32 $0x100, s13;
	v0 =	vadd.f32 v0, v1  }
0xdc: {  	_ = 	snop  }
0xdd: {  	v0 =	vmax.f32 v0, $0.0e+00  }
0xde: {  	[tilespmem:s12+$0xE1F0] =	vst v0  }
0xdf: {  	v0 =	vld [tilespmem:s21+$0xFFFFFFC0]  }
0xe0: {  	v1 =	vld [tilespmem:s10+$0xFFFFFF40];
	_ =	sdelay $0x1  }
0xe1: {  	v2 =	vld [tilespmem:s11+$0xFFFFFE30];
	_ =	sdelay $0x1  }
0xe2: {  	v3 =	vld [tilespmem:s11+$0xFFFFFE80]  }
0xe3: {  	v0 =	vadd.f32 v0, v1;
	_ =	sdelay $0x1  }
0xe4: {  	v0 =	vadd.f32 v2, v0;
	_ =	sdelay $0x1  }
0xe5: {  	v0 =	vadd.f32 v3, v0;
	_ =	sdelay $0x1  }
0xe6: {  	s12 =	sshra.s32 s16, $0x2;
	v0 =	vmax.f32 v0, $0.0e+00  }
0xe7: {  	[tilespmem:s12+$0xE1C0] =	vst v0  }
0xe8: {  	v0 =	vld [tilespmem:s10+$0xFFFFFF80]  }
0xe9: {  	v1 =	vld [tilespmem:s21+$0x0];
	_ =	sdelay $0x1  }
0xea: {  	v2 =	vld [tilespmem:s11+$0xFFFFFEB0];
	_ =	sdelay $0x1  }
0xeb: {  	v3 =	vld [tilespmem:s11+$0xFFFFFF00]  }
0xec: {  	v0 =	vadd.f32 v1, v0;
	_ =	sdelay $0x1  }
0xed: {  	v0 =	vadd.f32 v2, v0;
	_ =	sdelay $0x1  }
0xee: {  	v0 =	vadd.f32 v3, v0;
	_ =	sdelay $0x1  }
0xef: {  	v0 =	vmax.f32 v0, $0.0e+00  }
0xf0: {  	[tilespmem:s12+$0xE1D0] =	vst v0  }
0xf1: {  	v0 =	vld [tilespmem:s10+$0xFFFFFFC0]  }
0xf2: {  	v1 =	vld [tilespmem:s21+$0x0];
	_ =	sdelay $0x1  }
0xf3: {  	v2 =	vld [tilespmem:s11+$0xFFFFFF30];
	_ =	sdelay $0x1  }
0xf4: {  	v3 =	vld [tilespmem:s11+$0xFFFFFF80]  }
0xf5: {  	v0 =	vadd.f32 v1, v0;
	_ =	sdelay $0x1  }
0xf6: {  	v0 =	vadd.f32 v2, v0;
	_ =	sdelay $0x1  }
0xf7: {  	v0 =	vadd.f32 v3, v0;
	_ =	sdelay $0x1  }
0xf8: {  	v0 =	vmax.f32 v0, $0.0e+00  }
0xf9: {  	[tilespmem:s12+$0xE1E0] =	vst v0  }
0xfa: {  	v1 =	vld [tilespmem:s10+$0x0]  }
0xfb: {  	v2 =	vld [tilespmem:s21+$0x40]  }
0xfc: {  	v3 =	vld [tilespmem:s11+$0xFFFFFFB0]  }
0xfd: {  	v0 =	vld [tilespmem:s11+$0x0]  }
.Ltmp8:
0xfe: {  	(pc) =	sbr.rel @p0 .LBB2_4-.Ltmp8, $3  }
0xff: {  	_ = 	snop  }
0x100: {  	v1 =	vadd.f32 v2, v1;
	_ =	sdelay $0x1  }
0x101: {  	v1 =	vadd.f32 v3, v1  }
0x102: {  	_ = 	snop  }
0x103: {  	v0 =	vadd.f32 v0, v1;
	_ =	sdelay $0x1  }
0x104: {  	v0 =	vmax.f32 v0, $0.0e+00  }
0x105: {  	[tilespmem:s12+$0xE1F0] =	vst v0  }
0x106: {  	v0 =	vld [tilespmem:$0x0]  }
0x107: {  	v63 =	vld [tilespmem:$0xE110];
	_ =	sdelay $0x1  }
0x108: {  	v2 =	vld [tilespmem:$0x6120];
	_ =	sdelay $0x1  }
0x109: {  	v3 =	vld [tilespmem:$0x6170]  }
0x10a: {  	v0 =	vadd.f32 v63, v0;
	_ =	sdelay $0x1  }
0x10b: {  	v0 =	vadd.f32 v2, v0  }
.Ltmp9:
0x10c: {  	_ = 	snop;
	(pc) =	sbr.rel .LBB2_13-.Ltmp9, $3  }
0x10d: {  	v0 =	vadd.f32 v3, v0;
	_ =	sdelay $0x1  }
0x10e: {  	v0 =	vmax.f32 v0, $0.0e+00  }
0x10f: {  	[tilespmem:$0xE180] =	vst v0  }
.LBB2_10:
0x110: {  	v0 =	vld [tilespmem:$0xE120]  }
0x111: {  	v1 =	vld [tilespmem:$0xE130];
	s10 =	simm.s32 $0x80  }
0x112: {  	s12 =	simm.s32 $0x0;
	v2 =	vld [tilespmem:s10+$0xFFFFFF80]  }
0x113: {  	v3 =	vld [tilespmem:s12+$0x4010];
	_ =	sdelay $0x4  }
0x114: {  	v0 =	vadd.f32 v1, v0;
	v1 =	vadd.f32 v3, v2;
	_ =	sdelay $0x1  }
0x115: {  	v1 =	vadd.f32 v1, v0;
	_ =	sdelay $0x1  }
0x116: {  	s11 =	simm.s32 $0xE1A0;
	v1 =	vmax.f32 v1, $0.0e+00  }
0x117: {  	[tilespmem:s11+$0xFFFFFFE0] =	vst v1  }
0x118: {  	v1 =	vld [tilespmem:s10+$0xFFFFFFC0]  }
0x119: {  	v2 =	vld [tilespmem:s12+$0x4050];
	_ =	sdelay $0x4  }
0x11a: {  	v1 =	vadd.f32 v2, v1;
	_ =	sdelay $0x1  }
0x11b: {  	v1 =	vadd.f32 v1, v0;
	_ =	sdelay $0x1  }
0x11c: {  	v1 =	vmax.f32 v1, $0.0e+00  }
0x11d: {  	[tilespmem:s11+$0xFFFFFFF0] =	vst v1  }
0x11e: {  	v1 =	vld [tilespmem:s10+$0x0]  }
0x11f: {  	v2 =	vld [tilespmem:s12+$0x4050];
	_ =	sdelay $0x4  }
0x120: {  	v1 =	vadd.f32 v2, v1;
	_ =	sdelay $0x1  }
0x121: {  	v1 =	vadd.f32 v1, v0;
	_ =	sdelay $0x1  }
0x122: {  	v1 =	vmax.f32 v1, $0.0e+00  }
0x123: {  	[tilespmem:s11+$0x0] =	vst v1  }
0x124: {  	v1 =	vld [tilespmem:s10+$0x40]  }
0x125: {  	v2 =	vld [tilespmem:s12+$0x4090];
	_ =	sdelay $0x4  }
0x126: {  	s13 =	simm.s32 $0x200;
	s12 =	simm.s32 $0xE1A0;
	v1 =	vadd.f32 v2, v1  }
.LBB2_11:
0x127: {  	_ = 	snop  }
0x128: {  	p0 =	sne.s32 s13, $0x3E00;
	s11 =	sadd.s32 $0x40, s11;
	s10 =	sadd.s32 $0x100, s10;
	v1 =	vadd.f32 v1, v0  }
0x129: {  	s16 =	smov.u32 s13;
	s13 =	sadd.s32 $0x200, s13  }
0x12a: {  	v1 =	vmax.f32 v1, $0.0e+00  }
0x12b: {  	[tilespmem:s12+$0x10] =	vst v1;
	s12 =	smov.u32 s11  }
0x12c: {  	s16 =	sshra.s32 s16, $0x2;
	v1 =	vld [tilespmem:s10+$0xFFFFFF80]  }
0x12d: {  	v2 =	vld [tilespmem:s16+$0x4010];
	_ =	sdelay $0x4  }
0x12e: {  	v1 =	vadd.f32 v2, v1;
	_ =	sdelay $0x1  }
0x12f: {  	v1 =	vadd.f32 v1, v0;
	_ =	sdelay $0x1  }
0x130: {  	v1 =	vmax.f32 v1, $0.0e+00  }
0x131: {  	[tilespmem:s11+$0xFFFFFFE0] =	vst v1  }
0x132: {  	v1 =	vld [tilespmem:s10+$0xFFFFFFC0]  }
0x133: {  	v2 =	vld [tilespmem:s16+$0x4050];
	_ =	sdelay $0x4  }
0x134: {  	v1 =	vadd.f32 v2, v1;
	_ =	sdelay $0x1  }
0x135: {  	v1 =	vadd.f32 v1, v0;
	_ =	sdelay $0x1  }
0x136: {  	v1 =	vmax.f32 v1, $0.0e+00  }
0x137: {  	[tilespmem:s11+$0xFFFFFFF0] =	vst v1  }
0x138: {  	v1 =	vld [tilespmem:s10+$0x0]  }
0x139: {  	v2 =	vld [tilespmem:s16+$0x4050];
	_ =	sdelay $0x4  }
0x13a: {  	v1 =	vadd.f32 v2, v1;
	_ =	sdelay $0x1  }
0x13b: {  	v1 =	vadd.f32 v1, v0;
	_ =	sdelay $0x1  }
0x13c: {  	v1 =	vmax.f32 v1, $0.0e+00  }
0x13d: {  	[tilespmem:s11+$0x0] =	vst v1  }
0x13e: {  	v1 =	vld [tilespmem:s10+$0x40]  }
0x13f: {  	v2 =	vld [tilespmem:s16+$0x4090]  }
.Ltmp10:
0x140: {  	(pc) =	sbr.rel @p0 .LBB2_11-.Ltmp10, $2  }
0x141: {  	_ =	sdelay $0x2  }
0x142: {  	v1 =	vadd.f32 v2, v1  }
0x143: {  	_ = 	snop  }
0x144: {  	v0 =	vadd.f32 v1, v0;
	_ =	sdelay $0x1  }
0x145: {  	v0 =	vmax.f32 v0, $0.0e+00  }
0x146: {  	[tilespmem:s12+$0x10] =	vst v0  }
.LBB2_13:
0x147: {  	p0 =	seq.s32 s1, $0x0  }
0x148: {  	s10 =	simm.s32 @!p0 $0x3  }
0x149: {  	s11 =	sadd.s32 s6, s20;
	_ =	swait.ge @!p0 [sflag:s10], $0x800  }
0x14a: {  	p1 =	seq.s32 s1, $0xF;
	s11 =	sshll.u32 s11, $0x1;
	[sflag:s10] =	ssyncset.done @!p0 $0x0  }
0x14b: {  	s21 =	sadd.s32 s2, s11;
	[sflag:s10] =	ssyncadd.s32 @!p0 $0xFFFFF800;
	s10 =	sadd.s32 @!p1 s20, s14  }
0x14c: {  	[hbm4b:s21+s3] =	stream.linear.scatter [tilespmem:s26], [sflag:$0x3], $0x800, $0x38;
	[tilespmem:$0xF180] =	vst v63  }
0x14d: {  	s11 =	sadd.s32 @!p1 s7, s10  }
0x14e: {  	s11 =	sshll.u32 @!p1 s11, $0x3  }
0x14f: {  	s13 =	simm.s32 @!p1 $0x0;
	s12 =	sshrl.u32 @!p1 s10, $0x1;
	s11 =	sand.u32 @!p1 $0x1FFFF800, s11  }
0x150: {  	s10 =	sshllo.u32 @!p1 s10, $0x1;
	s12 =	sadd.s32 @!p1 s12, s9;
	s11 =	sadd.s32 @!p1 s4, s11  }
0x151: {  	[tilespmem:s13], [sflag:$0x1] =	stream.linear.gather @!p1 [hbm4b:s11+s13], $0x2000, $0x38;
	[tilespmem:$0xF180] =	vst v63  }
0x152: {  	s10 =	smin.u32 @!p1 s10, $0x3F00;
	s11 =	sshll.u32 @!p1 s12, $0x3  }
0x153: {  	s10 =	sor.u32 @!p1 s7, s10;
	s11 =	sand.u32 @!p1 $0x1FFFFFF8, s11  }
0x154: {  	s10 =	sshll.u32 @!p1 s10, $0x3;
	s12 =	simm.s32 @!p1 $0x4000;
	s11 =	sadd.s32 @!p1 s4, s11  }
0x155: {  	[tilespmem:s12], [sflag:$0x1] =	stream.linear.gather @!p1 [hbm4b:s11+s13], $0x1080, $0x38;
	[tilespmem:$0xF180] =	vst v63  }
0x156: {  	s10 =	sadd.s32 @!p1 s4, s10;
	s11 =	simm.s32 @!p1 $0x6100  }
0x157: {  	[tilespmem:s11], [sflag:$0x1] =	stream.linear.gather @!p1 [hbm4b:s10+s13], $0x4000, $0x38;
	[tilespmem:$0xF180] =	vst v63  }
0x158: {  	_ =	swait.ge [sflag:s28], $0x2000  }
0x159: {  	[sflag:s28] =	ssyncset.done $0x0  }
0x15a: {  	[sflag:s28] =	ssyncadd.s32 $0xFFFFE000  }
0x15b: {  	p1 =	sgt.u32 s19, $0x1F7F;
	_ =	swait.ge [sflag:s28], $0x1080  }
.Ltmp11:
0x15c: {  	[sflag:s28] =	ssyncset.done $0x0;
	(pc) =	sbr.rel @p1 .LBB2_17-.Ltmp11, $4  }
0x15d: {  	[sflag:s28] =	ssyncadd.s32 $0xFFFFEF80  }
0x15e: {  	_ =	swait.ge [sflag:s28], $0x4000  }
0x15f: {  	[sflag:s28] =	ssyncset.done $0x0  }
0x160: {  	[sflag:s28] =	ssyncadd.s32 $0xFFFFC000  }
0x161: {  	s19 =	simm.s32 $0x5110  }
0x162: {  	s20 =	simm.s32 $0x20C0;
	v0 =	vld [tilespmem:s19+$0xFFFFFF80]  }
0x163: {  	v1 =	vld [tilespmem:s20+$0xFFFFFF40]  }
0x164: {  	s12 =	simm.s32 $0x0  }
0x165: {  	v2 =	vld [tilespmem:s12+$0xA120];
	_ =	sdelay $0x1  }
0x166: {  	v3 =	vld [tilespmem:s12+$0xA170]  }
0x167: {  	v0 =	vadd.f32 v0, v1;
	_ =	sdelay $0x1  }
0x168: {  	v0 =	vadd.f32 v2, v0;
	_ =	sdelay $0x1  }
0x169: {  	v0 =	vadd.f32 v3, v0;
	_ =	sdelay $0x1  }
0x16a: {  	s10 =	simm.s32 $0xE9B0;
	v0 =	vmax.f32 v0, $0.0e+00  }
0x16b: {  	[tilespmem:s10+$0xFFFFFFD0] =	vst v0  }
0x16c: {  	v0 =	vld [tilespmem:s20+$0xFFFFFF80]  }
0x16d: {  	v1 =	vld [tilespmem:s19+$0xFFFFFFC0];
	_ =	sdelay $0x1  }
0x16e: {  	v2 =	vld [tilespmem:s12+$0xA1A0];
	_ =	sdelay $0x1  }
0x16f: {  	v3 =	vld [tilespmem:s12+$0xA1F0]  }
0x170: {  	v0 =	vadd.f32 v1, v0;
	_ =	sdelay $0x1  }
0x171: {  	v0 =	vadd.f32 v2, v0;
	_ =	sdelay $0x1  }
0x172: {  	v0 =	vadd.f32 v3, v0;
	_ =	sdelay $0x1  }
0x173: {  	v0 =	vmax.f32 v0, $0.0e+00  }
0x174: {  	[tilespmem:s10+$0xFFFFFFE0] =	vst v0  }
0x175: {  	v0 =	vld [tilespmem:s20+$0xFFFFFFC0]  }
0x176: {  	v1 =	vld [tilespmem:s19+$0xFFFFFFC0];
	_ =	sdelay $0x1  }
0x177: {  	v2 =	vld [tilespmem:s12+$0xA220];
	_ =	sdelay $0x1  }
0x178: {  	v3 =	vld [tilespmem:s12+$0xA270]  }
0x179: {  	v0 =	vadd.f32 v1, v0;
	_ =	sdelay $0x1  }
0x17a: {  	v0 =	vadd.f32 v2, v0;
	_ =	sdelay $0x1  }
0x17b: {  	v0 =	vadd.f32 v3, v0;
	_ =	sdelay $0x1  }
0x17c: {  	v0 =	vmax.f32 v0, $0.0e+00  }
0x17d: {  	[tilespmem:s10+$0xFFFFFFF0] =	vst v0  }
0x17e: {  	v0 =	vld [tilespmem:s20+$0x0]  }
0x17f: {  	v1 =	vld [tilespmem:s19+$0x0];
	_ =	sdelay $0x2  }
0x180: {  	v2 =	vld [tilespmem:s12+$0xA2A0];
	_ =	sdelay $0x1  }
0x181: {  	v1 =	vadd.f32 v1, v0;
	v0 =	vld [tilespmem:s12+$0xA2F0];
	_ =	sdelay $0x2  }
0x182: {  	s11 =	simm.s32 $0x800;
	s12 =	simm.s32 $0xE9B0;
	v1 =	vadd.f32 v2, v1  }
.LBB2_15:
0x183: {  	s19 =	sadd.s32 $0x80, s19;
	s10 =	sadd.s32 $0x40, s10;
	s20 =	sadd.s32 $0x100, s20  }
0x184: {  	p1 =	seq.s32 s11, $0xF800;
	s13 =	smov.u32 s11;
	s11 =	sadd.s32 $0x800, s11;
	v0 =	vadd.f32 v0, v1  }
0x185: {  	_ = 	snop  }
0x186: {  	v0 =	vmax.f32 v0, $0.0e+00  }
0x187: {  	[tilespmem:s12+$0x0] =	vst v0;
	s12 =	smov.u32 s10  }
0x188: {  	v0 =	vld [tilespmem:s19+$0xFFFFFF80]  }
0x189: {  	v1 =	vld [tilespmem:s20+$0xFFFFFF40]  }
0x18a: {  	s13 =	sshra.s32 s13, $0x2  }
0x18b: {  	v2 =	vld [tilespmem:s13+$0xA120];
	_ =	sdelay $0x1  }
0x18c: {  	v3 =	vld [tilespmem:s13+$0xA170]  }
0x18d: {  	v0 =	vadd.f32 v0, v1;
	_ =	sdelay $0x1  }
0x18e: {  	v0 =	vadd.f32 v2, v0;
	_ =	sdelay $0x1  }
0x18f: {  	v0 =	vadd.f32 v3, v0;
	_ =	sdelay $0x1  }
0x190: {  	v0 =	vmax.f32 v0, $0.0e+00  }
0x191: {  	[tilespmem:s10+$0xFFFFFFD0] =	vst v0  }
0x192: {  	v0 =	vld [tilespmem:s20+$0xFFFFFF80]  }
0x193: {  	v1 =	vld [tilespmem:s19+$0xFFFFFFC0];
	_ =	sdelay $0x1  }
0x194: {  	v2 =	vld [tilespmem:s13+$0xA1A0];
	_ =	sdelay $0x1  }
0x195: {  	v3 =	vld [tilespmem:s13+$0xA1F0]  }
0x196: {  	v0 =	vadd.f32 v1, v0;
	_ =	sdelay $0x1  }
0x197: {  	v0 =	vadd.f32 v2, v0;
	_ =	sdelay $0x1  }
0x198: {  	v0 =	vadd.f32 v3, v0;
	_ =	sdelay $0x1  }
0x199: {  	v0 =	vmax.f32 v0, $0.0e+00  }
0x19a: {  	[tilespmem:s10+$0xFFFFFFE0] =	vst v0  }
0x19b: {  	v0 =	vld [tilespmem:s20+$0xFFFFFFC0]  }
0x19c: {  	v1 =	vld [tilespmem:s19+$0xFFFFFFC0];
	_ =	sdelay $0x1  }
0x19d: {  	v2 =	vld [tilespmem:s13+$0xA220];
	_ =	sdelay $0x1  }
0x19e: {  	v3 =	vld [tilespmem:s13+$0xA270]  }
0x19f: {  	v0 =	vadd.f32 v1, v0;
	_ =	sdelay $0x1  }
0x1a0: {  	v0 =	vadd.f32 v2, v0;
	_ =	sdelay $0x1  }
0x1a1: {  	v0 =	vadd.f32 v3, v0;
	_ =	sdelay $0x1  }
0x1a2: {  	v0 =	vmax.f32 v0, $0.0e+00  }
0x1a3: {  	[tilespmem:s10+$0xFFFFFFF0] =	vst v0  }
0x1a4: {  	v1 =	vld [tilespmem:s20+$0x0]  }
0x1a5: {  	v2 =	vld [tilespmem:s19+$0x0]  }
0x1a6: {  	v3 =	vld [tilespmem:s13+$0xA2A0]  }
0x1a7: {  	v0 =	vld [tilespmem:s13+$0xA2F0]  }
.Ltmp12:
0x1a8: {  	(pc) =	sbr.rel @!p1 .LBB2_15-.Ltmp12, $3  }
0x1a9: {  	_ = 	snop  }
0x1aa: {  	v1 =	vadd.f32 v2, v1;
	_ =	sdelay $0x1  }
0x1ab: {  	v1 =	vadd.f32 v3, v1  }
.Ltmp13:
0x1ac: {  	_ = 	snop;
	(pc) =	sbr.rel .LBB2_27-.Ltmp13, $3  }
0x1ad: {  	v0 =	vadd.f32 v0, v1;
	_ =	sdelay $0x1  }
0x1ae: {  	v0 =	vmax.f32 v0, $0.0e+00  }
0x1af: {  	[tilespmem:s12+$0x0] =	vst v0  }
.LBB2_17:
0x1b0: {  	p1 =	sne.s32 s19, $0x1F80  }
.Ltmp14:
0x1b1: {  	_ = 	snop;
	(pc) =	sbr.rel @p1 .LBB2_21-.Ltmp14, $1  }
0x1b2: {  	_ =	sdelay $0x3  }
0x1b3: {  	s10 =	simm.s32 $0x0  }
0x1b4: {  	[tilespmem:s24], [sflag:$0x5] =	stream.linear.gather [hbm4b:s15+s10], $0x3FC0, $0x38;
	[tilespmem:$0xF180] =	vst v63  }
0x1b5: {  	_ =	swait.ge [sflag:s18], $0x3FC0  }
0x1b6: {  	[sflag:s18] =	ssyncset.done $0x0  }
0x1b7: {  	s19 =	simm.s32 $0x5110;
	[sflag:s18] =	ssyncadd.s32 $0xFFFFC040  }
0x1b8: {  	s20 =	simm.s32 $0x20C0;
	v0 =	vld [tilespmem:s19+$0xFFFFFF80]  }
0x1b9: {  	v1 =	vld [tilespmem:s20+$0xFFFFFF40]  }
0x1ba: {  	s12 =	simm.s32 $0x0  }
0x1bb: {  	v2 =	vld [tilespmem:s12+$0xA120];
	_ =	sdelay $0x1  }
0x1bc: {  	v3 =	vld [tilespmem:s12+$0xA170]  }
0x1bd: {  	v0 =	vadd.f32 v0, v1;
	_ =	sdelay $0x1  }
0x1be: {  	v0 =	vadd.f32 v2, v0;
	_ =	sdelay $0x1  }
0x1bf: {  	v0 =	vadd.f32 v3, v0;
	_ =	sdelay $0x1  }
0x1c0: {  	s10 =	simm.s32 $0xE9B0;
	v0 =	vmax.f32 v0, $0.0e+00  }
0x1c1: {  	[tilespmem:s10+$0xFFFFFFD0] =	vst v0  }
0x1c2: {  	v0 =	vld [tilespmem:s20+$0xFFFFFF80]  }
0x1c3: {  	v1 =	vld [tilespmem:s19+$0xFFFFFFC0];
	_ =	sdelay $0x1  }
0x1c4: {  	v2 =	vld [tilespmem:s12+$0xA1A0];
	_ =	sdelay $0x1  }
0x1c5: {  	v3 =	vld [tilespmem:s12+$0xA1F0]  }
0x1c6: {  	v0 =	vadd.f32 v1, v0;
	_ =	sdelay $0x1  }
0x1c7: {  	v0 =	vadd.f32 v2, v0;
	_ =	sdelay $0x1  }
0x1c8: {  	v0 =	vadd.f32 v3, v0;
	_ =	sdelay $0x1  }
0x1c9: {  	v0 =	vmax.f32 v0, $0.0e+00  }
0x1ca: {  	[tilespmem:s10+$0xFFFFFFE0] =	vst v0  }
0x1cb: {  	v0 =	vld [tilespmem:s20+$0xFFFFFFC0]  }
0x1cc: {  	v1 =	vld [tilespmem:s19+$0xFFFFFFC0];
	_ =	sdelay $0x1  }
0x1cd: {  	v2 =	vld [tilespmem:s12+$0xA220];
	_ =	sdelay $0x1  }
0x1ce: {  	v3 =	vld [tilespmem:s12+$0xA270]  }
0x1cf: {  	v0 =	vadd.f32 v1, v0;
	_ =	sdelay $0x1  }
0x1d0: {  	v0 =	vadd.f32 v2, v0;
	_ =	sdelay $0x1  }
0x1d1: {  	v0 =	vadd.f32 v3, v0;
	_ =	sdelay $0x1  }
0x1d2: {  	v0 =	vmax.f32 v0, $0.0e+00  }
0x1d3: {  	[tilespmem:s10+$0xFFFFFFF0] =	vst v0  }
0x1d4: {  	v0 =	vld [tilespmem:s20+$0x0]  }
0x1d5: {  	v1 =	vld [tilespmem:s19+$0x0];
	_ =	sdelay $0x2  }
0x1d6: {  	v2 =	vld [tilespmem:s12+$0xA2A0];
	_ =	sdelay $0x1  }
0x1d7: {  	v1 =	vadd.f32 v1, v0;
	v0 =	vld [tilespmem:s12+$0xA2F0];
	_ =	sdelay $0x2  }
0x1d8: {  	s11 =	simm.s32 $0x800;
	s12 =	simm.s32 $0xE9B0;
	v1 =	vadd.f32 v2, v1  }
.LBB2_19:
0x1d9: {  	s19 =	sadd.s32 $0x80, s19;
	s10 =	sadd.s32 $0x40, s10;
	s20 =	sadd.s32 $0x100, s20  }
0x1da: {  	p1 =	sne.s32 s11, $0xF800;
	s13 =	smov.u32 s11;
	s11 =	sadd.s32 $0x800, s11;
	v0 =	vadd.f32 v0, v1  }
0x1db: {  	_ = 	snop  }
0x1dc: {  	v0 =	vmax.f32 v0, $0.0e+00  }
0x1dd: {  	[tilespmem:s12+$0x0] =	vst v0;
	s12 =	smov.u32 s10  }
0x1de: {  	v0 =	vld [tilespmem:s19+$0xFFFFFF80]  }
0x1df: {  	v1 =	vld [tilespmem:s20+$0xFFFFFF40]  }
0x1e0: {  	s13 =	sshra.s32 s13, $0x2  }
0x1e1: {  	v2 =	vld [tilespmem:s13+$0xA120];
	_ =	sdelay $0x1  }
0x1e2: {  	v3 =	vld [tilespmem:s13+$0xA170]  }
0x1e3: {  	v0 =	vadd.f32 v0, v1;
	_ =	sdelay $0x1  }
0x1e4: {  	v0 =	vadd.f32 v2, v0;
	_ =	sdelay $0x1  }
0x1e5: {  	v0 =	vadd.f32 v3, v0;
	_ =	sdelay $0x1  }
0x1e6: {  	v0 =	vmax.f32 v0, $0.0e+00  }
0x1e7: {  	[tilespmem:s10+$0xFFFFFFD0] =	vst v0  }
0x1e8: {  	v0 =	vld [tilespmem:s20+$0xFFFFFF80]  }
0x1e9: {  	v1 =	vld [tilespmem:s19+$0xFFFFFFC0];
	_ =	sdelay $0x1  }
0x1ea: {  	v2 =	vld [tilespmem:s13+$0xA1A0];
	_ =	sdelay $0x1  }
0x1eb: {  	v3 =	vld [tilespmem:s13+$0xA1F0]  }
0x1ec: {  	v0 =	vadd.f32 v1, v0;
	_ =	sdelay $0x1  }
0x1ed: {  	v0 =	vadd.f32 v2, v0;
	_ =	sdelay $0x1  }
0x1ee: {  	v0 =	vadd.f32 v3, v0;
	_ =	sdelay $0x1  }
0x1ef: {  	v0 =	vmax.f32 v0, $0.0e+00  }
0x1f0: {  	[tilespmem:s10+$0xFFFFFFE0] =	vst v0  }
0x1f1: {  	v0 =	vld [tilespmem:s20+$0xFFFFFFC0]  }
0x1f2: {  	v1 =	vld [tilespmem:s19+$0xFFFFFFC0];
	_ =	sdelay $0x1  }
0x1f3: {  	v2 =	vld [tilespmem:s13+$0xA220];
	_ =	sdelay $0x1  }
0x1f4: {  	v3 =	vld [tilespmem:s13+$0xA270]  }
0x1f5: {  	v0 =	vadd.f32 v1, v0;
	_ =	sdelay $0x1  }
0x1f6: {  	v0 =	vadd.f32 v2, v0;
	_ =	sdelay $0x1  }
0x1f7: {  	v0 =	vadd.f32 v3, v0;
	_ =	sdelay $0x1  }
0x1f8: {  	v0 =	vmax.f32 v0, $0.0e+00  }
0x1f9: {  	[tilespmem:s10+$0xFFFFFFF0] =	vst v0  }
0x1fa: {  	v1 =	vld [tilespmem:s20+$0x0]  }
0x1fb: {  	v2 =	vld [tilespmem:s19+$0x0]  }
0x1fc: {  	v3 =	vld [tilespmem:s13+$0xA2A0]  }
0x1fd: {  	v0 =	vld [tilespmem:s13+$0xA2F0]  }
.Ltmp15:
0x1fe: {  	(pc) =	sbr.rel @p1 .LBB2_19-.Ltmp15, $3  }
0x1ff: {  	_ = 	snop  }
0x200: {  	v1 =	vadd.f32 v2, v1;
	_ =	sdelay $0x1  }
0x201: {  	v1 =	vadd.f32 v3, v1  }
0x202: {  	_ = 	snop  }
0x203: {  	v0 =	vadd.f32 v0, v1;
	_ =	sdelay $0x1  }
0x204: {  	v0 =	vmax.f32 v0, $0.0e+00  }
0x205: {  	[tilespmem:s12+$0x0] =	vst v0  }
0x206: {  	v0 =	vld [tilespmem:$0x3FC0]  }
0x207: {  	v1 =	vld [tilespmem:$0x6090];
	_ =	sdelay $0x1  }
0x208: {  	v2 =	vld [tilespmem:$0xE120];
	_ =	sdelay $0x1  }
0x209: {  	v3 =	vld [tilespmem:$0xE130]  }
0x20a: {  	v0 =	vadd.f32 v1, v0  }
.Ltmp16:
0x20b: {  	_ = 	snop;
	(pc) =	sbr.rel .LBB2_26-.Ltmp16, $2  }
0x20c: {  	v0 =	vadd.f32 v2, v0;
	_ =	sdelay $0x1  }
0x20d: {  	v0 =	vadd.f32 v3, v0;
	_ =	sdelay $0x1  }
.LBB2_21:
0x20e: {  	p1 =	slt.u32 s19, $0x1FFF  }
.Ltmp17:
0x20f: {  	_ = 	snop;
	(pc) =	sbr.rel @p1 .LBB2_27-.Ltmp17, $1  }
0x210: {  	_ =	sdelay $0x3  }
0x211: {  	v0 =	vld [tilespmem:$0xE120]  }
0x212: {  	v1 =	vld [tilespmem:$0xE130];
	s10 =	simm.s32 $0x20C0  }
0x213: {  	s11 =	simm.s32 $0x5110;
	v2 =	vld [tilespmem:s10+$0xFFFFFF40]  }
0x214: {  	v3 =	vld [tilespmem:s11+$0xFFFFFF80];
	_ =	sdelay $0x4  }
0x215: {  	v0 =	vadd.f32 v1, v0;
	v1 =	vadd.f32 v3, v2;
	_ =	sdelay $0x1  }
0x216: {  	v1 =	vadd.f32 v1, v0;
	_ =	sdelay $0x1  }
0x217: {  	s12 =	simm.s32 $0x0;
	v1 =	vmax.f32 v1, $0.0e+00  }
0x218: {  	[tilespmem:s12+$0xE980] =	vst v1  }
0x219: {  	v1 =	vld [tilespmem:s10+$0xFFFFFF80]  }
0x21a: {  	v2 =	vld [tilespmem:s11+$0xFFFFFFC0];
	_ =	sdelay $0x4  }
0x21b: {  	v1 =	vadd.f32 v2, v1;
	_ =	sdelay $0x1  }
0x21c: {  	v1 =	vadd.f32 v1, v0;
	_ =	sdelay $0x1  }
0x21d: {  	v1 =	vmax.f32 v1, $0.0e+00  }
0x21e: {  	[tilespmem:s12+$0xE990] =	vst v1  }
0x21f: {  	v1 =	vld [tilespmem:s10+$0xFFFFFFC0]  }
0x220: {  	v2 =	vld [tilespmem:s11+$0xFFFFFFC0];
	_ =	sdelay $0x4  }
0x221: {  	v1 =	vadd.f32 v2, v1;
	_ =	sdelay $0x1  }
0x222: {  	v1 =	vadd.f32 v1, v0;
	_ =	sdelay $0x1  }
0x223: {  	v1 =	vmax.f32 v1, $0.0e+00  }
0x224: {  	[tilespmem:s12+$0xE9A0] =	vst v1  }
0x225: {  	v1 =	vld [tilespmem:s10+$0x0]  }
0x226: {  	v2 =	vld [tilespmem:s11+$0x0];
	_ =	sdelay $0x4  }
0x227: {  	s13 =	simm.s32 $0x100;
	v1 =	vadd.f32 v2, v1  }
.LBB2_23:
0x228: {  	_ = 	snop  }
0x229: {  	p1 =	sne.s32 s13, $0x1F00;
	s11 =	sadd.s32 $0x80, s11;
	s10 =	sadd.s32 $0x100, s10;
	v1 =	vadd.f32 v1, v0  }
0x22a: {  	s16 =	smov.u32 s13;
	s13 =	sadd.s32 $0x100, s13  }
0x22b: {  	v1 =	vmax.f32 v1, $0.0e+00  }
0x22c: {  	[tilespmem:s12+$0xE9B0] =	vst v1  }
0x22d: {  	v1 =	vld [tilespmem:s10+$0xFFFFFF40]  }
0x22e: {  	v2 =	vld [tilespmem:s11+$0xFFFFFF80];
	_ =	sdelay $0x4  }
0x22f: {  	v1 =	vadd.f32 v2, v1;
	_ =	sdelay $0x1  }
0x230: {  	v1 =	vadd.f32 v1, v0;
	_ =	sdelay $0x1  }
0x231: {  	s12 =	sshra.s32 s16, $0x2;
	v1 =	vmax.f32 v1, $0.0e+00  }
0x232: {  	[tilespmem:s12+$0xE980] =	vst v1  }
0x233: {  	v1 =	vld [tilespmem:s10+$0xFFFFFF80]  }
0x234: {  	v2 =	vld [tilespmem:s11+$0xFFFFFFC0];
	_ =	sdelay $0x4  }
0x235: {  	v1 =	vadd.f32 v2, v1;
	_ =	sdelay $0x1  }
0x236: {  	v1 =	vadd.f32 v1, v0;
	_ =	sdelay $0x1  }
0x237: {  	v1 =	vmax.f32 v1, $0.0e+00  }
0x238: {  	[tilespmem:s12+$0xE990] =	vst v1  }
0x239: {  	v1 =	vld [tilespmem:s10+$0xFFFFFFC0]  }
0x23a: {  	v2 =	vld [tilespmem:s11+$0xFFFFFFC0];
	_ =	sdelay $0x4  }
0x23b: {  	v1 =	vadd.f32 v2, v1;
	_ =	sdelay $0x1  }
0x23c: {  	v1 =	vadd.f32 v1, v0;
	_ =	sdelay $0x1  }
0x23d: {  	v1 =	vmax.f32 v1, $0.0e+00  }
0x23e: {  	[tilespmem:s12+$0xE9A0] =	vst v1  }
0x23f: {  	v1 =	vld [tilespmem:s10+$0x0]  }
0x240: {  	v2 =	vld [tilespmem:s11+$0x0]  }
.Ltmp18:
0x241: {  	(pc) =	sbr.rel @p1 .LBB2_23-.Ltmp18, $2  }
0x242: {  	_ =	sdelay $0x2  }
0x243: {  	v1 =	vadd.f32 v2, v1  }
0x244: {  	p1 =	sne.s32 s19, $0x3F80  }
.Ltmp19:
0x245: {  	_ = 	snop;
	(pc) =	sbr.rel @p1 .LBB2_27-.Ltmp19, $3  }
0x246: {  	v0 =	vadd.f32 v1, v0;
	_ =	sdelay $0x1  }
0x247: {  	v0 =	vmax.f32 v0, $0.0e+00  }
0x248: {  	[tilespmem:s12+$0xE9B0] =	vst v0  }
0x249: {  	v0 =	vld [tilespmem:$0xE140]  }
0x24a: {  	v1 =	vld [tilespmem:$0xE150];
	_ =	sdelay $0x1  }
0x24b: {  	v2 =	vld [tilespmem:$0xE160];
	_ =	sdelay $0x1  }
0x24c: {  	v3 =	vld [tilespmem:$0xE170]  }
0x24d: {  	v0 =	vadd.f32 v1, v0  }
.Ltmp20:
0x24e: {  	_ = 	snop;
	(pc) =	sbr.rel .LBB2_26-.Ltmp20, $2  }
0x24f: {  	v0 =	vadd.f32 v2, v0;
	_ =	sdelay $0x1  }
0x250: {  	v0 =	vadd.f32 v3, v0;
	_ =	sdelay $0x1  }
.LBB2_29:
0x251: {  	_ =	sfence.sel $0x180000  }
0x252: {  	[bflag:$0x0] =	sbarrier.arrive $0xFFFF  }
0x253: {  	_ =	strace $0x90000047  }
0x254: {  	s0 =	stileid.u32;
	[bflag:$0x2] =	sbarrier.arrive $0xFFFF  }
0x255: {  	p0 =	sne.s32 s0, $0x0;
	s0 =	rddreg [dreg:$0x2]  }
0x256: {  	s0 =	sadd.s32 @!p0 $0x100000, s0  }
0x257: {  	[sflag:s0] =	ssyncadd.tile.s32 @!p0 $0x1;
	_ =	shalt  }
.Lfunc_end2:
_tile_overlayer_lowered:
.L_overlay_start_2:
0x258: {  	(tag) =	ssettag $0x2  }
0x259: {  	s0 =	rddreg [dreg:$0x0];
	s2 =	stileid.u32  }
0x25a: {  	s1 =	rddreg [dreg:$0x1];
	p0 =	sne.s32 s2, $0x0  }
0x25b: {  	s3 =	rddreg [dreg:$0x2];
	[bflag:$0x3] =	sbarrier.arrive $0xFFFF;
	s2 =	simm.s32 @!p0 $0x1C05  }
0x25c: {  	[timem:s3], [sflag:s2] =	dma.local @!p0 [hbm:s0], s1  }
0x25d: {  	s0 =	simm.s32 @!p0 $0x5  }
0x25e: {  	_ =	swait.ge @!p0 [sflag:s0], s1  }
0x25f: {  	s1 =	ssub.s32 @!p0 $0x0, s1;
	[sflag:s0] =	ssyncset.done @!p0 $0x0  }
0x260: {  	[sflag:s0] =	ssyncadd.s32 @!p0 s1  }
0x261: {  	[bflag:$0x3] =	sbarrier.arrive $0xFFFF  }
0x262: {  	_ =	shalt  }

</sc_bundles>
